<compile_context>
chip_gen: v7x
topology: tpu7x:2x2x1
jax: 0.10.2.dev20260603
libtpu: 0.0.44.dev20260713+nightly
codegen_flags: <defaults>
</compile_context>

<pallas_src>
import functools

import jax
import jax.numpy as jnp
from jax import lax
from jax.experimental import pallas as pl
from jax.experimental.pallas import tpu as pltpu
from jax.experimental.pallas import tpu_sc as plsc

_N, _D, _G = 10000, 256, 64
_R = 5000
_CH = 128
_NCHUNK = _N // _CH
_REM = _N - _NCHUNK * _CH
_KMAX = (_NCHUNK + 15) // 16



def _tc_body(x_ref, mask_ref, xm_ref):
    s = jax.nn.sigmoid(mask_ref[...])
    xm_ref[...] = x_ref[...] * s


def _tc_xm(x, mask2):
    return pl.pallas_call(
        _tc_body,
        grid=(_N // _R,),
        in_specs=[
            pl.BlockSpec((_R, _D), lambda i: (i, 0)),
            pl.BlockSpec((1, _D), lambda i: (0, 0)),
        ],
        out_specs=pl.BlockSpec((_R, _D), lambda i: (i, 0)),
        out_shape=jax.ShapeDtypeStruct((_N, _D), jnp.float32),
    )(x, mask2)



_MESH = plsc.VectorSubcoreMesh(core_axis_name="c", subcore_axis_name="s")


@functools.partial(
    pl.kernel,
    mesh=_MESH,
    out_type=jax.ShapeDtypeStruct((_G, _D), jnp.float32),
    scratch_types=[
        pltpu.VMEM((_KMAX, _CH, 128), jnp.float32),
        pltpu.VMEM((_KMAX, _CH), jnp.int32),
        pltpu.VMEM((_REM, 128), jnp.float32),
        pltpu.VMEM((_REM,), jnp.int32),
        pltpu.VMEM_SHARED((_G, 128), jnp.float32),
        pltpu.VMEM((4, 128), jnp.float32),
        pltpu.VMEM((128,), jnp.float32),
        pltpu.SemaphoreType.DMA,
        pltpu.SemaphoreType.DMA,
        pltpu.SemaphoreType.DMA,
    ],
)
def _sc_segsum(x_hbm, b_hbm, mask_hbm, m_hbm,
               xb, idxb, xrem, idxrem, acc, loc, sv,
               gsem, ssem, isem):
    c = lax.axis_index("c")
    s = lax.axis_index("s")
    col = c * 128

    idx_dmas, gathers = [], []
    for k in range(_KMAX):
        chunk = k * 16 + s
        cond = chunk < _NCHUNK

        base = pl.multiple_of(chunk * _CH, _CH)

        @pl.when(cond)
        def _():
            di = pltpu.async_copy(
                b_hbm.at[pl.ds(base, _CH)], idxb.at[k], isem)
            dg = pltpu.async_copy(
                x_hbm.at[pl.ds(base, _CH), pl.ds(col, 128)],
                xb.at[k], gsem)
            idx_dmas.append((cond, di))
            gathers.append((cond, dg))

    zeros16 = jnp.zeros((16,), jnp.float32)
    for r in range(4):
        for g in range(8):
            loc[r, pl.ds(16 * g, 16)] = zeros16
    pltpu.sync_copy(loc, acc.at[pl.ds(s * 4, 4)])
    plsc.subcore_barrier()

    for cond, di in idx_dmas:
        @pl.when(cond)
        def _():
            di.wait()
    for cond, dg in gathers:
        @pl.when(cond)
        def _():
            dg.wait()

    scatters = []
    for k in range(_KMAX):
        chunk = k * 16 + s
        cond = chunk < _NCHUNK

        @pl.when(cond)
        def _():
            ds_ = pltpu.async_copy(xb.at[k], acc.at[idxb.at[k]], ssem,
                                   add=True)
            scatters.append((cond, ds_))

    @pl.when(s == 15)
    def _():
        base = _NCHUNK * _CH
        pltpu.sync_copy(b_hbm.at[pl.ds(base, _REM)], idxrem)
        pltpu.sync_copy(x_hbm.at[pl.ds(base, _REM), pl.ds(col, 128)], xrem)
        pltpu.sync_copy(xrem, acc.at[idxrem], add=True)

    for cond, ds_ in scatters:
        @pl.when(cond)
        def _():
            ds_.wait()

    plsc.subcore_barrier()

    pltpu.sync_copy(mask_hbm.at[pl.ds(col, 128)], sv)
    for g in range(8):
        mv = sv[pl.ds(16 * g, 16)]
        sv[pl.ds(16 * g, 16)] = 1.0 / (1.0 + jnp.exp(-mv))
    pltpu.sync_copy(acc.at[pl.ds(s * 4, 4)], loc)
    for r in range(4):
        for g in range(8):
            loc[r, pl.ds(16 * g, 16)] = (loc[r, pl.ds(16 * g, 16)]
                                         * sv[pl.ds(16 * g, 16)])
    pltpu.sync_copy(loc, m_hbm.at[pl.ds(s * 4, 4), pl.ds(col, 128)])



def kernel(x, edge_index, batch, train_mask):
    m = _sc_segsum(x, batch, train_mask)
    xm = _tc_xm(x, train_mask.reshape(1, _D))
    return m, xm

# --- scband reference (transcript-rebuilt; emitter-appended) ---
"""Pipeline reference for scband-feature-mask-21758304321994 (READ-ONLY COPY).

The authoritative reference and input builder live on the scoring server;
editing this copy changes nothing except your own understanding.
"""

import jax, jax.numpy as jnp
import numpy as np

N_NODES = 10000
N_EDGES = 160000
D_FEAT = 256
N_GRAPHS = 64


def setup_inputs(seed: int = 0) -> dict:
    key = jax.random.key(seed)
    k1, k2, k3, k4 = jax.random.split(key, 4)
    x = jax.random.normal(k1, (N_NODES, D_FEAT), dtype=jnp.float32)
    edge_index = jax.random.randint(k2, (2, N_EDGES), 0, N_NODES, dtype=jnp.int32)
    batch = jnp.sort(jax.random.randint(k3, (N_NODES,), 0, N_GRAPHS, dtype=jnp.int32))
    train_mask = jax.random.normal(k4, (D_FEAT,), dtype=jnp.float32)
    return {"x": x, "edge_index": edge_index, "batch": batch, "train_mask": train_mask}


def reference(x, edge_index, batch, train_mask):
    # x = sigmoid(train_mask) * x  (broadcast over feature dim)
    xm = jax.nn.sigmoid(train_mask) * x
    # global_add_pool: segment-sum node features by graph id
    m = jax.ops.segment_sum(xm, batch, num_segments=N_GRAPHS)
    return (m, xm)

if __name__ == "__main__":
    import jax
    _d = setup_inputs()
    print(jax.jit(kernel)(*tuple(_d.values())))

</pallas_src>

<mosaic_0001>
#map = affine_map<(d0, d1) -> (0, 0)>
#map1 = affine_map<(d0, d1) -> (0)>
module attributes {stable_mosaic.version = 14 : i64} {
  func.func @_rewritten_body(%arg0: i32, %arg1: i32, %arg2: memref<10000x256xf32, #tpu.memory_space<hbm>>, %arg3: memref<10000xi32, #tpu.memory_space<hbm>>, %arg4: memref<256xf32, #tpu.memory_space<hbm>>, %arg5: memref<1xi32, #tpu.memory_space<hbm>>, %arg6: memref<1xi32, #tpu.memory_space<hbm>>, %arg7: memref<1xi32, #tpu.memory_space<hbm>>, %arg8: memref<1xi32, #tpu.memory_space<hbm>>, %arg9: memref<1xi32, #tpu.memory_space<hbm>>, %arg10: memref<1xi32, #tpu.memory_space<hbm>>, %arg11: memref<1xi32, #tpu.memory_space<hbm>>, %arg12: memref<1xi32, #tpu.memory_space<hbm>>, %arg13: memref<1xi32, #tpu.memory_space<hbm>>, %arg14: memref<1xi32, #tpu.memory_space<hbm>>, %arg15: memref<1xi32, #tpu.memory_space<hbm>>, %arg16: memref<1xi32, #tpu.memory_space<hbm>>, %arg17: memref<1xi32, #tpu.memory_space<hbm>>, %arg18: memref<1xi32, #tpu.memory_space<hbm>>, %arg19: memref<1xi32, #tpu.memory_space<hbm>>, %arg20: memref<1xi32, #tpu.memory_space<hbm>>, %arg21: memref<1xi32, #tpu.memory_space<hbm>>, %arg22: memref<1xi32, #tpu.memory_space<hbm>>, %arg23: memref<1xi32, #tpu.memory_space<hbm>>, %arg24: memref<1xi32, #tpu.memory_space<hbm>>, %arg25: memref<64x256xf32, #tpu.memory_space<hbm>>, %arg26: memref<5x128x128xf32, #tpu.memory_space<vmem>>, %arg27: memref<5x128xi32, #tpu.memory_space<vmem>>, %arg28: memref<16x128xf32, #tpu.memory_space<vmem>>, %arg29: memref<16xi32, #tpu.memory_space<vmem>>, %arg30: memref<64x128xf32, #tpu.memory_space<vmem_shared>>, %arg31: memref<4x128xf32, #tpu.memory_space<vmem>>, %arg32: memref<128xf32, #tpu.memory_space<vmem>>, %arg33: memref<!tpu.dma_semaphore, #tpu.memory_space<semaphore_mem>>, %arg34: memref<!tpu.dma_semaphore, #tpu.memory_space<semaphore_mem>>, %arg35: memref<!tpu.dma_semaphore, #tpu.memory_space<semaphore_mem>>) attributes {dimension_semantics = [#tpu.dimension_semantics<core_parallel>, #tpu.dimension_semantics<subcore_parallel>], iteration_bounds = array<i64: 2, 16>, scalar_prefetch = 0 : i64, scratch_operands = 10 : i64, tpu.core_type = #tpu.core_type<sc_vector_subcore>, window_params = [{transform_indices = #map}, {transform_indices = #map1}, {transform_indices = #map1}, {transform_indices = #map1}, {transform_indices = #map1}, {transform_indices = #map1}, {transform_indices = #map1}, {transform_indices = #map1}, {transform_indices = #map1}, {transform_indices = #map1}, {transform_indices = #map1}, {transform_indices = #map1}, {transform_indices = #map1}, {transform_indices = #map1}, {transform_indices = #map1}, {transform_indices = #map1}, {transform_indices = #map1}, {transform_indices = #map1}, {transform_indices = #map1}, {transform_indices = #map1}, {transform_indices = #map1}, {transform_indices = #map1}, {transform_indices = #map1}, {transform_indices = #map}]} {
    %empty_ref3A = memref.alloca() : memref<16xi32, #tpu.memory_space<vmem>>
    %empty_ref3A_0 = memref.alloca() : memref<16xi32, #tpu.memory_space<vmem>>
    %empty_ref3A_1 = memref.alloca() : memref<16xi32, #tpu.memory_space<vmem>>
    %empty_ref3A_2 = memref.alloca() : memref<16xi32, #tpu.memory_space<vmem>>
    %empty_ref3A_3 = memref.alloca() : memref<16xi32, #tpu.memory_space<vmem>>
    %empty_ref3A_4 = memref.alloca() : memref<16xi32, #tpu.memory_space<vmem>>
    %empty_ref3A_5 = memref.alloca() : memref<16xi32, #tpu.memory_space<vmem>>
    %empty_ref3A_6 = memref.alloca() : memref<16xi32, #tpu.memory_space<vmem>>
    %empty_ref3A_7 = memref.alloca() : memref<16xi32, #tpu.memory_space<vmem>>
    %empty_ref3A_8 = memref.alloca() : memref<16xi32, #tpu.memory_space<vmem>>
    %empty_ref3A_9 = memref.alloca() : memref<16xi32, #tpu.memory_space<vmem>>
    %empty_ref3A_10 = memref.alloca() : memref<16xi32, #tpu.memory_space<vmem>>
    %empty_ref3A_11 = memref.alloca() : memref<16xi32, #tpu.memory_space<vmem>>
    %empty_ref3A_12 = memref.alloca() : memref<16xi32, #tpu.memory_space<vmem>>
    %empty_ref3A_13 = memref.alloca() : memref<16xi32, #tpu.memory_space<vmem>>
    %empty_ref3A_14 = memref.alloca() : memref<16xi32, #tpu.memory_space<vmem>>
    %empty_ref3A_15 = memref.alloca() : memref<16xi32, #tpu.memory_space<vmem>>
    %empty_ref3A_16 = memref.alloca() : memref<16xi32, #tpu.memory_space<vmem>>
    %empty_ref3A_17 = memref.alloca() : memref<16xi32, #tpu.memory_space<vmem>>
    %empty_ref3A_18 = memref.alloca() : memref<16xi32, #tpu.memory_space<vmem>>
    "tpu.region"() ({
      %run_scoped3A = tpu.sem_alloc : memref<!tpu.dma_semaphore, #tpu.memory_space<semaphore_mem>>
      %dma_start3A = arith.constant 0 : i32
      %dma_start3A_1058 = tpu.memref_slice %empty_ref3A[%dma_start3A] : memref<16xi32, #tpu.memory_space<vmem>> -> memref<1xi32, #tpu.memory_space<vmem>>
      %dma_start3A_1059 = arith.constant 0 : i32
      %dma_start3A_1060 = tpu.memref_slice %empty_ref3A[%dma_start3A_1059] : memref<16xi32, #tpu.memory_space<vmem>> -> memref<1xi32, #tpu.memory_space<vmem>>
      tpu.enqueue_dma source(%arg5 : memref<1xi32, #tpu.memory_space<hbm>>) target(%dma_start3A_1060 : memref<1xi32, #tpu.memory_space<vmem>>) target_semaphore(%run_scoped3A : memref<!tpu.dma_semaphore, #tpu.memory_space<semaphore_mem>>)
      %dma_start3A_1061 = arith.constant 0 : i32
      %dma_start3A_1062 = tpu.memref_slice %empty_ref3A_0[%dma_start3A_1061] : memref<16xi32, #tpu.memory_space<vmem>> -> memref<1xi32, #tpu.memory_space<vmem>>
      %dma_start3A_1063 = arith.constant 0 : i32
      %dma_start3A_1064 = tpu.memref_slice %empty_ref3A_0[%dma_start3A_1063] : memref<16xi32, #tpu.memory_space<vmem>> -> memref<1xi32, #tpu.memory_space<vmem>>
      tpu.enqueue_dma source(%arg6 : memref<1xi32, #tpu.memory_space<hbm>>) target(%dma_start3A_1064 : memref<1xi32, #tpu.memory_space<vmem>>) target_semaphore(%run_scoped3A : memref<!tpu.dma_semaphore, #tpu.memory_space<semaphore_mem>>)
      %dma_start3A_1065 = arith.constant 0 : i32
      %dma_start3A_1066 = tpu.memref_slice %empty_ref3A_1[%dma_start3A_1065] : memref<16xi32, #tpu.memory_space<vmem>> -> memref<1xi32, #tpu.memory_space<vmem>>
      %dma_start3A_1067 = arith.constant 0 : i32
      %dma_start3A_1068 = tpu.memref_slice %empty_ref3A_1[%dma_start3A_1067] : memref<16xi32, #tpu.memory_space<vmem>> -> memref<1xi32, #tpu.memory_space<vmem>>
      tpu.enqueue_dma source(%arg7 : memref<1xi32, #tpu.memory_space<hbm>>) target(%dma_start3A_1068 : memref<1xi32, #tpu.memory_space<vmem>>) target_semaphore(%run_scoped3A : memref<!tpu.dma_semaphore, #tpu.memory_space<semaphore_mem>>)
      %dma_start3A_1069 = arith.constant 0 : i32
      %dma_start3A_1070 = tpu.memref_slice %empty_ref3A_2[%dma_start3A_1069] : memref<16xi32, #tpu.memory_space<vmem>> -> memref<1xi32, #tpu.memory_space<vmem>>
      %dma_start3A_1071 = arith.constant 0 : i32
      %dma_start3A_1072 = tpu.memref_slice %empty_ref3A_2[%dma_start3A_1071] : memref<16xi32, #tpu.memory_space<vmem>> -> memref<1xi32, #tpu.memory_space<vmem>>
      tpu.enqueue_dma source(%arg8 : memref<1xi32, #tpu.memory_space<hbm>>) target(%dma_start3A_1072 : memref<1xi32, #tpu.memory_space<vmem>>) target_semaphore(%run_scoped3A : memref<!tpu.dma_semaphore, #tpu.memory_space<semaphore_mem>>)
      %dma_start3A_1073 = arith.constant 0 : i32
      %dma_start3A_1074 = tpu.memref_slice %empty_ref3A_3[%dma_start3A_1073] : memref<16xi32, #tpu.memory_space<vmem>> -> memref<1xi32, #tpu.memory_space<vmem>>
      %dma_start3A_1075 = arith.constant 0 : i32
      %dma_start3A_1076 = tpu.memref_slice %empty_ref3A_3[%dma_start3A_1075] : memref<16xi32, #tpu.memory_space<vmem>> -> memref<1xi32, #tpu.memory_space<vmem>>
      tpu.enqueue_dma source(%arg9 : memref<1xi32, #tpu.memory_space<hbm>>) target(%dma_start3A_1076 : memref<1xi32, #tpu.memory_space<vmem>>) target_semaphore(%run_scoped3A : memref<!tpu.dma_semaphore, #tpu.memory_space<semaphore_mem>>)
      %dma_start3A_1077 = arith.constant 0 : i32
      %dma_start3A_1078 = tpu.memref_slice %empty_ref3A_4[%dma_start3A_1077] : memref<16xi32, #tpu.memory_space<vmem>> -> memref<1xi32, #tpu.memory_space<vmem>>
      %dma_start3A_1079 = arith.constant 0 : i32
      %dma_start3A_1080 = tpu.memref_slice %empty_ref3A_4[%dma_start3A_1079] : memref<16xi32, #tpu.memory_space<vmem>> -> memref<1xi32, #tpu.memory_space<vmem>>
      tpu.enqueue_dma source(%arg10 : memref<1xi32, #tpu.memory_space<hbm>>) target(%dma_start3A_1080 : memref<1xi32, #tpu.memory_space<vmem>>) target_semaphore(%run_scoped3A : memref<!tpu.dma_semaphore, #tpu.memory_space<semaphore_mem>>)
      %dma_start3A_1081 = arith.constant 0 : i32
      %dma_start3A_1082 = tpu.memref_slice %empty_ref3A_5[%dma_start3A_1081] : memref<16xi32, #tpu.memory_space<vmem>> -> memref<1xi32, #tpu.memory_space<vmem>>
      %dma_start3A_1083 = arith.constant 0 : i32
      %dma_start3A_1084 = tpu.memref_slice %empty_ref3A_5[%dma_start3A_1083] : memref<16xi32, #tpu.memory_space<vmem>> -> memref<1xi32, #tpu.memory_space<vmem>>
      tpu.enqueue_dma source(%arg11 : memref<1xi32, #tpu.memory_space<hbm>>) target(%dma_start3A_1084 : memref<1xi32, #tpu.memory_space<vmem>>) target_semaphore(%run_scoped3A : memref<!tpu.dma_semaphore, #tpu.memory_space<semaphore_mem>>)
      %dma_start3A_1085 = arith.constant 0 : i32
      %dma_start3A_1086 = tpu.memref_slice %empty_ref3A_6[%dma_start3A_1085] : memref<16xi32, #tpu.memory_space<vmem>> -> memref<1xi32, #tpu.memory_space<vmem>>
      %dma_start3A_1087 = arith.constant 0 : i32
      %dma_start3A_1088 = tpu.memref_slice %empty_ref3A_6[%dma_start3A_1087] : memref<16xi32, #tpu.memory_space<vmem>> -> memref<1xi32, #tpu.memory_space<vmem>>
      tpu.enqueue_dma source(%arg12 : memref<1xi32, #tpu.memory_space<hbm>>) target(%dma_start3A_1088 : memref<1xi32, #tpu.memory_space<vmem>>) target_semaphore(%run_scoped3A : memref<!tpu.dma_semaphore, #tpu.memory_space<semaphore_mem>>)
      %dma_start3A_1089 = arith.constant 0 : i32
      %dma_start3A_1090 = tpu.memref_slice %empty_ref3A_7[%dma_start3A_1089] : memref<16xi32, #tpu.memory_space<vmem>> -> memref<1xi32, #tpu.memory_space<vmem>>
      %dma_start3A_1091 = arith.constant 0 : i32
      %dma_start3A_1092 = tpu.memref_slice %empty_ref3A_7[%dma_start3A_1091] : memref<16xi32, #tpu.memory_space<vmem>> -> memref<1xi32, #tpu.memory_space<vmem>>
      tpu.enqueue_dma source(%arg13 : memref<1xi32, #tpu.memory_space<hbm>>) target(%dma_start3A_1092 : memref<1xi32, #tpu.memory_space<vmem>>) target_semaphore(%run_scoped3A : memref<!tpu.dma_semaphore, #tpu.memory_space<semaphore_mem>>)
      %dma_start3A_1093 = arith.constant 0 : i32
      %dma_start3A_1094 = tpu.memref_slice %empty_ref3A_8[%dma_start3A_1093] : memref<16xi32, #tpu.memory_space<vmem>> -> memref<1xi32, #tpu.memory_space<vmem>>
      %dma_start3A_1095 = arith.constant 0 : i32
      %dma_start3A_1096 = tpu.memref_slice %empty_ref3A_8[%dma_start3A_1095] : memref<16xi32, #tpu.memory_space<vmem>> -> memref<1xi32, #tpu.memory_space<vmem>>
      tpu.enqueue_dma source(%arg14 : memref<1xi32, #tpu.memory_space<hbm>>) target(%dma_start3A_1096 : memref<1xi32, #tpu.memory_space<vmem>>) target_semaphore(%run_scoped3A : memref<!tpu.dma_semaphore, #tpu.memory_space<semaphore_mem>>)
      %dma_start3A_1097 = arith.constant 0 : i32
      %dma_start3A_1098 = tpu.memref_slice %empty_ref3A_9[%dma_start3A_1097] : memref<16xi32, #tpu.memory_space<vmem>> -> memref<1xi32, #tpu.memory_space<vmem>>
      %dma_start3A_1099 = arith.constant 0 : i32
      %dma_start3A_1100 = tpu.memref_slice %empty_ref3A_9[%dma_start3A_1099] : memref<16xi32, #tpu.memory_space<vmem>> -> memref<1xi32, #tpu.memory_space<vmem>>
      tpu.enqueue_dma source(%arg15 : memref<1xi32, #tpu.memory_space<hbm>>) target(%dma_start3A_1100 : memref<1xi32, #tpu.memory_space<vmem>>) target_semaphore(%run_scoped3A : memref<!tpu.dma_semaphore, #tpu.memory_space<semaphore_mem>>)
      %dma_start3A_1101 = arith.constant 0 : i32
      %dma_start3A_1102 = tpu.memref_slice %empty_ref3A_10[%dma_start3A_1101] : memref<16xi32, #tpu.memory_space<vmem>> -> memref<1xi32, #tpu.memory_space<vmem>>
      %dma_start3A_1103 = arith.constant 0 : i32
      %dma_start3A_1104 = tpu.memref_slice %empty_ref3A_10[%dma_start3A_1103] : memref<16xi32, #tpu.memory_space<vmem>> -> memref<1xi32, #tpu.memory_space<vmem>>
      tpu.enqueue_dma source(%arg16 : memref<1xi32, #tpu.memory_space<hbm>>) target(%dma_start3A_1104 : memref<1xi32, #tpu.memory_space<vmem>>) target_semaphore(%run_scoped3A : memref<!tpu.dma_semaphore, #tpu.memory_space<semaphore_mem>>)
      %dma_start3A_1105 = arith.constant 0 : i32
      %dma_start3A_1106 = tpu.memref_slice %empty_ref3A_11[%dma_start3A_1105] : memref<16xi32, #tpu.memory_space<vmem>> -> memref<1xi32, #tpu.memory_space<vmem>>
      %dma_start3A_1107 = arith.constant 0 : i32
      %dma_start3A_1108 = tpu.memref_slice %empty_ref3A_11[%dma_start3A_1107] : memref<16xi32, #tpu.memory_space<vmem>> -> memref<1xi32, #tpu.memory_space<vmem>>
      tpu.enqueue_dma source(%arg17 : memref<1xi32, #tpu.memory_space<hbm>>) target(%dma_start3A_1108 : memref<1xi32, #tpu.memory_space<vmem>>) target_semaphore(%run_scoped3A : memref<!tpu.dma_semaphore, #tpu.memory_space<semaphore_mem>>)
      %dma_start3A_1109 = arith.constant 0 : i32
      %dma_start3A_1110 = tpu.memref_slice %empty_ref3A_12[%dma_start3A_1109] : memref<16xi32, #tpu.memory_space<vmem>> -> memref<1xi32, #tpu.memory_space<vmem>>
      %dma_start3A_1111 = arith.constant 0 : i32
      %dma_start3A_1112 = tpu.memref_slice %empty_ref3A_12[%dma_start3A_1111] : memref<16xi32, #tpu.memory_space<vmem>> -> memref<1xi32, #tpu.memory_space<vmem>>
      tpu.enqueue_dma source(%arg18 : memref<1xi32, #tpu.memory_space<hbm>>) target(%dma_start3A_1112 : memref<1xi32, #tpu.memory_space<vmem>>) target_semaphore(%run_scoped3A : memref<!tpu.dma_semaphore, #tpu.memory_space<semaphore_mem>>)
      %dma_start3A_1113 = arith.constant 0 : i32
      %dma_start3A_1114 = tpu.memref_slice %empty_ref3A_13[%dma_start3A_1113] : memref<16xi32, #tpu.memory_space<vmem>> -> memref<1xi32, #tpu.memory_space<vmem>>
      %dma_start3A_1115 = arith.constant 0 : i32
      %dma_start3A_1116 = tpu.memref_slice %empty_ref3A_13[%dma_start3A_1115] : memref<16xi32, #tpu.memory_space<vmem>> -> memref<1xi32, #tpu.memory_space<vmem>>
      tpu.enqueue_dma source(%arg19 : memref<1xi32, #tpu.memory_space<hbm>>) target(%dma_start3A_1116 : memref<1xi32, #tpu.memory_space<vmem>>) target_semaphore(%run_scoped3A : memref<!tpu.dma_semaphore, #tpu.memory_space<semaphore_mem>>)
      %dma_start3A_1117 = arith.constant 0 : i32
      %dma_start3A_1118 = tpu.memref_slice %empty_ref3A_14[%dma_start3A_1117] : memref<16xi32, #tpu.memory_space<vmem>> -> memref<1xi32, #tpu.memory_space<vmem>>
      %dma_start3A_1119 = arith.constant 0 : i32
      %dma_start3A_1120 = tpu.memref_slice %empty_ref3A_14[%dma_start3A_1119] : memref<16xi32, #tpu.memory_space<vmem>> -> memref<1xi32, #tpu.memory_space<vmem>>
      tpu.enqueue_dma source(%arg20 : memref<1xi32, #tpu.memory_space<hbm>>) target(%dma_start3A_1120 : memref<1xi32, #tpu.memory_space<vmem>>) target_semaphore(%run_scoped3A : memref<!tpu.dma_semaphore, #tpu.memory_space<semaphore_mem>>)
      %dma_start3A_1121 = arith.constant 0 : i32
      %dma_start3A_1122 = tpu.memref_slice %empty_ref3A_15[%dma_start3A_1121] : memref<16xi32, #tpu.memory_space<vmem>> -> memref<1xi32, #tpu.memory_space<vmem>>
      %dma_start3A_1123 = arith.constant 0 : i32
      %dma_start3A_1124 = tpu.memref_slice %empty_ref3A_15[%dma_start3A_1123] : memref<16xi32, #tpu.memory_space<vmem>> -> memref<1xi32, #tpu.memory_space<vmem>>
      tpu.enqueue_dma source(%arg21 : memref<1xi32, #tpu.memory_space<hbm>>) target(%dma_start3A_1124 : memref<1xi32, #tpu.memory_space<vmem>>) target_semaphore(%run_scoped3A : memref<!tpu.dma_semaphore, #tpu.memory_space<semaphore_mem>>)
      %dma_start3A_1125 = arith.constant 0 : i32
      %dma_start3A_1126 = tpu.memref_slice %empty_ref3A_16[%dma_start3A_1125] : memref<16xi32, #tpu.memory_space<vmem>> -> memref<1xi32, #tpu.memory_space<vmem>>
      %dma_start3A_1127 = arith.constant 0 : i32
      %dma_start3A_1128 = tpu.memref_slice %empty_ref3A_16[%dma_start3A_1127] : memref<16xi32, #tpu.memory_space<vmem>> -> memref<1xi32, #tpu.memory_space<vmem>>
      tpu.enqueue_dma source(%arg22 : memref<1xi32, #tpu.memory_space<hbm>>) target(%dma_start3A_1128 : memref<1xi32, #tpu.memory_space<vmem>>) target_semaphore(%run_scoped3A : memref<!tpu.dma_semaphore, #tpu.memory_space<semaphore_mem>>)
      %dma_start3A_1129 = arith.constant 0 : i32
      %dma_start3A_1130 = tpu.memref_slice %empty_ref3A_17[%dma_start3A_1129] : memref<16xi32, #tpu.memory_space<vmem>> -> memref<1xi32, #tpu.memory_space<vmem>>
      %dma_start3A_1131 = arith.constant 0 : i32
      %dma_start3A_1132 = tpu.memref_slice %empty_ref3A_17[%dma_start3A_1131] : memref<16xi32, #tpu.memory_space<vmem>> -> memref<1xi32, #tpu.memory_space<vmem>>
      tpu.enqueue_dma source(%arg23 : memref<1xi32, #tpu.memory_space<hbm>>) target(%dma_start3A_1132 : memref<1xi32, #tpu.memory_space<vmem>>) target_semaphore(%run_scoped3A : memref<!tpu.dma_semaphore, #tpu.memory_space<semaphore_mem>>)
      %dma_start3A_1133 = arith.constant 0 : i32
      %dma_start3A_1134 = tpu.memref_slice %empty_ref3A_18[%dma_start3A_1133] : memref<16xi32, #tpu.memory_space<vmem>> -> memref<1xi32, #tpu.memory_space<vmem>>
      %dma_start3A_1135 = arith.constant 0 : i32
      %dma_start3A_1136 = tpu.memref_slice %empty_ref3A_18[%dma_start3A_1135] : memref<16xi32, #tpu.memory_space<vmem>> -> memref<1xi32, #tpu.memory_space<vmem>>
      tpu.enqueue_dma source(%arg24 : memref<1xi32, #tpu.memory_space<hbm>>) target(%dma_start3A_1136 : memref<1xi32, #tpu.memory_space<vmem>>) target_semaphore(%run_scoped3A : memref<!tpu.dma_semaphore, #tpu.memory_space<semaphore_mem>>)
      %dma_wait3A = arith.constant 0 : i32
      %dma_wait3A_1137 = tpu.memref_slice %empty_ref3A[%dma_wait3A] : memref<16xi32, #tpu.memory_space<vmem>> -> memref<1xi32, #tpu.memory_space<vmem>>
      %dma_wait3A_1138 = arith.constant 0 : i32
      %dma_wait3A_1139 = tpu.memref_slice %empty_ref3A[%dma_wait3A_1138] : memref<16xi32, #tpu.memory_space<vmem>> -> memref<1xi32, #tpu.memory_space<vmem>>
      tpu.wait_dma2 semaphore(%run_scoped3A : memref<!tpu.dma_semaphore, #tpu.memory_space<semaphore_mem>>) src(%arg5 : memref<1xi32, #tpu.memory_space<hbm>>) dst(%dma_wait3A_1139 : memref<1xi32, #tpu.memory_space<vmem>>)
      %dma_wait3A_1140 = arith.constant 0 : i32
      %dma_wait3A_1141 = tpu.memref_slice %empty_ref3A_0[%dma_wait3A_1140] : memref<16xi32, #tpu.memory_space<vmem>> -> memref<1xi32, #tpu.memory_space<vmem>>
      %dma_wait3A_1142 = arith.constant 0 : i32
      %dma_wait3A_1143 = tpu.memref_slice %empty_ref3A_0[%dma_wait3A_1142] : memref<16xi32, #tpu.memory_space<vmem>> -> memref<1xi32, #tpu.memory_space<vmem>>
      tpu.wait_dma2 semaphore(%run_scoped3A : memref<!tpu.dma_semaphore, #tpu.memory_space<semaphore_mem>>) src(%arg6 : memref<1xi32, #tpu.memory_space<hbm>>) dst(%dma_wait3A_1143 : memref<1xi32, #tpu.memory_space<vmem>>)
      %dma_wait3A_1144 = arith.constant 0 : i32
      %dma_wait3A_1145 = tpu.memref_slice %empty_ref3A_1[%dma_wait3A_1144] : memref<16xi32, #tpu.memory_space<vmem>> -> memref<1xi32, #tpu.memory_space<vmem>>
      %dma_wait3A_1146 = arith.constant 0 : i32
      %dma_wait3A_1147 = tpu.memref_slice %empty_ref3A_1[%dma_wait3A_1146] : memref<16xi32, #tpu.memory_space<vmem>> -> memref<1xi32, #tpu.memory_space<vmem>>
      tpu.wait_dma2 semaphore(%run_scoped3A : memref<!tpu.dma_semaphore, #tpu.memory_space<semaphore_mem>>) src(%arg7 : memref<1xi32, #tpu.memory_space<hbm>>) dst(%dma_wait3A_1147 : memref<1xi32, #tpu.memory_space<vmem>>)
      %dma_wait3A_1148 = arith.constant 0 : i32
      %dma_wait3A_1149 = tpu.memref_slice %empty_ref3A_2[%dma_wait3A_1148] : memref<16xi32, #tpu.memory_space<vmem>> -> memref<1xi32, #tpu.memory_space<vmem>>
      %dma_wait3A_1150 = arith.constant 0 : i32
      %dma_wait3A_1151 = tpu.memref_slice %empty_ref3A_2[%dma_wait3A_1150] : memref<16xi32, #tpu.memory_space<vmem>> -> memref<1xi32, #tpu.memory_space<vmem>>
      tpu.wait_dma2 semaphore(%run_scoped3A : memref<!tpu.dma_semaphore, #tpu.memory_space<semaphore_mem>>) src(%arg8 : memref<1xi32, #tpu.memory_space<hbm>>) dst(%dma_wait3A_1151 : memref<1xi32, #tpu.memory_space<vmem>>)
      %dma_wait3A_1152 = arith.constant 0 : i32
      %dma_wait3A_1153 = tpu.memref_slice %empty_ref3A_3[%dma_wait3A_1152] : memref<16xi32, #tpu.memory_space<vmem>> -> memref<1xi32, #tpu.memory_space<vmem>>
      %dma_wait3A_1154 = arith.constant 0 : i32
      %dma_wait3A_1155 = tpu.memref_slice %empty_ref3A_3[%dma_wait3A_1154] : memref<16xi32, #tpu.memory_space<vmem>> -> memref<1xi32, #tpu.memory_space<vmem>>
      tpu.wait_dma2 semaphore(%run_scoped3A : memref<!tpu.dma_semaphore, #tpu.memory_space<semaphore_mem>>) src(%arg9 : memref<1xi32, #tpu.memory_space<hbm>>) dst(%dma_wait3A_1155 : memref<1xi32, #tpu.memory_space<vmem>>)
      %dma_wait3A_1156 = arith.constant 0 : i32
      %dma_wait3A_1157 = tpu.memref_slice %empty_ref3A_4[%dma_wait3A_1156] : memref<16xi32, #tpu.memory_space<vmem>> -> memref<1xi32, #tpu.memory_space<vmem>>
      %dma_wait3A_1158 = arith.constant 0 : i32
      %dma_wait3A_1159 = tpu.memref_slice %empty_ref3A_4[%dma_wait3A_1158] : memref<16xi32, #tpu.memory_space<vmem>> -> memref<1xi32, #tpu.memory_space<vmem>>
      tpu.wait_dma2 semaphore(%run_scoped3A : memref<!tpu.dma_semaphore, #tpu.memory_space<semaphore_mem>>) src(%arg10 : memref<1xi32, #tpu.memory_space<hbm>>) dst(%dma_wait3A_1159 : memref<1xi32, #tpu.memory_space<vmem>>)
      %dma_wait3A_1160 = arith.constant 0 : i32
      %dma_wait3A_1161 = tpu.memref_slice %empty_ref3A_5[%dma_wait3A_1160] : memref<16xi32, #tpu.memory_space<vmem>> -> memref<1xi32, #tpu.memory_space<vmem>>
      %dma_wait3A_1162 = arith.constant 0 : i32
      %dma_wait3A_1163 = tpu.memref_slice %empty_ref3A_5[%dma_wait3A_1162] : memref<16xi32, #tpu.memory_space<vmem>> -> memref<1xi32, #tpu.memory_space<vmem>>
      tpu.wait_dma2 semaphore(%run_scoped3A : memref<!tpu.dma_semaphore, #tpu.memory_space<semaphore_mem>>) src(%arg11 : memref<1xi32, #tpu.memory_space<hbm>>) dst(%dma_wait3A_1163 : memref<1xi32, #tpu.memory_space<vmem>>)
      %dma_wait3A_1164 = arith.constant 0 : i32
      %dma_wait3A_1165 = tpu.memref_slice %empty_ref3A_6[%dma_wait3A_1164] : memref<16xi32, #tpu.memory_space<vmem>> -> memref<1xi32, #tpu.memory_space<vmem>>
      %dma_wait3A_1166 = arith.constant 0 : i32
      %dma_wait3A_1167 = tpu.memref_slice %empty_ref3A_6[%dma_wait3A_1166] : memref<16xi32, #tpu.memory_space<vmem>> -> memref<1xi32, #tpu.memory_space<vmem>>
      tpu.wait_dma2 semaphore(%run_scoped3A : memref<!tpu.dma_semaphore, #tpu.memory_space<semaphore_mem>>) src(%arg12 : memref<1xi32, #tpu.memory_space<hbm>>) dst(%dma_wait3A_1167 : memref<1xi32, #tpu.memory_space<vmem>>)
      %dma_wait3A_1168 = arith.constant 0 : i32
      %dma_wait3A_1169 = tpu.memref_slice %empty_ref3A_7[%dma_wait3A_1168] : memref<16xi32, #tpu.memory_space<vmem>> -> memref<1xi32, #tpu.memory_space<vmem>>
      %dma_wait3A_1170 = arith.constant 0 : i32
      %dma_wait3A_1171 = tpu.memref_slice %empty_ref3A_7[%dma_wait3A_1170] : memref<16xi32, #tpu.memory_space<vmem>> -> memref<1xi32, #tpu.memory_space<vmem>>
      tpu.wait_dma2 semaphore(%run_scoped3A : memref<!tpu.dma_semaphore, #tpu.memory_space<semaphore_mem>>) src(%arg13 : memref<1xi32, #tpu.memory_space<hbm>>) dst(%dma_wait3A_1171 : memref<1xi32, #tpu.memory_space<vmem>>)
      %dma_wait3A_1172 = arith.constant 0 : i32
      %dma_wait3A_1173 = tpu.memref_slice %empty_ref3A_8[%dma_wait3A_1172] : memref<16xi32, #tpu.memory_space<vmem>> -> memref<1xi32, #tpu.memory_space<vmem>>
      %dma_wait3A_1174 = arith.constant 0 : i32
      %dma_wait3A_1175 = tpu.memref_slice %empty_ref3A_8[%dma_wait3A_1174] : memref<16xi32, #tpu.memory_space<vmem>> -> memref<1xi32, #tpu.memory_space<vmem>>
      tpu.wait_dma2 semaphore(%run_scoped3A : memref<!tpu.dma_semaphore, #tpu.memory_space<semaphore_mem>>) src(%arg14 : memref<1xi32, #tpu.memory_space<hbm>>) dst(%dma_wait3A_1175 : memref<1xi32, #tpu.memory_space<vmem>>)
      %dma_wait3A_1176 = arith.constant 0 : i32
      %dma_wait3A_1177 = tpu.memref_slice %empty_ref3A_9[%dma_wait3A_1176] : memref<16xi32, #tpu.memory_space<vmem>> -> memref<1xi32, #tpu.memory_space<vmem>>
      %dma_wait3A_1178 = arith.constant 0 : i32
      %dma_wait3A_1179 = tpu.memref_slice %empty_ref3A_9[%dma_wait3A_1178] : memref<16xi32, #tpu.memory_space<vmem>> -> memref<1xi32, #tpu.memory_space<vmem>>
      tpu.wait_dma2 semaphore(%run_scoped3A : memref<!tpu.dma_semaphore, #tpu.memory_space<semaphore_mem>>) src(%arg15 : memref<1xi32, #tpu.memory_space<hbm>>) dst(%dma_wait3A_1179 : memref<1xi32, #tpu.memory_space<vmem>>)
      %dma_wait3A_1180 = arith.constant 0 : i32
      %dma_wait3A_1181 = tpu.memref_slice %empty_ref3A_10[%dma_wait3A_1180] : memref<16xi32, #tpu.memory_space<vmem>> -> memref<1xi32, #tpu.memory_space<vmem>>
      %dma_wait3A_1182 = arith.constant 0 : i32
      %dma_wait3A_1183 = tpu.memref_slice %empty_ref3A_10[%dma_wait3A_1182] : memref<16xi32, #tpu.memory_space<vmem>> -> memref<1xi32, #tpu.memory_space<vmem>>
      tpu.wait_dma2 semaphore(%run_scoped3A : memref<!tpu.dma_semaphore, #tpu.memory_space<semaphore_mem>>) src(%arg16 : memref<1xi32, #tpu.memory_space<hbm>>) dst(%dma_wait3A_1183 : memref<1xi32, #tpu.memory_space<vmem>>)
      %dma_wait3A_1184 = arith.constant 0 : i32
      %dma_wait3A_1185 = tpu.memref_slice %empty_ref3A_11[%dma_wait3A_1184] : memref<16xi32, #tpu.memory_space<vmem>> -> memref<1xi32, #tpu.memory_space<vmem>>
      %dma_wait3A_1186 = arith.constant 0 : i32
      %dma_wait3A_1187 = tpu.memref_slice %empty_ref3A_11[%dma_wait3A_1186] : memref<16xi32, #tpu.memory_space<vmem>> -> memref<1xi32, #tpu.memory_space<vmem>>
      tpu.wait_dma2 semaphore(%run_scoped3A : memref<!tpu.dma_semaphore, #tpu.memory_space<semaphore_mem>>) src(%arg17 : memref<1xi32, #tpu.memory_space<hbm>>) dst(%dma_wait3A_1187 : memref<1xi32, #tpu.memory_space<vmem>>)
      %dma_wait3A_1188 = arith.constant 0 : i32
      %dma_wait3A_1189 = tpu.memref_slice %empty_ref3A_12[%dma_wait3A_1188] : memref<16xi32, #tpu.memory_space<vmem>> -> memref<1xi32, #tpu.memory_space<vmem>>
      %dma_wait3A_1190 = arith.constant 0 : i32
      %dma_wait3A_1191 = tpu.memref_slice %empty_ref3A_12[%dma_wait3A_1190] : memref<16xi32, #tpu.memory_space<vmem>> -> memref<1xi32, #tpu.memory_space<vmem>>
      tpu.wait_dma2 semaphore(%run_scoped3A : memref<!tpu.dma_semaphore, #tpu.memory_space<semaphore_mem>>) src(%arg18 : memref<1xi32, #tpu.memory_space<hbm>>) dst(%dma_wait3A_1191 : memref<1xi32, #tpu.memory_space<vmem>>)
      %dma_wait3A_1192 = arith.constant 0 : i32
      %dma_wait3A_1193 = tpu.memref_slice %empty_ref3A_13[%dma_wait3A_1192] : memref<16xi32, #tpu.memory_space<vmem>> -> memref<1xi32, #tpu.memory_space<vmem>>
      %dma_wait3A_1194 = arith.constant 0 : i32
      %dma_wait3A_1195 = tpu.memref_slice %empty_ref3A_13[%dma_wait3A_1194] : memref<16xi32, #tpu.memory_space<vmem>> -> memref<1xi32, #tpu.memory_space<vmem>>
      tpu.wait_dma2 semaphore(%run_scoped3A : memref<!tpu.dma_semaphore, #tpu.memory_space<semaphore_mem>>) src(%arg19 : memref<1xi32, #tpu.memory_space<hbm>>) dst(%dma_wait3A_1195 : memref<1xi32, #tpu.memory_space<vmem>>)
      %dma_wait3A_1196 = arith.constant 0 : i32
      %dma_wait3A_1197 = tpu.memref_slice %empty_ref3A_14[%dma_wait3A_1196] : memref<16xi32, #tpu.memory_space<vmem>> -> memref<1xi32, #tpu.memory_space<vmem>>
      %dma_wait3A_1198 = arith.constant 0 : i32
      %dma_wait3A_1199 = tpu.memref_slice %empty_ref3A_14[%dma_wait3A_1198] : memref<16xi32, #tpu.memory_space<vmem>> -> memref<1xi32, #tpu.memory_space<vmem>>
      tpu.wait_dma2 semaphore(%run_scoped3A : memref<!tpu.dma_semaphore, #tpu.memory_space<semaphore_mem>>) src(%arg20 : memref<1xi32, #tpu.memory_space<hbm>>) dst(%dma_wait3A_1199 : memref<1xi32, #tpu.memory_space<vmem>>)
      %dma_wait3A_1200 = arith.constant 0 : i32
      %dma_wait3A_1201 = tpu.memref_slice %empty_ref3A_15[%dma_wait3A_1200] : memref<16xi32, #tpu.memory_space<vmem>> -> memref<1xi32, #tpu.memory_space<vmem>>
      %dma_wait3A_1202 = arith.constant 0 : i32
      %dma_wait3A_1203 = tpu.memref_slice %empty_ref3A_15[%dma_wait3A_1202] : memref<16xi32, #tpu.memory_space<vmem>> -> memref<1xi32, #tpu.memory_space<vmem>>
      tpu.wait_dma2 semaphore(%run_scoped3A : memref<!tpu.dma_semaphore, #tpu.memory_space<semaphore_mem>>) src(%arg21 : memref<1xi32, #tpu.memory_space<hbm>>) dst(%dma_wait3A_1203 : memref<1xi32, #tpu.memory_space<vmem>>)
      %dma_wait3A_1204 = arith.constant 0 : i32
      %dma_wait3A_1205 = tpu.memref_slice %empty_ref3A_16[%dma_wait3A_1204] : memref<16xi32, #tpu.memory_space<vmem>> -> memref<1xi32, #tpu.memory_space<vmem>>
      %dma_wait3A_1206 = arith.constant 0 : i32
      %dma_wait3A_1207 = tpu.memref_slice %empty_ref3A_16[%dma_wait3A_1206] : memref<16xi32, #tpu.memory_space<vmem>> -> memref<1xi32, #tpu.memory_space<vmem>>
      tpu.wait_dma2 semaphore(%run_scoped3A : memref<!tpu.dma_semaphore, #tpu.memory_space<semaphore_mem>>) src(%arg22 : memref<1xi32, #tpu.memory_space<hbm>>) dst(%dma_wait3A_1207 : memref<1xi32, #tpu.memory_space<vmem>>)
      %dma_wait3A_1208 = arith.constant 0 : i32
      %dma_wait3A_1209 = tpu.memref_slice %empty_ref3A_17[%dma_wait3A_1208] : memref<16xi32, #tpu.memory_space<vmem>> -> memref<1xi32, #tpu.memory_space<vmem>>
      %dma_wait3A_1210 = arith.constant 0 : i32
      %dma_wait3A_1211 = tpu.memref_slice %empty_ref3A_17[%dma_wait3A_1210] : memref<16xi32, #tpu.memory_space<vmem>> -> memref<1xi32, #tpu.memory_space<vmem>>
      tpu.wait_dma2 semaphore(%run_scoped3A : memref<!tpu.dma_semaphore, #tpu.memory_space<semaphore_mem>>) src(%arg23 : memref<1xi32, #tpu.memory_space<hbm>>) dst(%dma_wait3A_1211 : memref<1xi32, #tpu.memory_space<vmem>>)
      %dma_wait3A_1212 = arith.constant 0 : i32
      %dma_wait3A_1213 = tpu.memref_slice %empty_ref3A_18[%dma_wait3A_1212] : memref<16xi32, #tpu.memory_space<vmem>> -> memref<1xi32, #tpu.memory_space<vmem>>
      %dma_wait3A_1214 = arith.constant 0 : i32
      %dma_wait3A_1215 = tpu.memref_slice %empty_ref3A_18[%dma_wait3A_1214] : memref<16xi32, #tpu.memory_space<vmem>> -> memref<1xi32, #tpu.memory_space<vmem>>
      tpu.wait_dma2 semaphore(%run_scoped3A : memref<!tpu.dma_semaphore, #tpu.memory_space<semaphore_mem>>) src(%arg24 : memref<1xi32, #tpu.memory_space<hbm>>) dst(%dma_wait3A_1215 : memref<1xi32, #tpu.memory_space<vmem>>)
      tpu.yield
    }) : () -> ()
    %get3A = arith.constant 0 : index
    %get3A_19 = tpu.vector_load %empty_ref3A[%get3A] {strides = array<i32>} : memref<16xi32, #tpu.memory_space<vmem>>, vector<16xi32>,
    %get3A_20 = vector.shape_cast %get3A_19 : vector<16xi32> to vector<16xi32>
    %slice3A = vector.extract_strided_slice %get3A_20 {offsets = [0], sizes = [1], strides = [1]} : vector<16xi32> to vector<1xi32>
    %squeeze3A = vector.extract %slice3A[0] : i32 from vector<1xi32>
    %get3A_21 = arith.constant 0 : index
    %get3A_22 = tpu.vector_load %empty_ref3A_0[%get3A_21] {strides = array<i32>} : memref<16xi32, #tpu.memory_space<vmem>>, vector<16xi32>,
    %get3A_23 = vector.shape_cast %get3A_22 : vector<16xi32> to vector<16xi32>
    %slice3A_24 = vector.extract_strided_slice %get3A_23 {offsets = [0], sizes = [1], strides = [1]} : vector<16xi32> to vector<1xi32>
    %squeeze3A_25 = vector.extract %slice3A_24[0] : i32 from vector<1xi32>
    %get3A_26 = arith.constant 0 : index
    %get3A_27 = tpu.vector_load %empty_ref3A_1[%get3A_26] {strides = array<i32>} : memref<16xi32, #tpu.memory_space<vmem>>, vector<16xi32>,
    %get3A_28 = vector.shape_cast %get3A_27 : vector<16xi32> to vector<16xi32>
    %slice3A_29 = vector.extract_strided_slice %get3A_28 {offsets = [0], sizes = [1], strides = [1]} : vector<16xi32> to vector<1xi32>
    %squeeze3A_30 = vector.extract %slice3A_29[0] : i32 from vector<1xi32>
    %get3A_31 = arith.constant 0 : index
    %get3A_32 = tpu.vector_load %empty_ref3A_2[%get3A_31] {strides = array<i32>} : memref<16xi32, #tpu.memory_space<vmem>>, vector<16xi32>,
    %get3A_33 = vector.shape_cast %get3A_32 : vector<16xi32> to vector<16xi32>
    %slice3A_34 = vector.extract_strided_slice %get3A_33 {offsets = [0], sizes = [1], strides = [1]} : vector<16xi32> to vector<1xi32>
    %squeeze3A_35 = vector.extract %slice3A_34[0] : i32 from vector<1xi32>
    %get3A_36 = arith.constant 0 : index
    %get3A_37 = tpu.vector_load %empty_ref3A_3[%get3A_36] {strides = array<i32>} : memref<16xi32, #tpu.memory_space<vmem>>, vector<16xi32>,
    %get3A_38 = vector.shape_cast %get3A_37 : vector<16xi32> to vector<16xi32>
    %slice3A_39 = vector.extract_strided_slice %get3A_38 {offsets = [0], sizes = [1], strides = [1]} : vector<16xi32> to vector<1xi32>
    %squeeze3A_40 = vector.extract %slice3A_39[0] : i32 from vector<1xi32>
    %get3A_41 = arith.constant 0 : index
    %get3A_42 = tpu.vector_load %empty_ref3A_4[%get3A_41] {strides = array<i32>} : memref<16xi32, #tpu.memory_space<vmem>>, vector<16xi32>,
    %get3A_43 = vector.shape_cast %get3A_42 : vector<16xi32> to vector<16xi32>
    %slice3A_44 = vector.extract_strided_slice %get3A_43 {offsets = [0], sizes = [1], strides = [1]} : vector<16xi32> to vector<1xi32>
    %squeeze3A_45 = vector.extract %slice3A_44[0] : i32 from vector<1xi32>
    %get3A_46 = arith.constant 0 : index
    %get3A_47 = tpu.vector_load %empty_ref3A_5[%get3A_46] {strides = array<i32>} : memref<16xi32, #tpu.memory_space<vmem>>, vector<16xi32>,
    %get3A_48 = vector.shape_cast %get3A_47 : vector<16xi32> to vector<16xi32>
    %slice3A_49 = vector.extract_strided_slice %get3A_48 {offsets = [0], sizes = [1], strides = [1]} : vector<16xi32> to vector<1xi32>
    %squeeze3A_50 = vector.extract %slice3A_49[0] : i32 from vector<1xi32>
    %get3A_51 = arith.constant 0 : index
    %get3A_52 = tpu.vector_load %empty_ref3A_6[%get3A_51] {strides = array<i32>} : memref<16xi32, #tpu.memory_space<vmem>>, vector<16xi32>,
    %get3A_53 = vector.shape_cast %get3A_52 : vector<16xi32> to vector<16xi32>
    %slice3A_54 = vector.extract_strided_slice %get3A_53 {offsets = [0], sizes = [1], strides = [1]} : vector<16xi32> to vector<1xi32>
    %squeeze3A_55 = vector.extract %slice3A_54[0] : i32 from vector<1xi32>
    %get3A_56 = arith.constant 0 : index
    %get3A_57 = tpu.vector_load %empty_ref3A_7[%get3A_56] {strides = array<i32>} : memref<16xi32, #tpu.memory_space<vmem>>, vector<16xi32>,
    %get3A_58 = vector.shape_cast %get3A_57 : vector<16xi32> to vector<16xi32>
    %slice3A_59 = vector.extract_strided_slice %get3A_58 {offsets = [0], sizes = [1], strides = [1]} : vector<16xi32> to vector<1xi32>
    %squeeze3A_60 = vector.extract %slice3A_59[0] : i32 from vector<1xi32>
    %get3A_61 = arith.constant 0 : index
    %get3A_62 = tpu.vector_load %empty_ref3A_8[%get3A_61] {strides = array<i32>} : memref<16xi32, #tpu.memory_space<vmem>>, vector<16xi32>,
    %get3A_63 = vector.shape_cast %get3A_62 : vector<16xi32> to vector<16xi32>
    %slice3A_64 = vector.extract_strided_slice %get3A_63 {offsets = [0], sizes = [1], strides = [1]} : vector<16xi32> to vector<1xi32>
    %squeeze3A_65 = vector.extract %slice3A_64[0] : i32 from vector<1xi32>
    %get3A_66 = arith.constant 0 : index
    %get3A_67 = tpu.vector_load %empty_ref3A_9[%get3A_66] {strides = array<i32>} : memref<16xi32, #tpu.memory_space<vmem>>, vector<16xi32>,
    %get3A_68 = vector.shape_cast %get3A_67 : vector<16xi32> to vector<16xi32>
    %slice3A_69 = vector.extract_strided_slice %get3A_68 {offsets = [0], sizes = [1], strides = [1]} : vector<16xi32> to vector<1xi32>
    %squeeze3A_70 = vector.extract %slice3A_69[0] : i32 from vector<1xi32>
    %get3A_71 = arith.constant 0 : index
    %get3A_72 = tpu.vector_load %empty_ref3A_10[%get3A_71] {strides = array<i32>} : memref<16xi32, #tpu.memory_space<vmem>>, vector<16xi32>,
    %get3A_73 = vector.shape_cast %get3A_72 : vector<16xi32> to vector<16xi32>
    %slice3A_74 = vector.extract_strided_slice %get3A_73 {offsets = [0], sizes = [1], strides = [1]} : vector<16xi32> to vector<1xi32>
    %squeeze3A_75 = vector.extract %slice3A_74[0] : i32 from vector<1xi32>
    %get3A_76 = arith.constant 0 : index
    %get3A_77 = tpu.vector_load %empty_ref3A_11[%get3A_76] {strides = array<i32>} : memref<16xi32, #tpu.memory_space<vmem>>, vector<16xi32>,
    %get3A_78 = vector.shape_cast %get3A_77 : vector<16xi32> to vector<16xi32>
    %slice3A_79 = vector.extract_strided_slice %get3A_78 {offsets = [0], sizes = [1], strides = [1]} : vector<16xi32> to vector<1xi32>
    %squeeze3A_80 = vector.extract %slice3A_79[0] : i32 from vector<1xi32>
    %get3A_81 = arith.constant 0 : index
    %get3A_82 = tpu.vector_load %empty_ref3A_12[%get3A_81] {strides = array<i32>} : memref<16xi32, #tpu.memory_space<vmem>>, vector<16xi32>,
    %get3A_83 = vector.shape_cast %get3A_82 : vector<16xi32> to vector<16xi32>
    %slice3A_84 = vector.extract_strided_slice %get3A_83 {offsets = [0], sizes = [1], strides = [1]} : vector<16xi32> to vector<1xi32>
    %squeeze3A_85 = vector.extract %slice3A_84[0] : i32 from vector<1xi32>
    %get3A_86 = arith.constant 0 : index
    %get3A_87 = tpu.vector_load %empty_ref3A_13[%get3A_86] {strides = array<i32>} : memref<16xi32, #tpu.memory_space<vmem>>, vector<16xi32>,
    %get3A_88 = vector.shape_cast %get3A_87 : vector<16xi32> to vector<16xi32>
    %slice3A_89 = vector.extract_strided_slice %get3A_88 {offsets = [0], sizes = [1], strides = [1]} : vector<16xi32> to vector<1xi32>
    %squeeze3A_90 = vector.extract %slice3A_89[0] : i32 from vector<1xi32>
    %get3A_91 = arith.constant 0 : index
    %get3A_92 = tpu.vector_load %empty_ref3A_14[%get3A_91] {strides = array<i32>} : memref<16xi32, #tpu.memory_space<vmem>>, vector<16xi32>,
    %get3A_93 = vector.shape_cast %get3A_92 : vector<16xi32> to vector<16xi32>
    %slice3A_94 = vector.extract_strided_slice %get3A_93 {offsets = [0], sizes = [1], strides = [1]} : vector<16xi32> to vector<1xi32>
    %squeeze3A_95 = vector.extract %slice3A_94[0] : i32 from vector<1xi32>
    %get3A_96 = arith.constant 0 : index
    %get3A_97 = tpu.vector_load %empty_ref3A_15[%get3A_96] {strides = array<i32>} : memref<16xi32, #tpu.memory_space<vmem>>, vector<16xi32>,
    %get3A_98 = vector.shape_cast %get3A_97 : vector<16xi32> to vector<16xi32>
    %slice3A_99 = vector.extract_strided_slice %get3A_98 {offsets = [0], sizes = [1], strides = [1]} : vector<16xi32> to vector<1xi32>
    %squeeze3A_100 = vector.extract %slice3A_99[0] : i32 from vector<1xi32>
    %get3A_101 = arith.constant 0 : index
    %get3A_102 = tpu.vector_load %empty_ref3A_16[%get3A_101] {strides = array<i32>} : memref<16xi32, #tpu.memory_space<vmem>>, vector<16xi32>,
    %get3A_103 = vector.shape_cast %get3A_102 : vector<16xi32> to vector<16xi32>
    %slice3A_104 = vector.extract_strided_slice %get3A_103 {offsets = [0], sizes = [1], strides = [1]} : vector<16xi32> to vector<1xi32>
    %squeeze3A_105 = vector.extract %slice3A_104[0] : i32 from vector<1xi32>
    %get3A_106 = arith.constant 0 : index
    %get3A_107 = tpu.vector_load %empty_ref3A_17[%get3A_106] {strides = array<i32>} : memref<16xi32, #tpu.memory_space<vmem>>, vector<16xi32>,
    %get3A_108 = vector.shape_cast %get3A_107 : vector<16xi32> to vector<16xi32>
    %slice3A_109 = vector.extract_strided_slice %get3A_108 {offsets = [0], sizes = [1], strides = [1]} : vector<16xi32> to vector<1xi32>
    %squeeze3A_110 = vector.extract %slice3A_109[0] : i32 from vector<1xi32>
    %get3A_111 = arith.constant 0 : index
    %get3A_112 = tpu.vector_load %empty_ref3A_18[%get3A_111] {strides = array<i32>} : memref<16xi32, #tpu.memory_space<vmem>>, vector<16xi32>,
    %get3A_113 = vector.shape_cast %get3A_112 : vector<16xi32> to vector<16xi32>
    %slice3A_114 = vector.extract_strided_slice %get3A_113 {offsets = [0], sizes = [1], strides = [1]} : vector<16xi32> to vector<1xi32>
    %squeeze3A_115 = vector.extract %slice3A_114[0] : i32 from vector<1xi32>
    %mul3A = arith.constant 128 : i32
    %mul3A_116 = arith.muli %arg0, %mul3A : i32
    %add3A = arith.constant 0 : i32
    %add3A_117 = arith.addi %add3A, %arg1 : i32
    %lt3A = arith.constant 78 : i32
    %lt3A_118 = arith.cmpi slt, %add3A_117, %lt3A : i32
    %mul3A_119 = arith.constant 128 : i32
    %mul3A_120 = arith.muli %add3A_117, %mul3A_119 : i32
    %multiple_of3A = tpu.assume_multiple %mul3A_120, 128 : i32
    %convert_element_type3A = arith.extui %lt3A_118 : i1 to i32
    %cond3A = arith.constant 0 : i32
    %cond3A_121 = arith.cmpi ne, %convert_element_type3A, %cond3A : i32
    scf.if %cond3A_121 {
      %dma_start3A = arith.constant 0 : i32
      %dma_start3A_1058 = arith.constant 0 : i32
      %dma_start3A_1059 = tpu.memref_slice %arg27[%dma_start3A, %dma_start3A_1058] : memref<5x128xi32, #tpu.memory_space<vmem>> -> memref<1x128xi32, #tpu.memory_space<vmem>>
      %dma_start3A_1060 = tpu.memref_squeeze %dma_start3A_1059 : memref<1x128xi32, #tpu.memory_space<vmem>> -> memref<128xi32, #tpu.memory_space<vmem>>
      %dma_start3A_1061 = tpu.memref_slice %arg3[%multiple_of3A] : memref<10000xi32, #tpu.memory_space<hbm>> -> memref<128xi32, #tpu.memory_space<hbm>>
      %dma_start3A_1062 = arith.constant 0 : i32
      %dma_start3A_1063 = tpu.memref_slice %arg27[%dma_start3A, %dma_start3A_1062] : memref<5x128xi32, #tpu.memory_space<vmem>> -> memref<1x128xi32, #tpu.memory_space<vmem>>
      %dma_start3A_1064 = tpu.memref_squeeze %dma_start3A_1063 : memref<1x128xi32, #tpu.memory_space<vmem>> -> memref<128xi32, #tpu.memory_space<vmem>>
      %dma_start3A_1065 = tpu.memref_slice %arg3[%multiple_of3A] : memref<10000xi32, #tpu.memory_space<hbm>> -> memref<128xi32, #tpu.memory_space<hbm>>
      tpu.enqueue_dma source(%dma_start3A_1065 : memref<128xi32, #tpu.memory_space<hbm>>) target(%dma_start3A_1064 : memref<128xi32, #tpu.memory_space<vmem>>) target_semaphore(%arg35 : memref<!tpu.dma_semaphore, #tpu.memory_space<semaphore_mem>>)
      %dma_start3A_1066 = arith.constant 0 : i32
      %dma_start3A_1067 = arith.constant 0 : i32
      %dma_start3A_1068 = arith.constant 0 : i32
      %dma_start3A_1069 = tpu.memref_slice %arg26[%dma_start3A_1066, %dma_start3A_1067, %dma_start3A_1068] : memref<5x128x128xf32, #tpu.memory_space<vmem>> -> memref<1x128x128xf32, #tpu.memory_space<vmem>>
      %dma_start3A_1070 = tpu.memref_squeeze %dma_start3A_1069 : memref<1x128x128xf32, #tpu.memory_space<vmem>> -> memref<128x128xf32, #tpu.memory_space<vmem>>
      %dma_start3A_1071 = tpu.memref_slice %arg2[%multiple_of3A, %mul3A_116] : memref<10000x256xf32, #tpu.memory_space<hbm>> -> memref<128x128xf32, #tpu.memory_space<hbm>>
      %dma_start3A_1072 = arith.constant 0 : i32
      %dma_start3A_1073 = arith.constant 0 : i32
      %dma_start3A_1074 = tpu.memref_slice %arg26[%dma_start3A_1066, %dma_start3A_1072, %dma_start3A_1073] : memref<5x128x128xf32, #tpu.memory_space<vmem>> -> memref<1x128x128xf32, #tpu.memory_space<vmem>>
      %dma_start3A_1075 = tpu.memref_squeeze %dma_start3A_1074 : memref<1x128x128xf32, #tpu.memory_space<vmem>> -> memref<128x128xf32, #tpu.memory_space<vmem>>
      %dma_start3A_1076 = tpu.memref_slice %arg2[%multiple_of3A, %mul3A_116] : memref<10000x256xf32, #tpu.memory_space<hbm>> -> memref<128x128xf32, #tpu.memory_space<hbm>>
      tpu.enqueue_dma source(%dma_start3A_1076 : memref<128x128xf32, #tpu.memory_space<hbm>>) target(%dma_start3A_1075 : memref<128x128xf32, #tpu.memory_space<vmem>>) target_semaphore(%arg33 : memref<!tpu.dma_semaphore, #tpu.memory_space<semaphore_mem>>)
    } else {
    }
    %add3A_122 = arith.constant 16 : i32
    %add3A_123 = arith.addi %add3A_122, %arg1 : i32
    %lt3A_124 = arith.constant 78 : i32
    %lt3A_125 = arith.cmpi slt, %add3A_123, %lt3A_124 : i32
    %mul3A_126 = arith.constant 128 : i32
    %mul3A_127 = arith.muli %add3A_123, %mul3A_126 : i32
    %multiple_of3A_128 = tpu.assume_multiple %mul3A_127, 128 : i32
    %convert_element_type3A_129 = arith.extui %lt3A_125 : i1 to i32
    %cond3A_130 = arith.constant 0 : i32
    %cond3A_131 = arith.cmpi ne, %convert_element_type3A_129, %cond3A_130 : i32
    scf.if %cond3A_131 {
      %dma_start3A = arith.constant 1 : i32
      %dma_start3A_1058 = arith.constant 0 : i32
      %dma_start3A_1059 = tpu.memref_slice %arg27[%dma_start3A, %dma_start3A_1058] : memref<5x128xi32, #tpu.memory_space<vmem>> -> memref<1x128xi32, #tpu.memory_space<vmem>>
      %dma_start3A_1060 = tpu.memref_squeeze %dma_start3A_1059 : memref<1x128xi32, #tpu.memory_space<vmem>> -> memref<128xi32, #tpu.memory_space<vmem>>
      %dma_start3A_1061 = tpu.memref_slice %arg3[%multiple_of3A_128] : memref<10000xi32, #tpu.memory_space<hbm>> -> memref<128xi32, #tpu.memory_space<hbm>>
      %dma_start3A_1062 = arith.constant 0 : i32
      %dma_start3A_1063 = tpu.memref_slice %arg27[%dma_start3A, %dma_start3A_1062] : memref<5x128xi32, #tpu.memory_space<vmem>> -> memref<1x128xi32, #tpu.memory_space<vmem>>
      %dma_start3A_1064 = tpu.memref_squeeze %dma_start3A_1063 : memref<1x128xi32, #tpu.memory_space<vmem>> -> memref<128xi32, #tpu.memory_space<vmem>>
      %dma_start3A_1065 = tpu.memref_slice %arg3[%multiple_of3A_128] : memref<10000xi32, #tpu.memory_space<hbm>> -> memref<128xi32, #tpu.memory_space<hbm>>
      tpu.enqueue_dma source(%dma_start3A_1065 : memref<128xi32, #tpu.memory_space<hbm>>) target(%dma_start3A_1064 : memref<128xi32, #tpu.memory_space<vmem>>) target_semaphore(%arg35 : memref<!tpu.dma_semaphore, #tpu.memory_space<semaphore_mem>>)
      %dma_start3A_1066 = arith.constant 1 : i32
      %dma_start3A_1067 = arith.constant 0 : i32
      %dma_start3A_1068 = arith.constant 0 : i32
      %dma_start3A_1069 = tpu.memref_slice %arg26[%dma_start3A_1066, %dma_start3A_1067, %dma_start3A_1068] : memref<5x128x128xf32, #tpu.memory_space<vmem>> -> memref<1x128x128xf32, #tpu.memory_space<vmem>>
      %dma_start3A_1070 = tpu.memref_squeeze %dma_start3A_1069 : memref<1x128x128xf32, #tpu.memory_space<vmem>> -> memref<128x128xf32, #tpu.memory_space<vmem>>
      %dma_start3A_1071 = tpu.memref_slice %arg2[%multiple_of3A_128, %mul3A_116] : memref<10000x256xf32, #tpu.memory_space<hbm>> -> memref<128x128xf32, #tpu.memory_space<hbm>>
      %dma_start3A_1072 = arith.constant 0 : i32
      %dma_start3A_1073 = arith.constant 0 : i32
      %dma_start3A_1074 = tpu.memref_slice %arg26[%dma_start3A_1066, %dma_start3A_1072, %dma_start3A_1073] : memref<5x128x128xf32, #tpu.memory_space<vmem>> -> memref<1x128x128xf32, #tpu.memory_space<vmem>>
      %dma_start3A_1075 = tpu.memref_squeeze %dma_start3A_1074 : memref<1x128x128xf32, #tpu.memory_space<vmem>> -> memref<128x128xf32, #tpu.memory_space<vmem>>
      %dma_start3A_1076 = tpu.memref_slice %arg2[%multiple_of3A_128, %mul3A_116] : memref<10000x256xf32, #tpu.memory_space<hbm>> -> memref<128x128xf32, #tpu.memory_space<hbm>>
      tpu.enqueue_dma source(%dma_start3A_1076 : memref<128x128xf32, #tpu.memory_space<hbm>>) target(%dma_start3A_1075 : memref<128x128xf32, #tpu.memory_space<vmem>>) target_semaphore(%arg33 : memref<!tpu.dma_semaphore, #tpu.memory_space<semaphore_mem>>)
    } else {
    }
    %add3A_132 = arith.constant 32 : i32
    %add3A_133 = arith.addi %add3A_132, %arg1 : i32
    %lt3A_134 = arith.constant 78 : i32
    %lt3A_135 = arith.cmpi slt, %add3A_133, %lt3A_134 : i32
    %mul3A_136 = arith.constant 128 : i32
    %mul3A_137 = arith.muli %add3A_133, %mul3A_136 : i32
    %multiple_of3A_138 = tpu.assume_multiple %mul3A_137, 128 : i32
    %convert_element_type3A_139 = arith.extui %lt3A_135 : i1 to i32
    %cond3A_140 = arith.constant 0 : i32
    %cond3A_141 = arith.cmpi ne, %convert_element_type3A_139, %cond3A_140 : i32
    scf.if %cond3A_141 {
      %dma_start3A = arith.constant 2 : i32
      %dma_start3A_1058 = arith.constant 0 : i32
      %dma_start3A_1059 = tpu.memref_slice %arg27[%dma_start3A, %dma_start3A_1058] : memref<5x128xi32, #tpu.memory_space<vmem>> -> memref<1x128xi32, #tpu.memory_space<vmem>>
      %dma_start3A_1060 = tpu.memref_squeeze %dma_start3A_1059 : memref<1x128xi32, #tpu.memory_space<vmem>> -> memref<128xi32, #tpu.memory_space<vmem>>
      %dma_start3A_1061 = tpu.memref_slice %arg3[%multiple_of3A_138] : memref<10000xi32, #tpu.memory_space<hbm>> -> memref<128xi32, #tpu.memory_space<hbm>>
      %dma_start3A_1062 = arith.constant 0 : i32
      %dma_start3A_1063 = tpu.memref_slice %arg27[%dma_start3A, %dma_start3A_1062] : memref<5x128xi32, #tpu.memory_space<vmem>> -> memref<1x128xi32, #tpu.memory_space<vmem>>
      %dma_start3A_1064 = tpu.memref_squeeze %dma_start3A_1063 : memref<1x128xi32, #tpu.memory_space<vmem>> -> memref<128xi32, #tpu.memory_space<vmem>>
      %dma_start3A_1065 = tpu.memref_slice %arg3[%multiple_of3A_138] : memref<10000xi32, #tpu.memory_space<hbm>> -> memref<128xi32, #tpu.memory_space<hbm>>
      tpu.enqueue_dma source(%dma_start3A_1065 : memref<128xi32, #tpu.memory_space<hbm>>) target(%dma_start3A_1064 : memref<128xi32, #tpu.memory_space<vmem>>) target_semaphore(%arg35 : memref<!tpu.dma_semaphore, #tpu.memory_space<semaphore_mem>>)
      %dma_start3A_1066 = arith.constant 2 : i32
      %dma_start3A_1067 = arith.constant 0 : i32
      %dma_start3A_1068 = arith.constant 0 : i32
      %dma_start3A_1069 = tpu.memref_slice %arg26[%dma_start3A_1066, %dma_start3A_1067, %dma_start3A_1068] : memref<5x128x128xf32, #tpu.memory_space<vmem>> -> memref<1x128x128xf32, #tpu.memory_space<vmem>>
      %dma_start3A_1070 = tpu.memref_squeeze %dma_start3A_1069 : memref<1x128x128xf32, #tpu.memory_space<vmem>> -> memref<128x128xf32, #tpu.memory_space<vmem>>
      %dma_start3A_1071 = tpu.memref_slice %arg2[%multiple_of3A_138, %mul3A_116] : memref<10000x256xf32, #tpu.memory_space<hbm>> -> memref<128x128xf32, #tpu.memory_space<hbm>>
      %dma_start3A_1072 = arith.constant 0 : i32
      %dma_start3A_1073 = arith.constant 0 : i32
      %dma_start3A_1074 = tpu.memref_slice %arg26[%dma_start3A_1066, %dma_start3A_1072, %dma_start3A_1073] : memref<5x128x128xf32, #tpu.memory_space<vmem>> -> memref<1x128x128xf32, #tpu.memory_space<vmem>>
      %dma_start3A_1075 = tpu.memref_squeeze %dma_start3A_1074 : memref<1x128x128xf32, #tpu.memory_space<vmem>> -> memref<128x128xf32, #tpu.memory_space<vmem>>
      %dma_start3A_1076 = tpu.memref_slice %arg2[%multiple_of3A_138, %mul3A_116] : memref<10000x256xf32, #tpu.memory_space<hbm>> -> memref<128x128xf32, #tpu.memory_space<hbm>>
      tpu.enqueue_dma source(%dma_start3A_1076 : memref<128x128xf32, #tpu.memory_space<hbm>>) target(%dma_start3A_1075 : memref<128x128xf32, #tpu.memory_space<vmem>>) target_semaphore(%arg33 : memref<!tpu.dma_semaphore, #tpu.memory_space<semaphore_mem>>)
    } else {
    }
    %add3A_142 = arith.constant 48 : i32
    %add3A_143 = arith.addi %add3A_142, %arg1 : i32
    %lt3A_144 = arith.constant 78 : i32
    %lt3A_145 = arith.cmpi slt, %add3A_143, %lt3A_144 : i32
    %mul3A_146 = arith.constant 128 : i32
    %mul3A_147 = arith.muli %add3A_143, %mul3A_146 : i32
    %multiple_of3A_148 = tpu.assume_multiple %mul3A_147, 128 : i32
    %convert_element_type3A_149 = arith.extui %lt3A_145 : i1 to i32
    %cond3A_150 = arith.constant 0 : i32
    %cond3A_151 = arith.cmpi ne, %convert_element_type3A_149, %cond3A_150 : i32
    scf.if %cond3A_151 {
      %dma_start3A = arith.constant 3 : i32
      %dma_start3A_1058 = arith.constant 0 : i32
      %dma_start3A_1059 = tpu.memref_slice %arg27[%dma_start3A, %dma_start3A_1058] : memref<5x128xi32, #tpu.memory_space<vmem>> -> memref<1x128xi32, #tpu.memory_space<vmem>>
      %dma_start3A_1060 = tpu.memref_squeeze %dma_start3A_1059 : memref<1x128xi32, #tpu.memory_space<vmem>> -> memref<128xi32, #tpu.memory_space<vmem>>
      %dma_start3A_1061 = tpu.memref_slice %arg3[%multiple_of3A_148] : memref<10000xi32, #tpu.memory_space<hbm>> -> memref<128xi32, #tpu.memory_space<hbm>>
      %dma_start3A_1062 = arith.constant 0 : i32
      %dma_start3A_1063 = tpu.memref_slice %arg27[%dma_start3A, %dma_start3A_1062] : memref<5x128xi32, #tpu.memory_space<vmem>> -> memref<1x128xi32, #tpu.memory_space<vmem>>
      %dma_start3A_1064 = tpu.memref_squeeze %dma_start3A_1063 : memref<1x128xi32, #tpu.memory_space<vmem>> -> memref<128xi32, #tpu.memory_space<vmem>>
      %dma_start3A_1065 = tpu.memref_slice %arg3[%multiple_of3A_148] : memref<10000xi32, #tpu.memory_space<hbm>> -> memref<128xi32, #tpu.memory_space<hbm>>
      tpu.enqueue_dma source(%dma_start3A_1065 : memref<128xi32, #tpu.memory_space<hbm>>) target(%dma_start3A_1064 : memref<128xi32, #tpu.memory_space<vmem>>) target_semaphore(%arg35 : memref<!tpu.dma_semaphore, #tpu.memory_space<semaphore_mem>>)
      %dma_start3A_1066 = arith.constant 3 : i32
      %dma_start3A_1067 = arith.constant 0 : i32
      %dma_start3A_1068 = arith.constant 0 : i32
      %dma_start3A_1069 = tpu.memref_slice %arg26[%dma_start3A_1066, %dma_start3A_1067, %dma_start3A_1068] : memref<5x128x128xf32, #tpu.memory_space<vmem>> -> memref<1x128x128xf32, #tpu.memory_space<vmem>>
      %dma_start3A_1070 = tpu.memref_squeeze %dma_start3A_1069 : memref<1x128x128xf32, #tpu.memory_space<vmem>> -> memref<128x128xf32, #tpu.memory_space<vmem>>
      %dma_start3A_1071 = tpu.memref_slice %arg2[%multiple_of3A_148, %mul3A_116] : memref<10000x256xf32, #tpu.memory_space<hbm>> -> memref<128x128xf32, #tpu.memory_space<hbm>>
      %dma_start3A_1072 = arith.constant 0 : i32
      %dma_start3A_1073 = arith.constant 0 : i32
      %dma_start3A_1074 = tpu.memref_slice %arg26[%dma_start3A_1066, %dma_start3A_1072, %dma_start3A_1073] : memref<5x128x128xf32, #tpu.memory_space<vmem>> -> memref<1x128x128xf32, #tpu.memory_space<vmem>>
      %dma_start3A_1075 = tpu.memref_squeeze %dma_start3A_1074 : memref<1x128x128xf32, #tpu.memory_space<vmem>> -> memref<128x128xf32, #tpu.memory_space<vmem>>
      %dma_start3A_1076 = tpu.memref_slice %arg2[%multiple_of3A_148, %mul3A_116] : memref<10000x256xf32, #tpu.memory_space<hbm>> -> memref<128x128xf32, #tpu.memory_space<hbm>>
      tpu.enqueue_dma source(%dma_start3A_1076 : memref<128x128xf32, #tpu.memory_space<hbm>>) target(%dma_start3A_1075 : memref<128x128xf32, #tpu.memory_space<vmem>>) target_semaphore(%arg33 : memref<!tpu.dma_semaphore, #tpu.memory_space<semaphore_mem>>)
    } else {
    }
    %add3A_152 = arith.constant 64 : i32
    %add3A_153 = arith.addi %add3A_152, %arg1 : i32
    %lt3A_154 = arith.constant 78 : i32
    %lt3A_155 = arith.cmpi slt, %add3A_153, %lt3A_154 : i32
    %mul3A_156 = arith.constant 128 : i32
    %mul3A_157 = arith.muli %add3A_153, %mul3A_156 : i32
    %multiple_of3A_158 = tpu.assume_multiple %mul3A_157, 128 : i32
    %convert_element_type3A_159 = arith.extui %lt3A_155 : i1 to i32
    %cond3A_160 = arith.constant 0 : i32
    %cond3A_161 = arith.cmpi ne, %convert_element_type3A_159, %cond3A_160 : i32
    scf.if %cond3A_161 {
      %dma_start3A = arith.constant 4 : i32
      %dma_start3A_1058 = arith.constant 0 : i32
      %dma_start3A_1059 = tpu.memref_slice %arg27[%dma_start3A, %dma_start3A_1058] : memref<5x128xi32, #tpu.memory_space<vmem>> -> memref<1x128xi32, #tpu.memory_space<vmem>>
      %dma_start3A_1060 = tpu.memref_squeeze %dma_start3A_1059 : memref<1x128xi32, #tpu.memory_space<vmem>> -> memref<128xi32, #tpu.memory_space<vmem>>
      %dma_start3A_1061 = tpu.memref_slice %arg3[%multiple_of3A_158] : memref<10000xi32, #tpu.memory_space<hbm>> -> memref<128xi32, #tpu.memory_space<hbm>>
      %dma_start3A_1062 = arith.constant 0 : i32
      %dma_start3A_1063 = tpu.memref_slice %arg27[%dma_start3A, %dma_start3A_1062] : memref<5x128xi32, #tpu.memory_space<vmem>> -> memref<1x128xi32, #tpu.memory_space<vmem>>
      %dma_start3A_1064 = tpu.memref_squeeze %dma_start3A_1063 : memref<1x128xi32, #tpu.memory_space<vmem>> -> memref<128xi32, #tpu.memory_space<vmem>>
      %dma_start3A_1065 = tpu.memref_slice %arg3[%multiple_of3A_158] : memref<10000xi32, #tpu.memory_space<hbm>> -> memref<128xi32, #tpu.memory_space<hbm>>
      tpu.enqueue_dma source(%dma_start3A_1065 : memref<128xi32, #tpu.memory_space<hbm>>) target(%dma_start3A_1064 : memref<128xi32, #tpu.memory_space<vmem>>) target_semaphore(%arg35 : memref<!tpu.dma_semaphore, #tpu.memory_space<semaphore_mem>>)
      %dma_start3A_1066 = arith.constant 4 : i32
      %dma_start3A_1067 = arith.constant 0 : i32
      %dma_start3A_1068 = arith.constant 0 : i32
      %dma_start3A_1069 = tpu.memref_slice %arg26[%dma_start3A_1066, %dma_start3A_1067, %dma_start3A_1068] : memref<5x128x128xf32, #tpu.memory_space<vmem>> -> memref<1x128x128xf32, #tpu.memory_space<vmem>>
      %dma_start3A_1070 = tpu.memref_squeeze %dma_start3A_1069 : memref<1x128x128xf32, #tpu.memory_space<vmem>> -> memref<128x128xf32, #tpu.memory_space<vmem>>
      %dma_start3A_1071 = tpu.memref_slice %arg2[%multiple_of3A_158, %mul3A_116] : memref<10000x256xf32, #tpu.memory_space<hbm>> -> memref<128x128xf32, #tpu.memory_space<hbm>>
      %dma_start3A_1072 = arith.constant 0 : i32
      %dma_start3A_1073 = arith.constant 0 : i32
      %dma_start3A_1074 = tpu.memref_slice %arg26[%dma_start3A_1066, %dma_start3A_1072, %dma_start3A_1073] : memref<5x128x128xf32, #tpu.memory_space<vmem>> -> memref<1x128x128xf32, #tpu.memory_space<vmem>>
      %dma_start3A_1075 = tpu.memref_squeeze %dma_start3A_1074 : memref<1x128x128xf32, #tpu.memory_space<vmem>> -> memref<128x128xf32, #tpu.memory_space<vmem>>
      %dma_start3A_1076 = tpu.memref_slice %arg2[%multiple_of3A_158, %mul3A_116] : memref<10000x256xf32, #tpu.memory_space<hbm>> -> memref<128x128xf32, #tpu.memory_space<hbm>>
      tpu.enqueue_dma source(%dma_start3A_1076 : memref<128x128xf32, #tpu.memory_space<hbm>>) target(%dma_start3A_1075 : memref<128x128xf32, #tpu.memory_space<vmem>>) target_semaphore(%arg33 : memref<!tpu.dma_semaphore, #tpu.memory_space<semaphore_mem>>)
    } else {
    }
    %broadcast_in_dim3A = arith.constant 0.000000e+00 : f32
    %broadcast_in_dim3A_162 = vector.broadcast %broadcast_in_dim3A : f32 to vector<16xf32>
    %swap3A = arith.constant 0 : i32
    %swap3A_163 = arith.index_cast %swap3A : i32 to index
    %swap3A_164 = arith.constant 0 : index
    %swap3A_165 = tpu.vector_load %arg31[%swap3A_163, %swap3A_164] {strides = array<i32>} : memref<4x128xf32, #tpu.memory_space<vmem>>, vector<1x16xf32>,
    %swap3A_166 = vector.shape_cast %swap3A_165 : vector<1x16xf32> to vector<16xf32>
    %swap3A_167 = vector.shape_cast %broadcast_in_dim3A_162 : vector<16xf32> to vector<1x16xf32>
    tpu.vector_store %arg31[%swap3A_163, %swap3A_164], %swap3A_167 {strides = array<i32>} : memref<4x128xf32, #tpu.memory_space<vmem>>, vector<1x16xf32>,
    %swap3A_168 = arith.constant 0 : i32
    %swap3A_169 = arith.index_cast %swap3A_168 : i32 to index
    %swap3A_170 = arith.constant 16 : index
    %swap3A_171 = tpu.vector_load %arg31[%swap3A_169, %swap3A_170] {strides = array<i32>} : memref<4x128xf32, #tpu.memory_space<vmem>>, vector<1x16xf32>,
    %swap3A_172 = vector.shape_cast %swap3A_171 : vector<1x16xf32> to vector<16xf32>
    %swap3A_173 = vector.shape_cast %broadcast_in_dim3A_162 : vector<16xf32> to vector<1x16xf32>
    tpu.vector_store %arg31[%swap3A_169, %swap3A_170], %swap3A_173 {strides = array<i32>} : memref<4x128xf32, #tpu.memory_space<vmem>>, vector<1x16xf32>,
    %swap3A_174 = arith.constant 0 : i32
    %swap3A_175 = arith.index_cast %swap3A_174 : i32 to index
    %swap3A_176 = arith.constant 32 : index
    %swap3A_177 = tpu.vector_load %arg31[%swap3A_175, %swap3A_176] {strides = array<i32>} : memref<4x128xf32, #tpu.memory_space<vmem>>, vector<1x16xf32>,
    %swap3A_178 = vector.shape_cast %swap3A_177 : vector<1x16xf32> to vector<16xf32>
    %swap3A_179 = vector.shape_cast %broadcast_in_dim3A_162 : vector<16xf32> to vector<1x16xf32>
    tpu.vector_store %arg31[%swap3A_175, %swap3A_176], %swap3A_179 {strides = array<i32>} : memref<4x128xf32, #tpu.memory_space<vmem>>, vector<1x16xf32>,
    %swap3A_180 = arith.constant 0 : i32
    %swap3A_181 = arith.index_cast %swap3A_180 : i32 to index
    %swap3A_182 = arith.constant 48 : index
    %swap3A_183 = tpu.vector_load %arg31[%swap3A_181, %swap3A_182] {strides = array<i32>} : memref<4x128xf32, #tpu.memory_space<vmem>>, vector<1x16xf32>,
    %swap3A_184 = vector.shape_cast %swap3A_183 : vector<1x16xf32> to vector<16xf32>
    %swap3A_185 = vector.shape_cast %broadcast_in_dim3A_162 : vector<16xf32> to vector<1x16xf32>
    tpu.vector_store %arg31[%swap3A_181, %swap3A_182], %swap3A_185 {strides = array<i32>} : memref<4x128xf32, #tpu.memory_space<vmem>>, vector<1x16xf32>,
    %swap3A_186 = arith.constant 0 : i32
    %swap3A_187 = arith.index_cast %swap3A_186 : i32 to index
    %swap3A_188 = arith.constant 64 : index
    %swap3A_189 = tpu.vector_load %arg31[%swap3A_187, %swap3A_188] {strides = array<i32>} : memref<4x128xf32, #tpu.memory_space<vmem>>, vector<1x16xf32>,
    %swap3A_190 = vector.shape_cast %swap3A_189 : vector<1x16xf32> to vector<16xf32>
    %swap3A_191 = vector.shape_cast %broadcast_in_dim3A_162 : vector<16xf32> to vector<1x16xf32>
    tpu.vector_store %arg31[%swap3A_187, %swap3A_188], %swap3A_191 {strides = array<i32>} : memref<4x128xf32, #tpu.memory_space<vmem>>, vector<1x16xf32>,
    %swap3A_192 = arith.constant 0 : i32
    %swap3A_193 = arith.index_cast %swap3A_192 : i32 to index
    %swap3A_194 = arith.constant 80 : index
    %swap3A_195 = tpu.vector_load %arg31[%swap3A_193, %swap3A_194] {strides = array<i32>} : memref<4x128xf32, #tpu.memory_space<vmem>>, vector<1x16xf32>,
    %swap3A_196 = vector.shape_cast %swap3A_195 : vector<1x16xf32> to vector<16xf32>
    %swap3A_197 = vector.shape_cast %broadcast_in_dim3A_162 : vector<16xf32> to vector<1x16xf32>
    tpu.vector_store %arg31[%swap3A_193, %swap3A_194], %swap3A_197 {strides = array<i32>} : memref<4x128xf32, #tpu.memory_space<vmem>>, vector<1x16xf32>,
    %swap3A_198 = arith.constant 0 : i32
    %swap3A_199 = arith.index_cast %swap3A_198 : i32 to index
    %swap3A_200 = arith.constant 96 : index
    %swap3A_201 = tpu.vector_load %arg31[%swap3A_199, %swap3A_200] {strides = array<i32>} : memref<4x128xf32, #tpu.memory_space<vmem>>, vector<1x16xf32>,
    %swap3A_202 = vector.shape_cast %swap3A_201 : vector<1x16xf32> to vector<16xf32>
    %swap3A_203 = vector.shape_cast %broadcast_in_dim3A_162 : vector<16xf32> to vector<1x16xf32>
    tpu.vector_store %arg31[%swap3A_199, %swap3A_200], %swap3A_203 {strides = array<i32>} : memref<4x128xf32, #tpu.memory_space<vmem>>, vector<1x16xf32>,
    %swap3A_204 = arith.constant 0 : i32
    %swap3A_205 = arith.index_cast %swap3A_204 : i32 to index
    %swap3A_206 = arith.constant 112 : index
    %swap3A_207 = tpu.vector_load %arg31[%swap3A_205, %swap3A_206] {strides = array<i32>} : memref<4x128xf32, #tpu.memory_space<vmem>>, vector<1x16xf32>,
    %swap3A_208 = vector.shape_cast %swap3A_207 : vector<1x16xf32> to vector<16xf32>
    %swap3A_209 = vector.shape_cast %broadcast_in_dim3A_162 : vector<16xf32> to vector<1x16xf32>
    tpu.vector_store %arg31[%swap3A_205, %swap3A_206], %swap3A_209 {strides = array<i32>} : memref<4x128xf32, #tpu.memory_space<vmem>>, vector<1x16xf32>,
    %swap3A_210 = arith.constant 1 : i32
    %swap3A_211 = arith.index_cast %swap3A_210 : i32 to index
    %swap3A_212 = arith.constant 0 : index
    %swap3A_213 = tpu.vector_load %arg31[%swap3A_211, %swap3A_212] {strides = array<i32>} : memref<4x128xf32, #tpu.memory_space<vmem>>, vector<1x16xf32>,
    %swap3A_214 = vector.shape_cast %swap3A_213 : vector<1x16xf32> to vector<16xf32>
    %swap3A_215 = vector.shape_cast %broadcast_in_dim3A_162 : vector<16xf32> to vector<1x16xf32>
    tpu.vector_store %arg31[%swap3A_211, %swap3A_212], %swap3A_215 {strides = array<i32>} : memref<4x128xf32, #tpu.memory_space<vmem>>, vector<1x16xf32>,
    %swap3A_216 = arith.constant 1 : i32
    %swap3A_217 = arith.index_cast %swap3A_216 : i32 to index
    %swap3A_218 = arith.constant 16 : index
    %swap3A_219 = tpu.vector_load %arg31[%swap3A_217, %swap3A_218] {strides = array<i32>} : memref<4x128xf32, #tpu.memory_space<vmem>>, vector<1x16xf32>,
    %swap3A_220 = vector.shape_cast %swap3A_219 : vector<1x16xf32> to vector<16xf32>
    %swap3A_221 = vector.shape_cast %broadcast_in_dim3A_162 : vector<16xf32> to vector<1x16xf32>
    tpu.vector_store %arg31[%swap3A_217, %swap3A_218], %swap3A_221 {strides = array<i32>} : memref<4x128xf32, #tpu.memory_space<vmem>>, vector<1x16xf32>,
    %swap3A_222 = arith.constant 1 : i32
    %swap3A_223 = arith.index_cast %swap3A_222 : i32 to index
    %swap3A_224 = arith.constant 32 : index
    %swap3A_225 = tpu.vector_load %arg31[%swap3A_223, %swap3A_224] {strides = array<i32>} : memref<4x128xf32, #tpu.memory_space<vmem>>, vector<1x16xf32>,
    %swap3A_226 = vector.shape_cast %swap3A_225 : vector<1x16xf32> to vector<16xf32>
    %swap3A_227 = vector.shape_cast %broadcast_in_dim3A_162 : vector<16xf32> to vector<1x16xf32>
    tpu.vector_store %arg31[%swap3A_223, %swap3A_224], %swap3A_227 {strides = array<i32>} : memref<4x128xf32, #tpu.memory_space<vmem>>, vector<1x16xf32>,
    %swap3A_228 = arith.constant 1 : i32
    %swap3A_229 = arith.index_cast %swap3A_228 : i32 to index
    %swap3A_230 = arith.constant 48 : index
    %swap3A_231 = tpu.vector_load %arg31[%swap3A_229, %swap3A_230] {strides = array<i32>} : memref<4x128xf32, #tpu.memory_space<vmem>>, vector<1x16xf32>,
    %swap3A_232 = vector.shape_cast %swap3A_231 : vector<1x16xf32> to vector<16xf32>
    %swap3A_233 = vector.shape_cast %broadcast_in_dim3A_162 : vector<16xf32> to vector<1x16xf32>
    tpu.vector_store %arg31[%swap3A_229, %swap3A_230], %swap3A_233 {strides = array<i32>} : memref<4x128xf32, #tpu.memory_space<vmem>>, vector<1x16xf32>,
    %swap3A_234 = arith.constant 1 : i32
    %swap3A_235 = arith.index_cast %swap3A_234 : i32 to index
    %swap3A_236 = arith.constant 64 : index
    %swap3A_237 = tpu.vector_load %arg31[%swap3A_235, %swap3A_236] {strides = array<i32>} : memref<4x128xf32, #tpu.memory_space<vmem>>, vector<1x16xf32>,
    %swap3A_238 = vector.shape_cast %swap3A_237 : vector<1x16xf32> to vector<16xf32>
    %swap3A_239 = vector.shape_cast %broadcast_in_dim3A_162 : vector<16xf32> to vector<1x16xf32>
    tpu.vector_store %arg31[%swap3A_235, %swap3A_236], %swap3A_239 {strides = array<i32>} : memref<4x128xf32, #tpu.memory_space<vmem>>, vector<1x16xf32>,
    %swap3A_240 = arith.constant 1 : i32
    %swap3A_241 = arith.index_cast %swap3A_240 : i32 to index
    %swap3A_242 = arith.constant 80 : index
    %swap3A_243 = tpu.vector_load %arg31[%swap3A_241, %swap3A_242] {strides = array<i32>} : memref<4x128xf32, #tpu.memory_space<vmem>>, vector<1x16xf32>,
    %swap3A_244 = vector.shape_cast %swap3A_243 : vector<1x16xf32> to vector<16xf32>
    %swap3A_245 = vector.shape_cast %broadcast_in_dim3A_162 : vector<16xf32> to vector<1x16xf32>
    tpu.vector_store %arg31[%swap3A_241, %swap3A_242], %swap3A_245 {strides = array<i32>} : memref<4x128xf32, #tpu.memory_space<vmem>>, vector<1x16xf32>,
    %swap3A_246 = arith.constant 1 : i32
    %swap3A_247 = arith.index_cast %swap3A_246 : i32 to index
    %swap3A_248 = arith.constant 96 : index
    %swap3A_249 = tpu.vector_load %arg31[%swap3A_247, %swap3A_248] {strides = array<i32>} : memref<4x128xf32, #tpu.memory_space<vmem>>, vector<1x16xf32>,
    %swap3A_250 = vector.shape_cast %swap3A_249 : vector<1x16xf32> to vector<16xf32>
    %swap3A_251 = vector.shape_cast %broadcast_in_dim3A_162 : vector<16xf32> to vector<1x16xf32>
    tpu.vector_store %arg31[%swap3A_247, %swap3A_248], %swap3A_251 {strides = array<i32>} : memref<4x128xf32, #tpu.memory_space<vmem>>, vector<1x16xf32>,
    %swap3A_252 = arith.constant 1 : i32
    %swap3A_253 = arith.index_cast %swap3A_252 : i32 to index
    %swap3A_254 = arith.constant 112 : index
    %swap3A_255 = tpu.vector_load %arg31[%swap3A_253, %swap3A_254] {strides = array<i32>} : memref<4x128xf32, #tpu.memory_space<vmem>>, vector<1x16xf32>,
    %swap3A_256 = vector.shape_cast %swap3A_255 : vector<1x16xf32> to vector<16xf32>
    %swap3A_257 = vector.shape_cast %broadcast_in_dim3A_162 : vector<16xf32> to vector<1x16xf32>
    tpu.vector_store %arg31[%swap3A_253, %swap3A_254], %swap3A_257 {strides = array<i32>} : memref<4x128xf32, #tpu.memory_space<vmem>>, vector<1x16xf32>,
    %swap3A_258 = arith.constant 2 : i32
    %swap3A_259 = arith.index_cast %swap3A_258 : i32 to index
    %swap3A_260 = arith.constant 0 : index
    %swap3A_261 = tpu.vector_load %arg31[%swap3A_259, %swap3A_260] {strides = array<i32>} : memref<4x128xf32, #tpu.memory_space<vmem>>, vector<1x16xf32>,
    %swap3A_262 = vector.shape_cast %swap3A_261 : vector<1x16xf32> to vector<16xf32>
    %swap3A_263 = vector.shape_cast %broadcast_in_dim3A_162 : vector<16xf32> to vector<1x16xf32>
    tpu.vector_store %arg31[%swap3A_259, %swap3A_260], %swap3A_263 {strides = array<i32>} : memref<4x128xf32, #tpu.memory_space<vmem>>, vector<1x16xf32>,
    %swap3A_264 = arith.constant 2 : i32
    %swap3A_265 = arith.index_cast %swap3A_264 : i32 to index
    %swap3A_266 = arith.constant 16 : index
    %swap3A_267 = tpu.vector_load %arg31[%swap3A_265, %swap3A_266] {strides = array<i32>} : memref<4x128xf32, #tpu.memory_space<vmem>>, vector<1x16xf32>,
    %swap3A_268 = vector.shape_cast %swap3A_267 : vector<1x16xf32> to vector<16xf32>
    %swap3A_269 = vector.shape_cast %broadcast_in_dim3A_162 : vector<16xf32> to vector<1x16xf32>
    tpu.vector_store %arg31[%swap3A_265, %swap3A_266], %swap3A_269 {strides = array<i32>} : memref<4x128xf32, #tpu.memory_space<vmem>>, vector<1x16xf32>,
    %swap3A_270 = arith.constant 2 : i32
    %swap3A_271 = arith.index_cast %swap3A_270 : i32 to index
    %swap3A_272 = arith.constant 32 : index
    %swap3A_273 = tpu.vector_load %arg31[%swap3A_271, %swap3A_272] {strides = array<i32>} : memref<4x128xf32, #tpu.memory_space<vmem>>, vector<1x16xf32>,
    %swap3A_274 = vector.shape_cast %swap3A_273 : vector<1x16xf32> to vector<16xf32>
    %swap3A_275 = vector.shape_cast %broadcast_in_dim3A_162 : vector<16xf32> to vector<1x16xf32>
    tpu.vector_store %arg31[%swap3A_271, %swap3A_272], %swap3A_275 {strides = array<i32>} : memref<4x128xf32, #tpu.memory_space<vmem>>, vector<1x16xf32>,
    %swap3A_276 = arith.constant 2 : i32
    %swap3A_277 = arith.index_cast %swap3A_276 : i32 to index
    %swap3A_278 = arith.constant 48 : index
    %swap3A_279 = tpu.vector_load %arg31[%swap3A_277, %swap3A_278] {strides = array<i32>} : memref<4x128xf32, #tpu.memory_space<vmem>>, vector<1x16xf32>,
    %swap3A_280 = vector.shape_cast %swap3A_279 : vector<1x16xf32> to vector<16xf32>
    %swap3A_281 = vector.shape_cast %broadcast_in_dim3A_162 : vector<16xf32> to vector<1x16xf32>
    tpu.vector_store %arg31[%swap3A_277, %swap3A_278], %swap3A_281 {strides = array<i32>} : memref<4x128xf32, #tpu.memory_space<vmem>>, vector<1x16xf32>,
    %swap3A_282 = arith.constant 2 : i32
    %swap3A_283 = arith.index_cast %swap3A_282 : i32 to index
    %swap3A_284 = arith.constant 64 : index
    %swap3A_285 = tpu.vector_load %arg31[%swap3A_283, %swap3A_284] {strides = array<i32>} : memref<4x128xf32, #tpu.memory_space<vmem>>, vector<1x16xf32>,
    %swap3A_286 = vector.shape_cast %swap3A_285 : vector<1x16xf32> to vector<16xf32>
    %swap3A_287 = vector.shape_cast %broadcast_in_dim3A_162 : vector<16xf32> to vector<1x16xf32>
    tpu.vector_store %arg31[%swap3A_283, %swap3A_284], %swap3A_287 {strides = array<i32>} : memref<4x128xf32, #tpu.memory_space<vmem>>, vector<1x16xf32>,
    %swap3A_288 = arith.constant 2 : i32
    %swap3A_289 = arith.index_cast %swap3A_288 : i32 to index
    %swap3A_290 = arith.constant 80 : index
    %swap3A_291 = tpu.vector_load %arg31[%swap3A_289, %swap3A_290] {strides = array<i32>} : memref<4x128xf32, #tpu.memory_space<vmem>>, vector<1x16xf32>,
    %swap3A_292 = vector.shape_cast %swap3A_291 : vector<1x16xf32> to vector<16xf32>
    %swap3A_293 = vector.shape_cast %broadcast_in_dim3A_162 : vector<16xf32> to vector<1x16xf32>
    tpu.vector_store %arg31[%swap3A_289, %swap3A_290], %swap3A_293 {strides = array<i32>} : memref<4x128xf32, #tpu.memory_space<vmem>>, vector<1x16xf32>,
    %swap3A_294 = arith.constant 2 : i32
    %swap3A_295 = arith.index_cast %swap3A_294 : i32 to index
    %swap3A_296 = arith.constant 96 : index
    %swap3A_297 = tpu.vector_load %arg31[%swap3A_295, %swap3A_296] {strides = array<i32>} : memref<4x128xf32, #tpu.memory_space<vmem>>, vector<1x16xf32>,
    %swap3A_298 = vector.shape_cast %swap3A_297 : vector<1x16xf32> to vector<16xf32>
    %swap3A_299 = vector.shape_cast %broadcast_in_dim3A_162 : vector<16xf32> to vector<1x16xf32>
    tpu.vector_store %arg31[%swap3A_295, %swap3A_296], %swap3A_299 {strides = array<i32>} : memref<4x128xf32, #tpu.memory_space<vmem>>, vector<1x16xf32>,
    %swap3A_300 = arith.constant 2 : i32
    %swap3A_301 = arith.index_cast %swap3A_300 : i32 to index
    %swap3A_302 = arith.constant 112 : index
    %swap3A_303 = tpu.vector_load %arg31[%swap3A_301, %swap3A_302] {strides = array<i32>} : memref<4x128xf32, #tpu.memory_space<vmem>>, vector<1x16xf32>,
    %swap3A_304 = vector.shape_cast %swap3A_303 : vector<1x16xf32> to vector<16xf32>
    %swap3A_305 = vector.shape_cast %broadcast_in_dim3A_162 : vector<16xf32> to vector<1x16xf32>
    tpu.vector_store %arg31[%swap3A_301, %swap3A_302], %swap3A_305 {strides = array<i32>} : memref<4x128xf32, #tpu.memory_space<vmem>>, vector<1x16xf32>,
    %swap3A_306 = arith.constant 3 : i32
    %swap3A_307 = arith.index_cast %swap3A_306 : i32 to index
    %swap3A_308 = arith.constant 0 : index
    %swap3A_309 = tpu.vector_load %arg31[%swap3A_307, %swap3A_308] {strides = array<i32>} : memref<4x128xf32, #tpu.memory_space<vmem>>, vector<1x16xf32>,
    %swap3A_310 = vector.shape_cast %swap3A_309 : vector<1x16xf32> to vector<16xf32>
    %swap3A_311 = vector.shape_cast %broadcast_in_dim3A_162 : vector<16xf32> to vector<1x16xf32>
    tpu.vector_store %arg31[%swap3A_307, %swap3A_308], %swap3A_311 {strides = array<i32>} : memref<4x128xf32, #tpu.memory_space<vmem>>, vector<1x16xf32>,
    %swap3A_312 = arith.constant 3 : i32
    %swap3A_313 = arith.index_cast %swap3A_312 : i32 to index
    %swap3A_314 = arith.constant 16 : index
    %swap3A_315 = tpu.vector_load %arg31[%swap3A_313, %swap3A_314] {strides = array<i32>} : memref<4x128xf32, #tpu.memory_space<vmem>>, vector<1x16xf32>,
    %swap3A_316 = vector.shape_cast %swap3A_315 : vector<1x16xf32> to vector<16xf32>
    %swap3A_317 = vector.shape_cast %broadcast_in_dim3A_162 : vector<16xf32> to vector<1x16xf32>
    tpu.vector_store %arg31[%swap3A_313, %swap3A_314], %swap3A_317 {strides = array<i32>} : memref<4x128xf32, #tpu.memory_space<vmem>>, vector<1x16xf32>,
    %swap3A_318 = arith.constant 3 : i32
    %swap3A_319 = arith.index_cast %swap3A_318 : i32 to index
    %swap3A_320 = arith.constant 32 : index
    %swap3A_321 = tpu.vector_load %arg31[%swap3A_319, %swap3A_320] {strides = array<i32>} : memref<4x128xf32, #tpu.memory_space<vmem>>, vector<1x16xf32>,
    %swap3A_322 = vector.shape_cast %swap3A_321 : vector<1x16xf32> to vector<16xf32>
    %swap3A_323 = vector.shape_cast %broadcast_in_dim3A_162 : vector<16xf32> to vector<1x16xf32>
    tpu.vector_store %arg31[%swap3A_319, %swap3A_320], %swap3A_323 {strides = array<i32>} : memref<4x128xf32, #tpu.memory_space<vmem>>, vector<1x16xf32>,
    %swap3A_324 = arith.constant 3 : i32
    %swap3A_325 = arith.index_cast %swap3A_324 : i32 to index
    %swap3A_326 = arith.constant 48 : index
    %swap3A_327 = tpu.vector_load %arg31[%swap3A_325, %swap3A_326] {strides = array<i32>} : memref<4x128xf32, #tpu.memory_space<vmem>>, vector<1x16xf32>,
    %swap3A_328 = vector.shape_cast %swap3A_327 : vector<1x16xf32> to vector<16xf32>
    %swap3A_329 = vector.shape_cast %broadcast_in_dim3A_162 : vector<16xf32> to vector<1x16xf32>
    tpu.vector_store %arg31[%swap3A_325, %swap3A_326], %swap3A_329 {strides = array<i32>} : memref<4x128xf32, #tpu.memory_space<vmem>>, vector<1x16xf32>,
    %swap3A_330 = arith.constant 3 : i32
    %swap3A_331 = arith.index_cast %swap3A_330 : i32 to index
    %swap3A_332 = arith.constant 64 : index
    %swap3A_333 = tpu.vector_load %arg31[%swap3A_331, %swap3A_332] {strides = array<i32>} : memref<4x128xf32, #tpu.memory_space<vmem>>, vector<1x16xf32>,
    %swap3A_334 = vector.shape_cast %swap3A_333 : vector<1x16xf32> to vector<16xf32>
    %swap3A_335 = vector.shape_cast %broadcast_in_dim3A_162 : vector<16xf32> to vector<1x16xf32>
    tpu.vector_store %arg31[%swap3A_331, %swap3A_332], %swap3A_335 {strides = array<i32>} : memref<4x128xf32, #tpu.memory_space<vmem>>, vector<1x16xf32>,
    %swap3A_336 = arith.constant 3 : i32
    %swap3A_337 = arith.index_cast %swap3A_336 : i32 to index
    %swap3A_338 = arith.constant 80 : index
    %swap3A_339 = tpu.vector_load %arg31[%swap3A_337, %swap3A_338] {strides = array<i32>} : memref<4x128xf32, #tpu.memory_space<vmem>>, vector<1x16xf32>,
    %swap3A_340 = vector.shape_cast %swap3A_339 : vector<1x16xf32> to vector<16xf32>
    %swap3A_341 = vector.shape_cast %broadcast_in_dim3A_162 : vector<16xf32> to vector<1x16xf32>
    tpu.vector_store %arg31[%swap3A_337, %swap3A_338], %swap3A_341 {strides = array<i32>} : memref<4x128xf32, #tpu.memory_space<vmem>>, vector<1x16xf32>,
    %swap3A_342 = arith.constant 3 : i32
    %swap3A_343 = arith.index_cast %swap3A_342 : i32 to index
    %swap3A_344 = arith.constant 96 : index
    %swap3A_345 = tpu.vector_load %arg31[%swap3A_343, %swap3A_344] {strides = array<i32>} : memref<4x128xf32, #tpu.memory_space<vmem>>, vector<1x16xf32>,
    %swap3A_346 = vector.shape_cast %swap3A_345 : vector<1x16xf32> to vector<16xf32>
    %swap3A_347 = vector.shape_cast %broadcast_in_dim3A_162 : vector<16xf32> to vector<1x16xf32>
    tpu.vector_store %arg31[%swap3A_343, %swap3A_344], %swap3A_347 {strides = array<i32>} : memref<4x128xf32, #tpu.memory_space<vmem>>, vector<1x16xf32>,
    %swap3A_348 = arith.constant 3 : i32
    %swap3A_349 = arith.index_cast %swap3A_348 : i32 to index
    %swap3A_350 = arith.constant 112 : index
    %swap3A_351 = tpu.vector_load %arg31[%swap3A_349, %swap3A_350] {strides = array<i32>} : memref<4x128xf32, #tpu.memory_space<vmem>>, vector<1x16xf32>,
    %swap3A_352 = vector.shape_cast %swap3A_351 : vector<1x16xf32> to vector<16xf32>
    %swap3A_353 = vector.shape_cast %broadcast_in_dim3A_162 : vector<16xf32> to vector<1x16xf32>
    tpu.vector_store %arg31[%swap3A_349, %swap3A_350], %swap3A_353 {strides = array<i32>} : memref<4x128xf32, #tpu.memory_space<vmem>>, vector<1x16xf32>,
    %mul3A_354 = arith.constant 4 : i32
    %mul3A_355 = arith.muli %arg1, %mul3A_354 : i32
    "tpu.region"() ({
      %run_scoped3A = tpu.sem_alloc : memref<!tpu.dma_semaphore, #tpu.memory_space<semaphore_mem>>
      %dma_start3A = arith.constant 0 : i32
      %dma_start3A_1058 = tpu.memref_slice %arg30[%mul3A_355, %dma_start3A] : memref<64x128xf32, #tpu.memory_space<vmem_shared>> -> memref<4x128xf32, #tpu.memory_space<vmem_shared>>
      %dma_start3A_1059 = arith.constant 0 : i32
      %dma_start3A_1060 = tpu.memref_slice %arg30[%mul3A_355, %dma_start3A_1059] : memref<64x128xf32, #tpu.memory_space<vmem_shared>> -> memref<4x128xf32, #tpu.memory_space<vmem_shared>>
      tpu.enqueue_dma source(%arg31 : memref<4x128xf32, #tpu.memory_space<vmem>>) target(%dma_start3A_1060 : memref<4x128xf32, #tpu.memory_space<vmem_shared>>) target_semaphore(%run_scoped3A : memref<!tpu.dma_semaphore, #tpu.memory_space<semaphore_mem>>)
      %dma_wait3A = arith.constant 0 : i32
      %dma_wait3A_1061 = tpu.memref_slice %arg30[%mul3A_355, %dma_wait3A] : memref<64x128xf32, #tpu.memory_space<vmem_shared>> -> memref<4x128xf32, #tpu.memory_space<vmem_shared>>
      %dma_wait3A_1062 = arith.constant 0 : i32
      %dma_wait3A_1063 = tpu.memref_slice %arg30[%mul3A_355, %dma_wait3A_1062] : memref<64x128xf32, #tpu.memory_space<vmem_shared>> -> memref<4x128xf32, #tpu.memory_space<vmem_shared>>
      tpu.wait_dma2 semaphore(%run_scoped3A : memref<!tpu.dma_semaphore, #tpu.memory_space<semaphore_mem>>) src(%arg31 : memref<4x128xf32, #tpu.memory_space<vmem>>) dst(%dma_wait3A_1063 : memref<4x128xf32, #tpu.memory_space<vmem_shared>>)
      tpu.yield
    }) : () -> ()
    %barrier3A = arith.constant 0 : index
    tpu.barrier barrier_id(%barrier3A)
    %convert_element_type3A_356 = arith.extui %lt3A_118 : i1 to i32
    %cond3A_357 = arith.constant 0 : i32
    %cond3A_358 = arith.cmpi ne, %convert_element_type3A_356, %cond3A_357 : i32
    scf.if %cond3A_358 {
      %dma_wait3A = arith.constant 0 : i32
      %dma_wait3A_1058 = tpu.memref_slice %arg27[%squeeze3A, %dma_wait3A] : memref<5x128xi32, #tpu.memory_space<vmem>> -> memref<1x128xi32, #tpu.memory_space<vmem>>
      %dma_wait3A_1059 = tpu.memref_squeeze %dma_wait3A_1058 : memref<1x128xi32, #tpu.memory_space<vmem>> -> memref<128xi32, #tpu.memory_space<vmem>>
      %dma_wait3A_1060 = tpu.memref_slice %arg3[%multiple_of3A] : memref<10000xi32, #tpu.memory_space<hbm>> -> memref<128xi32, #tpu.memory_space<hbm>>
      %dma_wait3A_1061 = arith.constant 0 : i32
      %dma_wait3A_1062 = tpu.memref_slice %arg27[%squeeze3A, %dma_wait3A_1061] : memref<5x128xi32, #tpu.memory_space<vmem>> -> memref<1x128xi32, #tpu.memory_space<vmem>>
      %dma_wait3A_1063 = tpu.memref_squeeze %dma_wait3A_1062 : memref<1x128xi32, #tpu.memory_space<vmem>> -> memref<128xi32, #tpu.memory_space<vmem>>
      %dma_wait3A_1064 = tpu.memref_slice %arg3[%multiple_of3A] : memref<10000xi32, #tpu.memory_space<hbm>> -> memref<128xi32, #tpu.memory_space<hbm>>
      tpu.wait_dma2 semaphore(%arg35 : memref<!tpu.dma_semaphore, #tpu.memory_space<semaphore_mem>>) src(%dma_wait3A_1064 : memref<128xi32, #tpu.memory_space<hbm>>) dst(%dma_wait3A_1063 : memref<128xi32, #tpu.memory_space<vmem>>)
    } else {
    }
    %convert_element_type3A_359 = arith.extui %lt3A_125 : i1 to i32
    %cond3A_360 = arith.constant 0 : i32
    %cond3A_361 = arith.cmpi ne, %convert_element_type3A_359, %cond3A_360 : i32
    scf.if %cond3A_361 {
      %dma_wait3A = arith.constant 0 : i32
      %dma_wait3A_1058 = tpu.memref_slice %arg27[%squeeze3A_25, %dma_wait3A] : memref<5x128xi32, #tpu.memory_space<vmem>> -> memref<1x128xi32, #tpu.memory_space<vmem>>
      %dma_wait3A_1059 = tpu.memref_squeeze %dma_wait3A_1058 : memref<1x128xi32, #tpu.memory_space<vmem>> -> memref<128xi32, #tpu.memory_space<vmem>>
      %dma_wait3A_1060 = tpu.memref_slice %arg3[%multiple_of3A_128] : memref<10000xi32, #tpu.memory_space<hbm>> -> memref<128xi32, #tpu.memory_space<hbm>>
      %dma_wait3A_1061 = arith.constant 0 : i32
      %dma_wait3A_1062 = tpu.memref_slice %arg27[%squeeze3A_25, %dma_wait3A_1061] : memref<5x128xi32, #tpu.memory_space<vmem>> -> memref<1x128xi32, #tpu.memory_space<vmem>>
      %dma_wait3A_1063 = tpu.memref_squeeze %dma_wait3A_1062 : memref<1x128xi32, #tpu.memory_space<vmem>> -> memref<128xi32, #tpu.memory_space<vmem>>
      %dma_wait3A_1064 = tpu.memref_slice %arg3[%multiple_of3A_128] : memref<10000xi32, #tpu.memory_space<hbm>> -> memref<128xi32, #tpu.memory_space<hbm>>
      tpu.wait_dma2 semaphore(%arg35 : memref<!tpu.dma_semaphore, #tpu.memory_space<semaphore_mem>>) src(%dma_wait3A_1064 : memref<128xi32, #tpu.memory_space<hbm>>) dst(%dma_wait3A_1063 : memref<128xi32, #tpu.memory_space<vmem>>)
    } else {
    }
    %convert_element_type3A_362 = arith.extui %lt3A_135 : i1 to i32
    %cond3A_363 = arith.constant 0 : i32
    %cond3A_364 = arith.cmpi ne, %convert_element_type3A_362, %cond3A_363 : i32
    scf.if %cond3A_364 {
      %dma_wait3A = arith.constant 0 : i32
      %dma_wait3A_1058 = tpu.memref_slice %arg27[%squeeze3A_30, %dma_wait3A] : memref<5x128xi32, #tpu.memory_space<vmem>> -> memref<1x128xi32, #tpu.memory_space<vmem>>
      %dma_wait3A_1059 = tpu.memref_squeeze %dma_wait3A_1058 : memref<1x128xi32, #tpu.memory_space<vmem>> -> memref<128xi32, #tpu.memory_space<vmem>>
      %dma_wait3A_1060 = tpu.memref_slice %arg3[%multiple_of3A_138] : memref<10000xi32, #tpu.memory_space<hbm>> -> memref<128xi32, #tpu.memory_space<hbm>>
      %dma_wait3A_1061 = arith.constant 0 : i32
      %dma_wait3A_1062 = tpu.memref_slice %arg27[%squeeze3A_30, %dma_wait3A_1061] : memref<5x128xi32, #tpu.memory_space<vmem>> -> memref<1x128xi32, #tpu.memory_space<vmem>>
      %dma_wait3A_1063 = tpu.memref_squeeze %dma_wait3A_1062 : memref<1x128xi32, #tpu.memory_space<vmem>> -> memref<128xi32, #tpu.memory_space<vmem>>
      %dma_wait3A_1064 = tpu.memref_slice %arg3[%multiple_of3A_138] : memref<10000xi32, #tpu.memory_space<hbm>> -> memref<128xi32, #tpu.memory_space<hbm>>
      tpu.wait_dma2 semaphore(%arg35 : memref<!tpu.dma_semaphore, #tpu.memory_space<semaphore_mem>>) src(%dma_wait3A_1064 : memref<128xi32, #tpu.memory_space<hbm>>) dst(%dma_wait3A_1063 : memref<128xi32, #tpu.memory_space<vmem>>)
    } else {
    }
    %convert_element_type3A_365 = arith.extui %lt3A_145 : i1 to i32
    %cond3A_366 = arith.constant 0 : i32
    %cond3A_367 = arith.cmpi ne, %convert_element_type3A_365, %cond3A_366 : i32
    scf.if %cond3A_367 {
      %dma_wait3A = arith.constant 0 : i32
      %dma_wait3A_1058 = tpu.memref_slice %arg27[%squeeze3A_35, %dma_wait3A] : memref<5x128xi32, #tpu.memory_space<vmem>> -> memref<1x128xi32, #tpu.memory_space<vmem>>
      %dma_wait3A_1059 = tpu.memref_squeeze %dma_wait3A_1058 : memref<1x128xi32, #tpu.memory_space<vmem>> -> memref<128xi32, #tpu.memory_space<vmem>>
      %dma_wait3A_1060 = tpu.memref_slice %arg3[%multiple_of3A_148] : memref<10000xi32, #tpu.memory_space<hbm>> -> memref<128xi32, #tpu.memory_space<hbm>>
      %dma_wait3A_1061 = arith.constant 0 : i32
      %dma_wait3A_1062 = tpu.memref_slice %arg27[%squeeze3A_35, %dma_wait3A_1061] : memref<5x128xi32, #tpu.memory_space<vmem>> -> memref<1x128xi32, #tpu.memory_space<vmem>>
      %dma_wait3A_1063 = tpu.memref_squeeze %dma_wait3A_1062 : memref<1x128xi32, #tpu.memory_space<vmem>> -> memref<128xi32, #tpu.memory_space<vmem>>
      %dma_wait3A_1064 = tpu.memref_slice %arg3[%multiple_of3A_148] : memref<10000xi32, #tpu.memory_space<hbm>> -> memref<128xi32, #tpu.memory_space<hbm>>
      tpu.wait_dma2 semaphore(%arg35 : memref<!tpu.dma_semaphore, #tpu.memory_space<semaphore_mem>>) src(%dma_wait3A_1064 : memref<128xi32, #tpu.memory_space<hbm>>) dst(%dma_wait3A_1063 : memref<128xi32, #tpu.memory_space<vmem>>)
    } else {
    }
    %convert_element_type3A_368 = arith.extui %lt3A_155 : i1 to i32
    %cond3A_369 = arith.constant 0 : i32
    %cond3A_370 = arith.cmpi ne, %convert_element_type3A_368, %cond3A_369 : i32
    scf.if %cond3A_370 {
      %dma_wait3A = arith.constant 0 : i32
      %dma_wait3A_1058 = tpu.memref_slice %arg27[%squeeze3A_40, %dma_wait3A] : memref<5x128xi32, #tpu.memory_space<vmem>> -> memref<1x128xi32, #tpu.memory_space<vmem>>
      %dma_wait3A_1059 = tpu.memref_squeeze %dma_wait3A_1058 : memref<1x128xi32, #tpu.memory_space<vmem>> -> memref<128xi32, #tpu.memory_space<vmem>>
      %dma_wait3A_1060 = tpu.memref_slice %arg3[%multiple_of3A_158] : memref<10000xi32, #tpu.memory_space<hbm>> -> memref<128xi32, #tpu.memory_space<hbm>>
      %dma_wait3A_1061 = arith.constant 0 : i32
      %dma_wait3A_1062 = tpu.memref_slice %arg27[%squeeze3A_40, %dma_wait3A_1061] : memref<5x128xi32, #tpu.memory_space<vmem>> -> memref<1x128xi32, #tpu.memory_space<vmem>>
      %dma_wait3A_1063 = tpu.memref_squeeze %dma_wait3A_1062 : memref<1x128xi32, #tpu.memory_space<vmem>> -> memref<128xi32, #tpu.memory_space<vmem>>
      %dma_wait3A_1064 = tpu.memref_slice %arg3[%multiple_of3A_158] : memref<10000xi32, #tpu.memory_space<hbm>> -> memref<128xi32, #tpu.memory_space<hbm>>
      tpu.wait_dma2 semaphore(%arg35 : memref<!tpu.dma_semaphore, #tpu.memory_space<semaphore_mem>>) src(%dma_wait3A_1064 : memref<128xi32, #tpu.memory_space<hbm>>) dst(%dma_wait3A_1063 : memref<128xi32, #tpu.memory_space<vmem>>)
    } else {
    }
    %convert_element_type3A_371 = arith.extui %lt3A_118 : i1 to i32
    %cond3A_372 = arith.constant 0 : i32
    %cond3A_373 = arith.cmpi ne, %convert_element_type3A_371, %cond3A_372 : i32
    scf.if %cond3A_373 {
      %dma_wait3A = arith.constant 0 : i32
      %dma_wait3A_1058 = arith.constant 0 : i32
      %dma_wait3A_1059 = tpu.memref_slice %arg26[%squeeze3A_45, %dma_wait3A, %dma_wait3A_1058] : memref<5x128x128xf32, #tpu.memory_space<vmem>> -> memref<1x128x128xf32, #tpu.memory_space<vmem>>
      %dma_wait3A_1060 = tpu.memref_squeeze %dma_wait3A_1059 : memref<1x128x128xf32, #tpu.memory_space<vmem>> -> memref<128x128xf32, #tpu.memory_space<vmem>>
      %dma_wait3A_1061 = tpu.memref_slice %arg2[%multiple_of3A, %mul3A_116] : memref<10000x256xf32, #tpu.memory_space<hbm>> -> memref<128x128xf32, #tpu.memory_space<hbm>>
      %dma_wait3A_1062 = arith.constant 0 : i32
      %dma_wait3A_1063 = arith.constant 0 : i32
      %dma_wait3A_1064 = tpu.memref_slice %arg26[%squeeze3A_45, %dma_wait3A_1062, %dma_wait3A_1063] : memref<5x128x128xf32, #tpu.memory_space<vmem>> -> memref<1x128x128xf32, #tpu.memory_space<vmem>>
      %dma_wait3A_1065 = tpu.memref_squeeze %dma_wait3A_1064 : memref<1x128x128xf32, #tpu.memory_space<vmem>> -> memref<128x128xf32, #tpu.memory_space<vmem>>
      %dma_wait3A_1066 = tpu.memref_slice %arg2[%multiple_of3A, %mul3A_116] : memref<10000x256xf32, #tpu.memory_space<hbm>> -> memref<128x128xf32, #tpu.memory_space<hbm>>
      tpu.wait_dma2 semaphore(%arg33 : memref<!tpu.dma_semaphore, #tpu.memory_space<semaphore_mem>>) src(%dma_wait3A_1066 : memref<128x128xf32, #tpu.memory_space<hbm>>) dst(%dma_wait3A_1065 : memref<128x128xf32, #tpu.memory_space<vmem>>)
    } else {
    }
    %convert_element_type3A_374 = arith.extui %lt3A_125 : i1 to i32
    %cond3A_375 = arith.constant 0 : i32
    %cond3A_376 = arith.cmpi ne, %convert_element_type3A_374, %cond3A_375 : i32
    scf.if %cond3A_376 {
      %dma_wait3A = arith.constant 0 : i32
      %dma_wait3A_1058 = arith.constant 0 : i32
      %dma_wait3A_1059 = tpu.memref_slice %arg26[%squeeze3A_50, %dma_wait3A, %dma_wait3A_1058] : memref<5x128x128xf32, #tpu.memory_space<vmem>> -> memref<1x128x128xf32, #tpu.memory_space<vmem>>
      %dma_wait3A_1060 = tpu.memref_squeeze %dma_wait3A_1059 : memref<1x128x128xf32, #tpu.memory_space<vmem>> -> memref<128x128xf32, #tpu.memory_space<vmem>>
      %dma_wait3A_1061 = tpu.memref_slice %arg2[%multiple_of3A_128, %mul3A_116] : memref<10000x256xf32, #tpu.memory_space<hbm>> -> memref<128x128xf32, #tpu.memory_space<hbm>>
      %dma_wait3A_1062 = arith.constant 0 : i32
      %dma_wait3A_1063 = arith.constant 0 : i32
      %dma_wait3A_1064 = tpu.memref_slice %arg26[%squeeze3A_50, %dma_wait3A_1062, %dma_wait3A_1063] : memref<5x128x128xf32, #tpu.memory_space<vmem>> -> memref<1x128x128xf32, #tpu.memory_space<vmem>>
      %dma_wait3A_1065 = tpu.memref_squeeze %dma_wait3A_1064 : memref<1x128x128xf32, #tpu.memory_space<vmem>> -> memref<128x128xf32, #tpu.memory_space<vmem>>
      %dma_wait3A_1066 = tpu.memref_slice %arg2[%multiple_of3A_128, %mul3A_116] : memref<10000x256xf32, #tpu.memory_space<hbm>> -> memref<128x128xf32, #tpu.memory_space<hbm>>
      tpu.wait_dma2 semaphore(%arg33 : memref<!tpu.dma_semaphore, #tpu.memory_space<semaphore_mem>>) src(%dma_wait3A_1066 : memref<128x128xf32, #tpu.memory_space<hbm>>) dst(%dma_wait3A_1065 : memref<128x128xf32, #tpu.memory_space<vmem>>)
    } else {
    }
    %convert_element_type3A_377 = arith.extui %lt3A_135 : i1 to i32
    %cond3A_378 = arith.constant 0 : i32
    %cond3A_379 = arith.cmpi ne, %convert_element_type3A_377, %cond3A_378 : i32
    scf.if %cond3A_379 {
      %dma_wait3A = arith.constant 0 : i32
      %dma_wait3A_1058 = arith.constant 0 : i32
      %dma_wait3A_1059 = tpu.memref_slice %arg26[%squeeze3A_55, %dma_wait3A, %dma_wait3A_1058] : memref<5x128x128xf32, #tpu.memory_space<vmem>> -> memref<1x128x128xf32, #tpu.memory_space<vmem>>
      %dma_wait3A_1060 = tpu.memref_squeeze %dma_wait3A_1059 : memref<1x128x128xf32, #tpu.memory_space<vmem>> -> memref<128x128xf32, #tpu.memory_space<vmem>>
      %dma_wait3A_1061 = tpu.memref_slice %arg2[%multiple_of3A_138, %mul3A_116] : memref<10000x256xf32, #tpu.memory_space<hbm>> -> memref<128x128xf32, #tpu.memory_space<hbm>>
      %dma_wait3A_1062 = arith.constant 0 : i32
      %dma_wait3A_1063 = arith.constant 0 : i32
      %dma_wait3A_1064 = tpu.memref_slice %arg26[%squeeze3A_55, %dma_wait3A_1062, %dma_wait3A_1063] : memref<5x128x128xf32, #tpu.memory_space<vmem>> -> memref<1x128x128xf32, #tpu.memory_space<vmem>>
      %dma_wait3A_1065 = tpu.memref_squeeze %dma_wait3A_1064 : memref<1x128x128xf32, #tpu.memory_space<vmem>> -> memref<128x128xf32, #tpu.memory_space<vmem>>
      %dma_wait3A_1066 = tpu.memref_slice %arg2[%multiple_of3A_138, %mul3A_116] : memref<10000x256xf32, #tpu.memory_space<hbm>> -> memref<128x128xf32, #tpu.memory_space<hbm>>
      tpu.wait_dma2 semaphore(%arg33 : memref<!tpu.dma_semaphore, #tpu.memory_space<semaphore_mem>>) src(%dma_wait3A_1066 : memref<128x128xf32, #tpu.memory_space<hbm>>) dst(%dma_wait3A_1065 : memref<128x128xf32, #tpu.memory_space<vmem>>)
    } else {
    }
    %convert_element_type3A_380 = arith.extui %lt3A_145 : i1 to i32
    %cond3A_381 = arith.constant 0 : i32
    %cond3A_382 = arith.cmpi ne, %convert_element_type3A_380, %cond3A_381 : i32
    scf.if %cond3A_382 {
      %dma_wait3A = arith.constant 0 : i32
      %dma_wait3A_1058 = arith.constant 0 : i32
      %dma_wait3A_1059 = tpu.memref_slice %arg26[%squeeze3A_60, %dma_wait3A, %dma_wait3A_1058] : memref<5x128x128xf32, #tpu.memory_space<vmem>> -> memref<1x128x128xf32, #tpu.memory_space<vmem>>
      %dma_wait3A_1060 = tpu.memref_squeeze %dma_wait3A_1059 : memref<1x128x128xf32, #tpu.memory_space<vmem>> -> memref<128x128xf32, #tpu.memory_space<vmem>>
      %dma_wait3A_1061 = tpu.memref_slice %arg2[%multiple_of3A_148, %mul3A_116] : memref<10000x256xf32, #tpu.memory_space<hbm>> -> memref<128x128xf32, #tpu.memory_space<hbm>>
      %dma_wait3A_1062 = arith.constant 0 : i32
      %dma_wait3A_1063 = arith.constant 0 : i32
      %dma_wait3A_1064 = tpu.memref_slice %arg26[%squeeze3A_60, %dma_wait3A_1062, %dma_wait3A_1063] : memref<5x128x128xf32, #tpu.memory_space<vmem>> -> memref<1x128x128xf32, #tpu.memory_space<vmem>>
      %dma_wait3A_1065 = tpu.memref_squeeze %dma_wait3A_1064 : memref<1x128x128xf32, #tpu.memory_space<vmem>> -> memref<128x128xf32, #tpu.memory_space<vmem>>
      %dma_wait3A_1066 = tpu.memref_slice %arg2[%multiple_of3A_148, %mul3A_116] : memref<10000x256xf32, #tpu.memory_space<hbm>> -> memref<128x128xf32, #tpu.memory_space<hbm>>
      tpu.wait_dma2 semaphore(%arg33 : memref<!tpu.dma_semaphore, #tpu.memory_space<semaphore_mem>>) src(%dma_wait3A_1066 : memref<128x128xf32, #tpu.memory_space<hbm>>) dst(%dma_wait3A_1065 : memref<128x128xf32, #tpu.memory_space<vmem>>)
    } else {
    }
    %convert_element_type3A_383 = arith.extui %lt3A_155 : i1 to i32
    %cond3A_384 = arith.constant 0 : i32
    %cond3A_385 = arith.cmpi ne, %convert_element_type3A_383, %cond3A_384 : i32
    scf.if %cond3A_385 {
      %dma_wait3A = arith.constant 0 : i32
      %dma_wait3A_1058 = arith.constant 0 : i32
      %dma_wait3A_1059 = tpu.memref_slice %arg26[%squeeze3A_65, %dma_wait3A, %dma_wait3A_1058] : memref<5x128x128xf32, #tpu.memory_space<vmem>> -> memref<1x128x128xf32, #tpu.memory_space<vmem>>
      %dma_wait3A_1060 = tpu.memref_squeeze %dma_wait3A_1059 : memref<1x128x128xf32, #tpu.memory_space<vmem>> -> memref<128x128xf32, #tpu.memory_space<vmem>>
      %dma_wait3A_1061 = tpu.memref_slice %arg2[%multiple_of3A_158, %mul3A_116] : memref<10000x256xf32, #tpu.memory_space<hbm>> -> memref<128x128xf32, #tpu.memory_space<hbm>>
      %dma_wait3A_1062 = arith.constant 0 : i32
      %dma_wait3A_1063 = arith.constant 0 : i32
      %dma_wait3A_1064 = tpu.memref_slice %arg26[%squeeze3A_65, %dma_wait3A_1062, %dma_wait3A_1063] : memref<5x128x128xf32, #tpu.memory_space<vmem>> -> memref<1x128x128xf32, #tpu.memory_space<vmem>>
      %dma_wait3A_1065 = tpu.memref_squeeze %dma_wait3A_1064 : memref<1x128x128xf32, #tpu.memory_space<vmem>> -> memref<128x128xf32, #tpu.memory_space<vmem>>
      %dma_wait3A_1066 = tpu.memref_slice %arg2[%multiple_of3A_158, %mul3A_116] : memref<10000x256xf32, #tpu.memory_space<hbm>> -> memref<128x128xf32, #tpu.memory_space<hbm>>
      tpu.wait_dma2 semaphore(%arg33 : memref<!tpu.dma_semaphore, #tpu.memory_space<semaphore_mem>>) src(%dma_wait3A_1066 : memref<128x128xf32, #tpu.memory_space<hbm>>) dst(%dma_wait3A_1065 : memref<128x128xf32, #tpu.memory_space<vmem>>)
    } else {
    }
    %add3A_386 = arith.constant 0 : i32
    %add3A_387 = arith.addi %add3A_386, %arg1 : i32
    %lt3A_388 = arith.constant 78 : i32
    %lt3A_389 = arith.cmpi slt, %add3A_387, %lt3A_388 : i32
    %convert_element_type3A_390 = arith.extui %lt3A_389 : i1 to i32
    %cond3A_391 = arith.constant 0 : i32
    %cond3A_392 = arith.cmpi ne, %convert_element_type3A_390, %cond3A_391 : i32
    scf.if %cond3A_392 {
      %dma_start3A = arith.constant 0 : i32
      %dma_start3A_1058 = arith.constant 0 : i32
      %dma_start3A_1059 = arith.constant 0 : i32
      %dma_start3A_1060 = arith.constant 0 : i32
      %dma_start3A_1061 = tpu.memref_slice %arg26[%dma_start3A, %dma_start3A_1059, %dma_start3A_1060] : memref<5x128x128xf32, #tpu.memory_space<vmem>> -> memref<1x128x128xf32, #tpu.memory_space<vmem>>
      %dma_start3A_1062 = tpu.memref_squeeze %dma_start3A_1061 : memref<1x128x128xf32, #tpu.memory_space<vmem>> -> memref<128x128xf32, #tpu.memory_space<vmem>>
      %dma_start3A_1063 = arith.constant 0 : i32
      %dma_start3A_1064 = tpu.memref_slice %arg27[%dma_start3A_1058, %dma_start3A_1063] : memref<5x128xi32, #tpu.memory_space<vmem>> -> memref<1x128xi32, #tpu.memory_space<vmem>>
      %dma_start3A_1065 = tpu.memref_squeeze %dma_start3A_1064 : memref<1x128xi32, #tpu.memory_space<vmem>> -> memref<128xi32, #tpu.memory_space<vmem>>
      %dma_start3A_1066 = arith.constant 0 : i32
      %dma_start3A_1067 = arith.constant 0 : i32
      %dma_start3A_1068 = tpu.memref_slice %arg30[%dma_start3A_1066, %dma_start3A_1067] : memref<64x128xf32, #tpu.memory_space<vmem_shared>> -> memref<64x128xf32, #tpu.memory_space<vmem_shared>>
      tpu.enqueue_indirect_dma source(%dma_start3A_1062 : memref<128x128xf32, #tpu.memory_space<vmem>>) target(%dma_start3A_1068 : memref<64x128xf32, #tpu.memory_space<vmem_shared>>) offsets(%dma_start3A_1065 : memref<128xi32, #tpu.memory_space<vmem>>) semaphore(%arg34 : memref<!tpu.dma_semaphore, #tpu.memory_space<semaphore_mem>>) {add = true}
    } else {
    }
    %add3A_393 = arith.constant 16 : i32
    %add3A_394 = arith.addi %add3A_393, %arg1 : i32
    %lt3A_395 = arith.constant 78 : i32
    %lt3A_396 = arith.cmpi slt, %add3A_394, %lt3A_395 : i32
    %convert_element_type3A_397 = arith.extui %lt3A_396 : i1 to i32
    %cond3A_398 = arith.constant 0 : i32
    %cond3A_399 = arith.cmpi ne, %convert_element_type3A_397, %cond3A_398 : i32
    scf.if %cond3A_399 {
      %dma_start3A = arith.constant 1 : i32
      %dma_start3A_1058 = arith.constant 1 : i32
      %dma_start3A_1059 = arith.constant 0 : i32
      %dma_start3A_1060 = arith.constant 0 : i32
      %dma_start3A_1061 = tpu.memref_slice %arg26[%dma_start3A, %dma_start3A_1059, %dma_start3A_1060] : memref<5x128x128xf32, #tpu.memory_space<vmem>> -> memref<1x128x128xf32, #tpu.memory_space<vmem>>
      %dma_start3A_1062 = tpu.memref_squeeze %dma_start3A_1061 : memref<1x128x128xf32, #tpu.memory_space<vmem>> -> memref<128x128xf32, #tpu.memory_space<vmem>>
      %dma_start3A_1063 = arith.constant 0 : i32
      %dma_start3A_1064 = tpu.memref_slice %arg27[%dma_start3A_1058, %dma_start3A_1063] : memref<5x128xi32, #tpu.memory_space<vmem>> -> memref<1x128xi32, #tpu.memory_space<vmem>>
      %dma_start3A_1065 = tpu.memref_squeeze %dma_start3A_1064 : memref<1x128xi32, #tpu.memory_space<vmem>> -> memref<128xi32, #tpu.memory_space<vmem>>
      %dma_start3A_1066 = arith.constant 0 : i32
      %dma_start3A_1067 = arith.constant 0 : i32
      %dma_start3A_1068 = tpu.memref_slice %arg30[%dma_start3A_1066, %dma_start3A_1067] : memref<64x128xf32, #tpu.memory_space<vmem_shared>> -> memref<64x128xf32, #tpu.memory_space<vmem_shared>>
      tpu.enqueue_indirect_dma source(%dma_start3A_1062 : memref<128x128xf32, #tpu.memory_space<vmem>>) target(%dma_start3A_1068 : memref<64x128xf32, #tpu.memory_space<vmem_shared>>) offsets(%dma_start3A_1065 : memref<128xi32, #tpu.memory_space<vmem>>) semaphore(%arg34 : memref<!tpu.dma_semaphore, #tpu.memory_space<semaphore_mem>>) {add = true}
    } else {
    }
    %add3A_400 = arith.constant 32 : i32
    %add3A_401 = arith.addi %add3A_400, %arg1 : i32
    %lt3A_402 = arith.constant 78 : i32
    %lt3A_403 = arith.cmpi slt, %add3A_401, %lt3A_402 : i32
    %convert_element_type3A_404 = arith.extui %lt3A_403 : i1 to i32
    %cond3A_405 = arith.constant 0 : i32
    %cond3A_406 = arith.cmpi ne, %convert_element_type3A_404, %cond3A_405 : i32
    scf.if %cond3A_406 {
      %dma_start3A = arith.constant 2 : i32
      %dma_start3A_1058 = arith.constant 2 : i32
      %dma_start3A_1059 = arith.constant 0 : i32
      %dma_start3A_1060 = arith.constant 0 : i32
      %dma_start3A_1061 = tpu.memref_slice %arg26[%dma_start3A, %dma_start3A_1059, %dma_start3A_1060] : memref<5x128x128xf32, #tpu.memory_space<vmem>> -> memref<1x128x128xf32, #tpu.memory_space<vmem>>
      %dma_start3A_1062 = tpu.memref_squeeze %dma_start3A_1061 : memref<1x128x128xf32, #tpu.memory_space<vmem>> -> memref<128x128xf32, #tpu.memory_space<vmem>>
      %dma_start3A_1063 = arith.constant 0 : i32
      %dma_start3A_1064 = tpu.memref_slice %arg27[%dma_start3A_1058, %dma_start3A_1063] : memref<5x128xi32, #tpu.memory_space<vmem>> -> memref<1x128xi32, #tpu.memory_space<vmem>>
      %dma_start3A_1065 = tpu.memref_squeeze %dma_start3A_1064 : memref<1x128xi32, #tpu.memory_space<vmem>> -> memref<128xi32, #tpu.memory_space<vmem>>
      %dma_start3A_1066 = arith.constant 0 : i32
      %dma_start3A_1067 = arith.constant 0 : i32
      %dma_start3A_1068 = tpu.memref_slice %arg30[%dma_start3A_1066, %dma_start3A_1067] : memref<64x128xf32, #tpu.memory_space<vmem_shared>> -> memref<64x128xf32, #tpu.memory_space<vmem_shared>>
      tpu.enqueue_indirect_dma source(%dma_start3A_1062 : memref<128x128xf32, #tpu.memory_space<vmem>>) target(%dma_start3A_1068 : memref<64x128xf32, #tpu.memory_space<vmem_shared>>) offsets(%dma_start3A_1065 : memref<128xi32, #tpu.memory_space<vmem>>) semaphore(%arg34 : memref<!tpu.dma_semaphore, #tpu.memory_space<semaphore_mem>>) {add = true}
    } else {
    }
    %add3A_407 = arith.constant 48 : i32
    %add3A_408 = arith.addi %add3A_407, %arg1 : i32
    %lt3A_409 = arith.constant 78 : i32
    %lt3A_410 = arith.cmpi slt, %add3A_408, %lt3A_409 : i32
    %convert_element_type3A_411 = arith.extui %lt3A_410 : i1 to i32
    %cond3A_412 = arith.constant 0 : i32
    %cond3A_413 = arith.cmpi ne, %convert_element_type3A_411, %cond3A_412 : i32
    scf.if %cond3A_413 {
      %dma_start3A = arith.constant 3 : i32
      %dma_start3A_1058 = arith.constant 3 : i32
      %dma_start3A_1059 = arith.constant 0 : i32
      %dma_start3A_1060 = arith.constant 0 : i32
      %dma_start3A_1061 = tpu.memref_slice %arg26[%dma_start3A, %dma_start3A_1059, %dma_start3A_1060] : memref<5x128x128xf32, #tpu.memory_space<vmem>> -> memref<1x128x128xf32, #tpu.memory_space<vmem>>
      %dma_start3A_1062 = tpu.memref_squeeze %dma_start3A_1061 : memref<1x128x128xf32, #tpu.memory_space<vmem>> -> memref<128x128xf32, #tpu.memory_space<vmem>>
      %dma_start3A_1063 = arith.constant 0 : i32
      %dma_start3A_1064 = tpu.memref_slice %arg27[%dma_start3A_1058, %dma_start3A_1063] : memref<5x128xi32, #tpu.memory_space<vmem>> -> memref<1x128xi32, #tpu.memory_space<vmem>>
      %dma_start3A_1065 = tpu.memref_squeeze %dma_start3A_1064 : memref<1x128xi32, #tpu.memory_space<vmem>> -> memref<128xi32, #tpu.memory_space<vmem>>
      %dma_start3A_1066 = arith.constant 0 : i32
      %dma_start3A_1067 = arith.constant 0 : i32
      %dma_start3A_1068 = tpu.memref_slice %arg30[%dma_start3A_1066, %dma_start3A_1067] : memref<64x128xf32, #tpu.memory_space<vmem_shared>> -> memref<64x128xf32, #tpu.memory_space<vmem_shared>>
      tpu.enqueue_indirect_dma source(%dma_start3A_1062 : memref<128x128xf32, #tpu.memory_space<vmem>>) target(%dma_start3A_1068 : memref<64x128xf32, #tpu.memory_space<vmem_shared>>) offsets(%dma_start3A_1065 : memref<128xi32, #tpu.memory_space<vmem>>) semaphore(%arg34 : memref<!tpu.dma_semaphore, #tpu.memory_space<semaphore_mem>>) {add = true}
    } else {
    }
    %add3A_414 = arith.constant 64 : i32
    %add3A_415 = arith.addi %add3A_414, %arg1 : i32
    %lt3A_416 = arith.constant 78 : i32
    %lt3A_417 = arith.cmpi slt, %add3A_415, %lt3A_416 : i32
    %convert_element_type3A_418 = arith.extui %lt3A_417 : i1 to i32
    %cond3A_419 = arith.constant 0 : i32
    %cond3A_420 = arith.cmpi ne, %convert_element_type3A_418, %cond3A_419 : i32
    scf.if %cond3A_420 {
      %dma_start3A = arith.constant 4 : i32
      %dma_start3A_1058 = arith.constant 4 : i32
      %dma_start3A_1059 = arith.constant 0 : i32
      %dma_start3A_1060 = arith.constant 0 : i32
      %dma_start3A_1061 = tpu.memref_slice %arg26[%dma_start3A, %dma_start3A_1059, %dma_start3A_1060] : memref<5x128x128xf32, #tpu.memory_space<vmem>> -> memref<1x128x128xf32, #tpu.memory_space<vmem>>
      %dma_start3A_1062 = tpu.memref_squeeze %dma_start3A_1061 : memref<1x128x128xf32, #tpu.memory_space<vmem>> -> memref<128x128xf32, #tpu.memory_space<vmem>>
      %dma_start3A_1063 = arith.constant 0 : i32
      %dma_start3A_1064 = tpu.memref_slice %arg27[%dma_start3A_1058, %dma_start3A_1063] : memref<5x128xi32, #tpu.memory_space<vmem>> -> memref<1x128xi32, #tpu.memory_space<vmem>>
      %dma_start3A_1065 = tpu.memref_squeeze %dma_start3A_1064 : memref<1x128xi32, #tpu.memory_space<vmem>> -> memref<128xi32, #tpu.memory_space<vmem>>
      %dma_start3A_1066 = arith.constant 0 : i32
      %dma_start3A_1067 = arith.constant 0 : i32
      %dma_start3A_1068 = tpu.memref_slice %arg30[%dma_start3A_1066, %dma_start3A_1067] : memref<64x128xf32, #tpu.memory_space<vmem_shared>> -> memref<64x128xf32, #tpu.memory_space<vmem_shared>>
      tpu.enqueue_indirect_dma source(%dma_start3A_1062 : memref<128x128xf32, #tpu.memory_space<vmem>>) target(%dma_start3A_1068 : memref<64x128xf32, #tpu.memory_space<vmem_shared>>) offsets(%dma_start3A_1065 : memref<128xi32, #tpu.memory_space<vmem>>) semaphore(%arg34 : memref<!tpu.dma_semaphore, #tpu.memory_space<semaphore_mem>>) {add = true}
    } else {
    }
    %eq3A = arith.constant 15 : i32
    %eq3A_421 = arith.cmpi eq, %arg1, %eq3A : i32
    %convert_element_type3A_422 = arith.extui %eq3A_421 : i1 to i32
    %cond3A_423 = arith.constant 0 : i32
    %cond3A_424 = arith.cmpi ne, %convert_element_type3A_422, %cond3A_423 : i32
    scf.if %cond3A_424 {
      "tpu.region"() ({
        %run_scoped3A = tpu.sem_alloc : memref<!tpu.dma_semaphore, #tpu.memory_space<semaphore_mem>>
        %dma_start3A = arith.constant 9984 : i32
        %dma_start3A_1058 = tpu.memref_slice %arg3[%dma_start3A] : memref<10000xi32, #tpu.memory_space<hbm>> -> memref<16xi32, #tpu.memory_space<hbm>>
        %dma_start3A_1059 = arith.constant 9984 : i32
        %dma_start3A_1060 = tpu.memref_slice %arg3[%dma_start3A_1059] : memref<10000xi32, #tpu.memory_space<hbm>> -> memref<16xi32, #tpu.memory_space<hbm>>
        tpu.enqueue_dma source(%dma_start3A_1060 : memref<16xi32, #tpu.memory_space<hbm>>) target(%arg29 : memref<16xi32, #tpu.memory_space<vmem>>) target_semaphore(%run_scoped3A : memref<!tpu.dma_semaphore, #tpu.memory_space<semaphore_mem>>)
        %dma_wait3A = arith.constant 9984 : i32
        %dma_wait3A_1061 = tpu.memref_slice %arg3[%dma_wait3A] : memref<10000xi32, #tpu.memory_space<hbm>> -> memref<16xi32, #tpu.memory_space<hbm>>
        %dma_wait3A_1062 = arith.constant 9984 : i32
        %dma_wait3A_1063 = tpu.memref_slice %arg3[%dma_wait3A_1062] : memref<10000xi32, #tpu.memory_space<hbm>> -> memref<16xi32, #tpu.memory_space<hbm>>
        tpu.wait_dma2 semaphore(%run_scoped3A : memref<!tpu.dma_semaphore, #tpu.memory_space<semaphore_mem>>) src(%dma_wait3A_1063 : memref<16xi32, #tpu.memory_space<hbm>>) dst(%arg29 : memref<16xi32, #tpu.memory_space<vmem>>)
        tpu.yield
      }) : () -> ()
      "tpu.region"() ({
        %run_scoped3A = tpu.sem_alloc : memref<!tpu.dma_semaphore, #tpu.memory_space<semaphore_mem>>
        %dma_start3A = arith.constant 9984 : i32
        %dma_start3A_1058 = tpu.memref_slice %arg2[%dma_start3A, %mul3A_116] : memref<10000x256xf32, #tpu.memory_space<hbm>> -> memref<16x128xf32, #tpu.memory_space<hbm>>
        %dma_start3A_1059 = arith.constant 9984 : i32
        %dma_start3A_1060 = tpu.memref_slice %arg2[%dma_start3A_1059, %mul3A_116] : memref<10000x256xf32, #tpu.memory_space<hbm>> -> memref<16x128xf32, #tpu.memory_space<hbm>>
        tpu.enqueue_dma source(%dma_start3A_1060 : memref<16x128xf32, #tpu.memory_space<hbm>>) target(%arg28 : memref<16x128xf32, #tpu.memory_space<vmem>>) target_semaphore(%run_scoped3A : memref<!tpu.dma_semaphore, #tpu.memory_space<semaphore_mem>>)
        %dma_wait3A = arith.constant 9984 : i32
        %dma_wait3A_1061 = tpu.memref_slice %arg2[%dma_wait3A, %mul3A_116] : memref<10000x256xf32, #tpu.memory_space<hbm>> -> memref<16x128xf32, #tpu.memory_space<hbm>>
        %dma_wait3A_1062 = arith.constant 9984 : i32
        %dma_wait3A_1063 = tpu.memref_slice %arg2[%dma_wait3A_1062, %mul3A_116] : memref<10000x256xf32, #tpu.memory_space<hbm>> -> memref<16x128xf32, #tpu.memory_space<hbm>>
        tpu.wait_dma2 semaphore(%run_scoped3A : memref<!tpu.dma_semaphore, #tpu.memory_space<semaphore_mem>>) src(%dma_wait3A_1063 : memref<16x128xf32, #tpu.memory_space<hbm>>) dst(%arg28 : memref<16x128xf32, #tpu.memory_space<vmem>>)
        tpu.yield
      }) : () -> ()
      "tpu.region"() ({
        %run_scoped3A = tpu.sem_alloc : memref<!tpu.dma_semaphore, #tpu.memory_space<semaphore_mem>>
        %dma_start3A = arith.constant 0 : i32
        %dma_start3A_1058 = arith.constant 0 : i32
        %dma_start3A_1059 = tpu.memref_slice %arg30[%dma_start3A, %dma_start3A_1058] : memref<64x128xf32, #tpu.memory_space<vmem_shared>> -> memref<64x128xf32, #tpu.memory_space<vmem_shared>>
        tpu.enqueue_indirect_dma source(%arg28 : memref<16x128xf32, #tpu.memory_space<vmem>>) target(%dma_start3A_1059 : memref<64x128xf32, #tpu.memory_space<vmem_shared>>) offsets(%arg29 : memref<16xi32, #tpu.memory_space<vmem>>) semaphore(%run_scoped3A : memref<!tpu.dma_semaphore, #tpu.memory_space<semaphore_mem>>) {add = true}
        %dma_wait3A = arith.constant 0 : i32
        %dma_wait3A_1060 = arith.constant 0 : i32
        %dma_wait3A_1061 = tpu.memref_slice %arg30[%dma_wait3A, %dma_wait3A_1060] : memref<64x128xf32, #tpu.memory_space<vmem_shared>> -> memref<64x128xf32, #tpu.memory_space<vmem_shared>>
        tpu.wait_indirect_dma semaphore(%run_scoped3A : memref<!tpu.dma_semaphore, #tpu.memory_space<semaphore_mem>>) src(%arg28 : memref<16x128xf32, #tpu.memory_space<vmem>>) dst(%dma_wait3A_1061 : memref<64x128xf32, #tpu.memory_space<vmem_shared>>)
        tpu.yield
      }) : () -> ()
    } else {
    }
    %convert_element_type3A_425 = arith.extui %lt3A_389 : i1 to i32
    %cond3A_426 = arith.constant 0 : i32
    %cond3A_427 = arith.cmpi ne, %convert_element_type3A_425, %cond3A_426 : i32
    scf.if %cond3A_427 {
      %dma_wait3A = arith.constant 0 : i32
      %dma_wait3A_1058 = arith.constant 0 : i32
      %dma_wait3A_1059 = tpu.memref_slice %arg26[%squeeze3A_70, %dma_wait3A, %dma_wait3A_1058] : memref<5x128x128xf32, #tpu.memory_space<vmem>> -> memref<1x128x128xf32, #tpu.memory_space<vmem>>
      %dma_wait3A_1060 = tpu.memref_squeeze %dma_wait3A_1059 : memref<1x128x128xf32, #tpu.memory_space<vmem>> -> memref<128x128xf32, #tpu.memory_space<vmem>>
      %dma_wait3A_1061 = arith.constant 0 : i32
      %dma_wait3A_1062 = tpu.memref_slice %arg27[%squeeze3A_75, %dma_wait3A_1061] : memref<5x128xi32, #tpu.memory_space<vmem>> -> memref<1x128xi32, #tpu.memory_space<vmem>>
      %dma_wait3A_1063 = tpu.memref_squeeze %dma_wait3A_1062 : memref<1x128xi32, #tpu.memory_space<vmem>> -> memref<128xi32, #tpu.memory_space<vmem>>
      %dma_wait3A_1064 = arith.constant 0 : i32
      %dma_wait3A_1065 = arith.constant 0 : i32
      %dma_wait3A_1066 = tpu.memref_slice %arg30[%dma_wait3A_1064, %dma_wait3A_1065] : memref<64x128xf32, #tpu.memory_space<vmem_shared>> -> memref<64x128xf32, #tpu.memory_space<vmem_shared>>
      tpu.wait_indirect_dma semaphore(%arg34 : memref<!tpu.dma_semaphore, #tpu.memory_space<semaphore_mem>>) src(%dma_wait3A_1060 : memref<128x128xf32, #tpu.memory_space<vmem>>) dst(%dma_wait3A_1066 : memref<64x128xf32, #tpu.memory_space<vmem_shared>>)
    } else {
    }
    %convert_element_type3A_428 = arith.extui %lt3A_396 : i1 to i32
    %cond3A_429 = arith.constant 0 : i32
    %cond3A_430 = arith.cmpi ne, %convert_element_type3A_428, %cond3A_429 : i32
    scf.if %cond3A_430 {
      %dma_wait3A = arith.constant 0 : i32
      %dma_wait3A_1058 = arith.constant 0 : i32
      %dma_wait3A_1059 = tpu.memref_slice %arg26[%squeeze3A_80, %dma_wait3A, %dma_wait3A_1058] : memref<5x128x128xf32, #tpu.memory_space<vmem>> -> memref<1x128x128xf32, #tpu.memory_space<vmem>>
      %dma_wait3A_1060 = tpu.memref_squeeze %dma_wait3A_1059 : memref<1x128x128xf32, #tpu.memory_space<vmem>> -> memref<128x128xf32, #tpu.memory_space<vmem>>
      %dma_wait3A_1061 = arith.constant 0 : i32
      %dma_wait3A_1062 = tpu.memref_slice %arg27[%squeeze3A_85, %dma_wait3A_1061] : memref<5x128xi32, #tpu.memory_space<vmem>> -> memref<1x128xi32, #tpu.memory_space<vmem>>
      %dma_wait3A_1063 = tpu.memref_squeeze %dma_wait3A_1062 : memref<1x128xi32, #tpu.memory_space<vmem>> -> memref<128xi32, #tpu.memory_space<vmem>>
      %dma_wait3A_1064 = arith.constant 0 : i32
      %dma_wait3A_1065 = arith.constant 0 : i32
      %dma_wait3A_1066 = tpu.memref_slice %arg30[%dma_wait3A_1064, %dma_wait3A_1065] : memref<64x128xf32, #tpu.memory_space<vmem_shared>> -> memref<64x128xf32, #tpu.memory_space<vmem_shared>>
      tpu.wait_indirect_dma semaphore(%arg34 : memref<!tpu.dma_semaphore, #tpu.memory_space<semaphore_mem>>) src(%dma_wait3A_1060 : memref<128x128xf32, #tpu.memory_space<vmem>>) dst(%dma_wait3A_1066 : memref<64x128xf32, #tpu.memory_space<vmem_shared>>)
    } else {
    }
    %convert_element_type3A_431 = arith.extui %lt3A_403 : i1 to i32
    %cond3A_432 = arith.constant 0 : i32
    %cond3A_433 = arith.cmpi ne, %convert_element_type3A_431, %cond3A_432 : i32
    scf.if %cond3A_433 {
      %dma_wait3A = arith.constant 0 : i32
      %dma_wait3A_1058 = arith.constant 0 : i32
      %dma_wait3A_1059 = tpu.memref_slice %arg26[%squeeze3A_90, %dma_wait3A, %dma_wait3A_1058] : memref<5x128x128xf32, #tpu.memory_space<vmem>> -> memref<1x128x128xf32, #tpu.memory_space<vmem>>
      %dma_wait3A_1060 = tpu.memref_squeeze %dma_wait3A_1059 : memref<1x128x128xf32, #tpu.memory_space<vmem>> -> memref<128x128xf32, #tpu.memory_space<vmem>>
      %dma_wait3A_1061 = arith.constant 0 : i32
      %dma_wait3A_1062 = tpu.memref_slice %arg27[%squeeze3A_95, %dma_wait3A_1061] : memref<5x128xi32, #tpu.memory_space<vmem>> -> memref<1x128xi32, #tpu.memory_space<vmem>>
      %dma_wait3A_1063 = tpu.memref_squeeze %dma_wait3A_1062 : memref<1x128xi32, #tpu.memory_space<vmem>> -> memref<128xi32, #tpu.memory_space<vmem>>
      %dma_wait3A_1064 = arith.constant 0 : i32
      %dma_wait3A_1065 = arith.constant 0 : i32
      %dma_wait3A_1066 = tpu.memref_slice %arg30[%dma_wait3A_1064, %dma_wait3A_1065] : memref<64x128xf32, #tpu.memory_space<vmem_shared>> -> memref<64x128xf32, #tpu.memory_space<vmem_shared>>
      tpu.wait_indirect_dma semaphore(%arg34 : memref<!tpu.dma_semaphore, #tpu.memory_space<semaphore_mem>>) src(%dma_wait3A_1060 : memref<128x128xf32, #tpu.memory_space<vmem>>) dst(%dma_wait3A_1066 : memref<64x128xf32, #tpu.memory_space<vmem_shared>>)
    } else {
    }
    %convert_element_type3A_434 = arith.extui %lt3A_410 : i1 to i32
    %cond3A_435 = arith.constant 0 : i32
    %cond3A_436 = arith.cmpi ne, %convert_element_type3A_434, %cond3A_435 : i32
    scf.if %cond3A_436 {
      %dma_wait3A = arith.constant 0 : i32
      %dma_wait3A_1058 = arith.constant 0 : i32
      %dma_wait3A_1059 = tpu.memref_slice %arg26[%squeeze3A_100, %dma_wait3A, %dma_wait3A_1058] : memref<5x128x128xf32, #tpu.memory_space<vmem>> -> memref<1x128x128xf32, #tpu.memory_space<vmem>>
      %dma_wait3A_1060 = tpu.memref_squeeze %dma_wait3A_1059 : memref<1x128x128xf32, #tpu.memory_space<vmem>> -> memref<128x128xf32, #tpu.memory_space<vmem>>
      %dma_wait3A_1061 = arith.constant 0 : i32
      %dma_wait3A_1062 = tpu.memref_slice %arg27[%squeeze3A_105, %dma_wait3A_1061] : memref<5x128xi32, #tpu.memory_space<vmem>> -> memref<1x128xi32, #tpu.memory_space<vmem>>
      %dma_wait3A_1063 = tpu.memref_squeeze %dma_wait3A_1062 : memref<1x128xi32, #tpu.memory_space<vmem>> -> memref<128xi32, #tpu.memory_space<vmem>>
      %dma_wait3A_1064 = arith.constant 0 : i32
      %dma_wait3A_1065 = arith.constant 0 : i32
      %dma_wait3A_1066 = tpu.memref_slice %arg30[%dma_wait3A_1064, %dma_wait3A_1065] : memref<64x128xf32, #tpu.memory_space<vmem_shared>> -> memref<64x128xf32, #tpu.memory_space<vmem_shared>>
      tpu.wait_indirect_dma semaphore(%arg34 : memref<!tpu.dma_semaphore, #tpu.memory_space<semaphore_mem>>) src(%dma_wait3A_1060 : memref<128x128xf32, #tpu.memory_space<vmem>>) dst(%dma_wait3A_1066 : memref<64x128xf32, #tpu.memory_space<vmem_shared>>)
    } else {
    }
    %convert_element_type3A_437 = arith.extui %lt3A_417 : i1 to i32
    %cond3A_438 = arith.constant 0 : i32
    %cond3A_439 = arith.cmpi ne, %convert_element_type3A_437, %cond3A_438 : i32
    scf.if %cond3A_439 {
      %dma_wait3A = arith.constant 0 : i32
      %dma_wait3A_1058 = arith.constant 0 : i32
      %dma_wait3A_1059 = tpu.memref_slice %arg26[%squeeze3A_110, %dma_wait3A, %dma_wait3A_1058] : memref<5x128x128xf32, #tpu.memory_space<vmem>> -> memref<1x128x128xf32, #tpu.memory_space<vmem>>
      %dma_wait3A_1060 = tpu.memref_squeeze %dma_wait3A_1059 : memref<1x128x128xf32, #tpu.memory_space<vmem>> -> memref<128x128xf32, #tpu.memory_space<vmem>>
      %dma_wait3A_1061 = arith.constant 0 : i32
      %dma_wait3A_1062 = tpu.memref_slice %arg27[%squeeze3A_115, %dma_wait3A_1061] : memref<5x128xi32, #tpu.memory_space<vmem>> -> memref<1x128xi32, #tpu.memory_space<vmem>>
      %dma_wait3A_1063 = tpu.memref_squeeze %dma_wait3A_1062 : memref<1x128xi32, #tpu.memory_space<vmem>> -> memref<128xi32, #tpu.memory_space<vmem>>
      %dma_wait3A_1064 = arith.constant 0 : i32
      %dma_wait3A_1065 = arith.constant 0 : i32
      %dma_wait3A_1066 = tpu.memref_slice %arg30[%dma_wait3A_1064, %dma_wait3A_1065] : memref<64x128xf32, #tpu.memory_space<vmem_shared>> -> memref<64x128xf32, #tpu.memory_space<vmem_shared>>
      tpu.wait_indirect_dma semaphore(%arg34 : memref<!tpu.dma_semaphore, #tpu.memory_space<semaphore_mem>>) src(%dma_wait3A_1060 : memref<128x128xf32, #tpu.memory_space<vmem>>) dst(%dma_wait3A_1066 : memref<64x128xf32, #tpu.memory_space<vmem_shared>>)
    } else {
    }
    %barrier3A_440 = arith.constant 0 : index
    tpu.barrier barrier_id(%barrier3A_440)
    "tpu.region"() ({
      %run_scoped3A = tpu.sem_alloc : memref<!tpu.dma_semaphore, #tpu.memory_space<semaphore_mem>>
      %dma_start3A = tpu.memref_slice %arg4[%mul3A_116] : memref<256xf32, #tpu.memory_space<hbm>> -> memref<128xf32, #tpu.memory_space<hbm>>
      %dma_start3A_1058 = tpu.memref_slice %arg4[%mul3A_116] : memref<256xf32, #tpu.memory_space<hbm>> -> memref<128xf32, #tpu.memory_space<hbm>>
      tpu.enqueue_dma source(%dma_start3A_1058 : memref<128xf32, #tpu.memory_space<hbm>>) target(%arg32 : memref<128xf32, #tpu.memory_space<vmem>>) target_semaphore(%run_scoped3A : memref<!tpu.dma_semaphore, #tpu.memory_space<semaphore_mem>>)
      %dma_wait3A = tpu.memref_slice %arg4[%mul3A_116] : memref<256xf32, #tpu.memory_space<hbm>> -> memref<128xf32, #tpu.memory_space<hbm>>
      %dma_wait3A_1059 = tpu.memref_slice %arg4[%mul3A_116] : memref<256xf32, #tpu.memory_space<hbm>> -> memref<128xf32, #tpu.memory_space<hbm>>
      tpu.wait_dma2 semaphore(%run_scoped3A : memref<!tpu.dma_semaphore, #tpu.memory_space<semaphore_mem>>) src(%dma_wait3A_1059 : memref<128xf32, #tpu.memory_space<hbm>>) dst(%arg32 : memref<128xf32, #tpu.memory_space<vmem>>)
      tpu.yield
    }) : () -> ()
    %get3A_441 = arith.constant 0 : index
    %get3A_442 = tpu.vector_load %arg32[%get3A_441] {strides = array<i32>} : memref<128xf32, #tpu.memory_space<vmem>>, vector<16xf32>,
    %get3A_443 = vector.shape_cast %get3A_442 : vector<16xf32> to vector<16xf32>
    %neg3A = arith.constant 0.000000e+00 : f32
    %neg3A_444 = vector.broadcast %neg3A : f32 to vector<16xf32>
    %neg3A_445 = arith.subf %neg3A_444, %get3A_443 : vector<16xf32>
    %exp3A = math.exp %neg3A_445 : vector<16xf32>
    %add3A_446 = arith.constant 1.000000e+00 : f32
    %add3A_447 = vector.broadcast %add3A_446 : f32 to vector<16xf32>
    %add3A_448 = arith.addf %add3A_447, %exp3A : vector<16xf32>
    %div3A = arith.constant 1.000000e+00 : f32
    %div3A_449 = vector.broadcast %div3A : f32 to vector<16xf32>
    %div3A_450 = arith.divf %div3A_449, %add3A_448 : vector<16xf32>
    %swap3A_451 = arith.constant 0 : index
    %swap3A_452 = tpu.vector_load %arg32[%swap3A_451] {strides = array<i32>} : memref<128xf32, #tpu.memory_space<vmem>>, vector<16xf32>,
    %swap3A_453 = vector.shape_cast %swap3A_452 : vector<16xf32> to vector<16xf32>
    %swap3A_454 = vector.shape_cast %div3A_450 : vector<16xf32> to vector<16xf32>
    tpu.vector_store %arg32[%swap3A_451], %swap3A_454 {strides = array<i32>} : memref<128xf32, #tpu.memory_space<vmem>>, vector<16xf32>,
    %get3A_455 = arith.constant 16 : index
    %get3A_456 = tpu.vector_load %arg32[%get3A_455] {strides = array<i32>} : memref<128xf32, #tpu.memory_space<vmem>>, vector<16xf32>,
    %get3A_457 = vector.shape_cast %get3A_456 : vector<16xf32> to vector<16xf32>
    %neg3A_458 = arith.constant 0.000000e+00 : f32
    %neg3A_459 = vector.broadcast %neg3A_458 : f32 to vector<16xf32>
    %neg3A_460 = arith.subf %neg3A_459, %get3A_457 : vector<16xf32>
    %exp3A_461 = math.exp %neg3A_460 : vector<16xf32>
    %add3A_462 = arith.constant 1.000000e+00 : f32
    %add3A_463 = vector.broadcast %add3A_462 : f32 to vector<16xf32>
    %add3A_464 = arith.addf %add3A_463, %exp3A_461 : vector<16xf32>
    %div3A_465 = arith.constant 1.000000e+00 : f32
    %div3A_466 = vector.broadcast %div3A_465 : f32 to vector<16xf32>
    %div3A_467 = arith.divf %div3A_466, %add3A_464 : vector<16xf32>
    %swap3A_468 = arith.constant 16 : index
    %swap3A_469 = tpu.vector_load %arg32[%swap3A_468] {strides = array<i32>} : memref<128xf32, #tpu.memory_space<vmem>>, vector<16xf32>,
    %swap3A_470 = vector.shape_cast %swap3A_469 : vector<16xf32> to vector<16xf32>
    %swap3A_471 = vector.shape_cast %div3A_467 : vector<16xf32> to vector<16xf32>
    tpu.vector_store %arg32[%swap3A_468], %swap3A_471 {strides = array<i32>} : memref<128xf32, #tpu.memory_space<vmem>>, vector<16xf32>,
    %get3A_472 = arith.constant 32 : index
    %get3A_473 = tpu.vector_load %arg32[%get3A_472] {strides = array<i32>} : memref<128xf32, #tpu.memory_space<vmem>>, vector<16xf32>,
    %get3A_474 = vector.shape_cast %get3A_473 : vector<16xf32> to vector<16xf32>
    %neg3A_475 = arith.constant 0.000000e+00 : f32
    %neg3A_476 = vector.broadcast %neg3A_475 : f32 to vector<16xf32>
    %neg3A_477 = arith.subf %neg3A_476, %get3A_474 : vector<16xf32>
    %exp3A_478 = math.exp %neg3A_477 : vector<16xf32>
    %add3A_479 = arith.constant 1.000000e+00 : f32
    %add3A_480 = vector.broadcast %add3A_479 : f32 to vector<16xf32>
    %add3A_481 = arith.addf %add3A_480, %exp3A_478 : vector<16xf32>
    %div3A_482 = arith.constant 1.000000e+00 : f32
    %div3A_483 = vector.broadcast %div3A_482 : f32 to vector<16xf32>
    %div3A_484 = arith.divf %div3A_483, %add3A_481 : vector<16xf32>
    %swap3A_485 = arith.constant 32 : index
    %swap3A_486 = tpu.vector_load %arg32[%swap3A_485] {strides = array<i32>} : memref<128xf32, #tpu.memory_space<vmem>>, vector<16xf32>,
    %swap3A_487 = vector.shape_cast %swap3A_486 : vector<16xf32> to vector<16xf32>
    %swap3A_488 = vector.shape_cast %div3A_484 : vector<16xf32> to vector<16xf32>
    tpu.vector_store %arg32[%swap3A_485], %swap3A_488 {strides = array<i32>} : memref<128xf32, #tpu.memory_space<vmem>>, vector<16xf32>,
    %get3A_489 = arith.constant 48 : index
    %get3A_490 = tpu.vector_load %arg32[%get3A_489] {strides = array<i32>} : memref<128xf32, #tpu.memory_space<vmem>>, vector<16xf32>,
    %get3A_491 = vector.shape_cast %get3A_490 : vector<16xf32> to vector<16xf32>
    %neg3A_492 = arith.constant 0.000000e+00 : f32
    %neg3A_493 = vector.broadcast %neg3A_492 : f32 to vector<16xf32>
    %neg3A_494 = arith.subf %neg3A_493, %get3A_491 : vector<16xf32>
    %exp3A_495 = math.exp %neg3A_494 : vector<16xf32>
    %add3A_496 = arith.constant 1.000000e+00 : f32
    %add3A_497 = vector.broadcast %add3A_496 : f32 to vector<16xf32>
    %add3A_498 = arith.addf %add3A_497, %exp3A_495 : vector<16xf32>
    %div3A_499 = arith.constant 1.000000e+00 : f32
    %div3A_500 = vector.broadcast %div3A_499 : f32 to vector<16xf32>
    %div3A_501 = arith.divf %div3A_500, %add3A_498 : vector<16xf32>
    %swap3A_502 = arith.constant 48 : index
    %swap3A_503 = tpu.vector_load %arg32[%swap3A_502] {strides = array<i32>} : memref<128xf32, #tpu.memory_space<vmem>>, vector<16xf32>,
    %swap3A_504 = vector.shape_cast %swap3A_503 : vector<16xf32> to vector<16xf32>
    %swap3A_505 = vector.shape_cast %div3A_501 : vector<16xf32> to vector<16xf32>
    tpu.vector_store %arg32[%swap3A_502], %swap3A_505 {strides = array<i32>} : memref<128xf32, #tpu.memory_space<vmem>>, vector<16xf32>,
    %get3A_506 = arith.constant 64 : index
    %get3A_507 = tpu.vector_load %arg32[%get3A_506] {strides = array<i32>} : memref<128xf32, #tpu.memory_space<vmem>>, vector<16xf32>,
    %get3A_508 = vector.shape_cast %get3A_507 : vector<16xf32> to vector<16xf32>
    %neg3A_509 = arith.constant 0.000000e+00 : f32
    %neg3A_510 = vector.broadcast %neg3A_509 : f32 to vector<16xf32>
    %neg3A_511 = arith.subf %neg3A_510, %get3A_508 : vector<16xf32>
    %exp3A_512 = math.exp %neg3A_511 : vector<16xf32>
    %add3A_513 = arith.constant 1.000000e+00 : f32
    %add3A_514 = vector.broadcast %add3A_513 : f32 to vector<16xf32>
    %add3A_515 = arith.addf %add3A_514, %exp3A_512 : vector<16xf32>
    %div3A_516 = arith.constant 1.000000e+00 : f32
    %div3A_517 = vector.broadcast %div3A_516 : f32 to vector<16xf32>
    %div3A_518 = arith.divf %div3A_517, %add3A_515 : vector<16xf32>
    %swap3A_519 = arith.constant 64 : index
    %swap3A_520 = tpu.vector_load %arg32[%swap3A_519] {strides = array<i32>} : memref<128xf32, #tpu.memory_space<vmem>>, vector<16xf32>,
    %swap3A_521 = vector.shape_cast %swap3A_520 : vector<16xf32> to vector<16xf32>
    %swap3A_522 = vector.shape_cast %div3A_518 : vector<16xf32> to vector<16xf32>
    tpu.vector_store %arg32[%swap3A_519], %swap3A_522 {strides = array<i32>} : memref<128xf32, #tpu.memory_space<vmem>>, vector<16xf32>,
    %get3A_523 = arith.constant 80 : index
    %get3A_524 = tpu.vector_load %arg32[%get3A_523] {strides = array<i32>} : memref<128xf32, #tpu.memory_space<vmem>>, vector<16xf32>,
    %get3A_525 = vector.shape_cast %get3A_524 : vector<16xf32> to vector<16xf32>
    %neg3A_526 = arith.constant 0.000000e+00 : f32
    %neg3A_527 = vector.broadcast %neg3A_526 : f32 to vector<16xf32>
    %neg3A_528 = arith.subf %neg3A_527, %get3A_525 : vector<16xf32>
    %exp3A_529 = math.exp %neg3A_528 : vector<16xf32>
    %add3A_530 = arith.constant 1.000000e+00 : f32
    %add3A_531 = vector.broadcast %add3A_530 : f32 to vector<16xf32>
    %add3A_532 = arith.addf %add3A_531, %exp3A_529 : vector<16xf32>
    %div3A_533 = arith.constant 1.000000e+00 : f32
    %div3A_534 = vector.broadcast %div3A_533 : f32 to vector<16xf32>
    %div3A_535 = arith.divf %div3A_534, %add3A_532 : vector<16xf32>
    %swap3A_536 = arith.constant 80 : index
    %swap3A_537 = tpu.vector_load %arg32[%swap3A_536] {strides = array<i32>} : memref<128xf32, #tpu.memory_space<vmem>>, vector<16xf32>,
    %swap3A_538 = vector.shape_cast %swap3A_537 : vector<16xf32> to vector<16xf32>
    %swap3A_539 = vector.shape_cast %div3A_535 : vector<16xf32> to vector<16xf32>
    tpu.vector_store %arg32[%swap3A_536], %swap3A_539 {strides = array<i32>} : memref<128xf32, #tpu.memory_space<vmem>>, vector<16xf32>,
    %get3A_540 = arith.constant 96 : index
    %get3A_541 = tpu.vector_load %arg32[%get3A_540] {strides = array<i32>} : memref<128xf32, #tpu.memory_space<vmem>>, vector<16xf32>,
    %get3A_542 = vector.shape_cast %get3A_541 : vector<16xf32> to vector<16xf32>
    %neg3A_543 = arith.constant 0.000000e+00 : f32
    %neg3A_544 = vector.broadcast %neg3A_543 : f32 to vector<16xf32>
    %neg3A_545 = arith.subf %neg3A_544, %get3A_542 : vector<16xf32>
    %exp3A_546 = math.exp %neg3A_545 : vector<16xf32>
    %add3A_547 = arith.constant 1.000000e+00 : f32
    %add3A_548 = vector.broadcast %add3A_547 : f32 to vector<16xf32>
    %add3A_549 = arith.addf %add3A_548, %exp3A_546 : vector<16xf32>
    %div3A_550 = arith.constant 1.000000e+00 : f32
    %div3A_551 = vector.broadcast %div3A_550 : f32 to vector<16xf32>
    %div3A_552 = arith.divf %div3A_551, %add3A_549 : vector<16xf32>
    %swap3A_553 = arith.constant 96 : index
    %swap3A_554 = tpu.vector_load %arg32[%swap3A_553] {strides = array<i32>} : memref<128xf32, #tpu.memory_space<vmem>>, vector<16xf32>,
    %swap3A_555 = vector.shape_cast %swap3A_554 : vector<16xf32> to vector<16xf32>
    %swap3A_556 = vector.shape_cast %div3A_552 : vector<16xf32> to vector<16xf32>
    tpu.vector_store %arg32[%swap3A_553], %swap3A_556 {strides = array<i32>} : memref<128xf32, #tpu.memory_space<vmem>>, vector<16xf32>,
    %get3A_557 = arith.constant 112 : index
    %get3A_558 = tpu.vector_load %arg32[%get3A_557] {strides = array<i32>} : memref<128xf32, #tpu.memory_space<vmem>>, vector<16xf32>,
    %get3A_559 = vector.shape_cast %get3A_558 : vector<16xf32> to vector<16xf32>
    %neg3A_560 = arith.constant 0.000000e+00 : f32
    %neg3A_561 = vector.broadcast %neg3A_560 : f32 to vector<16xf32>
    %neg3A_562 = arith.subf %neg3A_561, %get3A_559 : vector<16xf32>
    %exp3A_563 = math.exp %neg3A_562 : vector<16xf32>
    %add3A_564 = arith.constant 1.000000e+00 : f32
    %add3A_565 = vector.broadcast %add3A_564 : f32 to vector<16xf32>
    %add3A_566 = arith.addf %add3A_565, %exp3A_563 : vector<16xf32>
    %div3A_567 = arith.constant 1.000000e+00 : f32
    %div3A_568 = vector.broadcast %div3A_567 : f32 to vector<16xf32>
    %div3A_569 = arith.divf %div3A_568, %add3A_566 : vector<16xf32>
    %swap3A_570 = arith.constant 112 : index
    %swap3A_571 = tpu.vector_load %arg32[%swap3A_570] {strides = array<i32>} : memref<128xf32, #tpu.memory_space<vmem>>, vector<16xf32>,
    %swap3A_572 = vector.shape_cast %swap3A_571 : vector<16xf32> to vector<16xf32>
    %swap3A_573 = vector.shape_cast %div3A_569 : vector<16xf32> to vector<16xf32>
    tpu.vector_store %arg32[%swap3A_570], %swap3A_573 {strides = array<i32>} : memref<128xf32, #tpu.memory_space<vmem>>, vector<16xf32>,
    %mul3A_574 = arith.constant 4 : i32
    %mul3A_575 = arith.muli %arg1, %mul3A_574 : i32
    "tpu.region"() ({
      %run_scoped3A = tpu.sem_alloc : memref<!tpu.dma_semaphore, #tpu.memory_space<semaphore_mem>>
      %dma_start3A = arith.constant 0 : i32
      %dma_start3A_1058 = tpu.memref_slice %arg30[%mul3A_575, %dma_start3A] : memref<64x128xf32, #tpu.memory_space<vmem_shared>> -> memref<4x128xf32, #tpu.memory_space<vmem_shared>>
      %dma_start3A_1059 = arith.constant 0 : i32
      %dma_start3A_1060 = tpu.memref_slice %arg30[%mul3A_575, %dma_start3A_1059] : memref<64x128xf32, #tpu.memory_space<vmem_shared>> -> memref<4x128xf32, #tpu.memory_space<vmem_shared>>
      tpu.enqueue_dma source(%dma_start3A_1060 : memref<4x128xf32, #tpu.memory_space<vmem_shared>>) target(%arg31 : memref<4x128xf32, #tpu.memory_space<vmem>>) target_semaphore(%run_scoped3A : memref<!tpu.dma_semaphore, #tpu.memory_space<semaphore_mem>>)
      %dma_wait3A = arith.constant 0 : i32
      %dma_wait3A_1061 = tpu.memref_slice %arg30[%mul3A_575, %dma_wait3A] : memref<64x128xf32, #tpu.memory_space<vmem_shared>> -> memref<4x128xf32, #tpu.memory_space<vmem_shared>>
      %dma_wait3A_1062 = arith.constant 0 : i32
      %dma_wait3A_1063 = tpu.memref_slice %arg30[%mul3A_575, %dma_wait3A_1062] : memref<64x128xf32, #tpu.memory_space<vmem_shared>> -> memref<4x128xf32, #tpu.memory_space<vmem_shared>>
      tpu.wait_dma2 semaphore(%run_scoped3A : memref<!tpu.dma_semaphore, #tpu.memory_space<semaphore_mem>>) src(%dma_wait3A_1063 : memref<4x128xf32, #tpu.memory_space<vmem_shared>>) dst(%arg31 : memref<4x128xf32, #tpu.memory_space<vmem>>)
      tpu.yield
    }) : () -> ()
    %get3A_576 = arith.constant 0 : i32
    %get3A_577 = arith.index_cast %get3A_576 : i32 to index
    %get3A_578 = arith.constant 0 : index
    %get3A_579 = tpu.vector_load %arg31[%get3A_577, %get3A_578] {strides = array<i32>} : memref<4x128xf32, #tpu.memory_space<vmem>>, vector<1x16xf32>,
    %get3A_580 = vector.shape_cast %get3A_579 : vector<1x16xf32> to vector<16xf32>
    %get3A_581 = arith.constant 0 : index
    %get3A_582 = tpu.vector_load %arg32[%get3A_581] {strides = array<i32>} : memref<128xf32, #tpu.memory_space<vmem>>, vector<16xf32>,
    %get3A_583 = vector.shape_cast %get3A_582 : vector<16xf32> to vector<16xf32>
    %mul3A_584 = arith.mulf %get3A_580, %get3A_583 : vector<16xf32>
    %swap3A_585 = arith.constant 0 : i32
    %swap3A_586 = arith.index_cast %swap3A_585 : i32 to index
    %swap3A_587 = arith.constant 0 : index
    %swap3A_588 = tpu.vector_load %arg31[%swap3A_586, %swap3A_587] {strides = array<i32>} : memref<4x128xf32, #tpu.memory_space<vmem>>, vector<1x16xf32>,
    %swap3A_589 = vector.shape_cast %swap3A_588 : vector<1x16xf32> to vector<16xf32>
    %swap3A_590 = vector.shape_cast %mul3A_584 : vector<16xf32> to vector<1x16xf32>
    tpu.vector_store %arg31[%swap3A_586, %swap3A_587], %swap3A_590 {strides = array<i32>} : memref<4x128xf32, #tpu.memory_space<vmem>>, vector<1x16xf32>,
    %get3A_591 = arith.constant 0 : i32
    %get3A_592 = arith.index_cast %get3A_591 : i32 to index
    %get3A_593 = arith.constant 16 : index
    %get3A_594 = tpu.vector_load %arg31[%get3A_592, %get3A_593] {strides = array<i32>} : memref<4x128xf32, #tpu.memory_space<vmem>>, vector<1x16xf32>,
    %get3A_595 = vector.shape_cast %get3A_594 : vector<1x16xf32> to vector<16xf32>
    %get3A_596 = arith.constant 16 : index
    %get3A_597 = tpu.vector_load %arg32[%get3A_596] {strides = array<i32>} : memref<128xf32, #tpu.memory_space<vmem>>, vector<16xf32>,
    %get3A_598 = vector.shape_cast %get3A_597 : vector<16xf32> to vector<16xf32>
    %mul3A_599 = arith.mulf %get3A_595, %get3A_598 : vector<16xf32>
    %swap3A_600 = arith.constant 0 : i32
    %swap3A_601 = arith.index_cast %swap3A_600 : i32 to index
    %swap3A_602 = arith.constant 16 : index
    %swap3A_603 = tpu.vector_load %arg31[%swap3A_601, %swap3A_602] {strides = array<i32>} : memref<4x128xf32, #tpu.memory_space<vmem>>, vector<1x16xf32>,
    %swap3A_604 = vector.shape_cast %swap3A_603 : vector<1x16xf32> to vector<16xf32>
    %swap3A_605 = vector.shape_cast %mul3A_599 : vector<16xf32> to vector<1x16xf32>
    tpu.vector_store %arg31[%swap3A_601, %swap3A_602], %swap3A_605 {strides = array<i32>} : memref<4x128xf32, #tpu.memory_space<vmem>>, vector<1x16xf32>,
    %get3A_606 = arith.constant 0 : i32
    %get3A_607 = arith.index_cast %get3A_606 : i32 to index
    %get3A_608 = arith.constant 32 : index
    %get3A_609 = tpu.vector_load %arg31[%get3A_607, %get3A_608] {strides = array<i32>} : memref<4x128xf32, #tpu.memory_space<vmem>>, vector<1x16xf32>,
    %get3A_610 = vector.shape_cast %get3A_609 : vector<1x16xf32> to vector<16xf32>
    %get3A_611 = arith.constant 32 : index
    %get3A_612 = tpu.vector_load %arg32[%get3A_611] {strides = array<i32>} : memref<128xf32, #tpu.memory_space<vmem>>, vector<16xf32>,
    %get3A_613 = vector.shape_cast %get3A_612 : vector<16xf32> to vector<16xf32>
    %mul3A_614 = arith.mulf %get3A_610, %get3A_613 : vector<16xf32>
    %swap3A_615 = arith.constant 0 : i32
    %swap3A_616 = arith.index_cast %swap3A_615 : i32 to index
    %swap3A_617 = arith.constant 32 : index
    %swap3A_618 = tpu.vector_load %arg31[%swap3A_616, %swap3A_617] {strides = array<i32>} : memref<4x128xf32, #tpu.memory_space<vmem>>, vector<1x16xf32>,
    %swap3A_619 = vector.shape_cast %swap3A_618 : vector<1x16xf32> to vector<16xf32>
    %swap3A_620 = vector.shape_cast %mul3A_614 : vector<16xf32> to vector<1x16xf32>
    tpu.vector_store %arg31[%swap3A_616, %swap3A_617], %swap3A_620 {strides = array<i32>} : memref<4x128xf32, #tpu.memory_space<vmem>>, vector<1x16xf32>,
    %get3A_621 = arith.constant 0 : i32
    %get3A_622 = arith.index_cast %get3A_621 : i32 to index
    %get3A_623 = arith.constant 48 : index
    %get3A_624 = tpu.vector_load %arg31[%get3A_622, %get3A_623] {strides = array<i32>} : memref<4x128xf32, #tpu.memory_space<vmem>>, vector<1x16xf32>,
    %get3A_625 = vector.shape_cast %get3A_624 : vector<1x16xf32> to vector<16xf32>
    %get3A_626 = arith.constant 48 : index
    %get3A_627 = tpu.vector_load %arg32[%get3A_626] {strides = array<i32>} : memref<128xf32, #tpu.memory_space<vmem>>, vector<16xf32>,
    %get3A_628 = vector.shape_cast %get3A_627 : vector<16xf32> to vector<16xf32>
    %mul3A_629 = arith.mulf %get3A_625, %get3A_628 : vector<16xf32>
    %swap3A_630 = arith.constant 0 : i32
    %swap3A_631 = arith.index_cast %swap3A_630 : i32 to index
    %swap3A_632 = arith.constant 48 : index
    %swap3A_633 = tpu.vector_load %arg31[%swap3A_631, %swap3A_632] {strides = array<i32>} : memref<4x128xf32, #tpu.memory_space<vmem>>, vector<1x16xf32>,
    %swap3A_634 = vector.shape_cast %swap3A_633 : vector<1x16xf32> to vector<16xf32>
    %swap3A_635 = vector.shape_cast %mul3A_629 : vector<16xf32> to vector<1x16xf32>
    tpu.vector_store %arg31[%swap3A_631, %swap3A_632], %swap3A_635 {strides = array<i32>} : memref<4x128xf32, #tpu.memory_space<vmem>>, vector<1x16xf32>,
    %get3A_636 = arith.constant 0 : i32
    %get3A_637 = arith.index_cast %get3A_636 : i32 to index
    %get3A_638 = arith.constant 64 : index
    %get3A_639 = tpu.vector_load %arg31[%get3A_637, %get3A_638] {strides = array<i32>} : memref<4x128xf32, #tpu.memory_space<vmem>>, vector<1x16xf32>,
    %get3A_640 = vector.shape_cast %get3A_639 : vector<1x16xf32> to vector<16xf32>
    %get3A_641 = arith.constant 64 : index
    %get3A_642 = tpu.vector_load %arg32[%get3A_641] {strides = array<i32>} : memref<128xf32, #tpu.memory_space<vmem>>, vector<16xf32>,
    %get3A_643 = vector.shape_cast %get3A_642 : vector<16xf32> to vector<16xf32>
    %mul3A_644 = arith.mulf %get3A_640, %get3A_643 : vector<16xf32>
    %swap3A_645 = arith.constant 0 : i32
    %swap3A_646 = arith.index_cast %swap3A_645 : i32 to index
    %swap3A_647 = arith.constant 64 : index
    %swap3A_648 = tpu.vector_load %arg31[%swap3A_646, %swap3A_647] {strides = array<i32>} : memref<4x128xf32, #tpu.memory_space<vmem>>, vector<1x16xf32>,
    %swap3A_649 = vector.shape_cast %swap3A_648 : vector<1x16xf32> to vector<16xf32>
    %swap3A_650 = vector.shape_cast %mul3A_644 : vector<16xf32> to vector<1x16xf32>
    tpu.vector_store %arg31[%swap3A_646, %swap3A_647], %swap3A_650 {strides = array<i32>} : memref<4x128xf32, #tpu.memory_space<vmem>>, vector<1x16xf32>,
    %get3A_651 = arith.constant 0 : i32
    %get3A_652 = arith.index_cast %get3A_651 : i32 to index
    %get3A_653 = arith.constant 80 : index
    %get3A_654 = tpu.vector_load %arg31[%get3A_652, %get3A_653] {strides = array<i32>} : memref<4x128xf32, #tpu.memory_space<vmem>>, vector<1x16xf32>,
    %get3A_655 = vector.shape_cast %get3A_654 : vector<1x16xf32> to vector<16xf32>
    %get3A_656 = arith.constant 80 : index
    %get3A_657 = tpu.vector_load %arg32[%get3A_656] {strides = array<i32>} : memref<128xf32, #tpu.memory_space<vmem>>, vector<16xf32>,
    %get3A_658 = vector.shape_cast %get3A_657 : vector<16xf32> to vector<16xf32>
    %mul3A_659 = arith.mulf %get3A_655, %get3A_658 : vector<16xf32>
    %swap3A_660 = arith.constant 0 : i32
    %swap3A_661 = arith.index_cast %swap3A_660 : i32 to index
    %swap3A_662 = arith.constant 80 : index
    %swap3A_663 = tpu.vector_load %arg31[%swap3A_661, %swap3A_662] {strides = array<i32>} : memref<4x128xf32, #tpu.memory_space<vmem>>, vector<1x16xf32>,
    %swap3A_664 = vector.shape_cast %swap3A_663 : vector<1x16xf32> to vector<16xf32>
    %swap3A_665 = vector.shape_cast %mul3A_659 : vector<16xf32> to vector<1x16xf32>
    tpu.vector_store %arg31[%swap3A_661, %swap3A_662], %swap3A_665 {strides = array<i32>} : memref<4x128xf32, #tpu.memory_space<vmem>>, vector<1x16xf32>,
    %get3A_666 = arith.constant 0 : i32
    %get3A_667 = arith.index_cast %get3A_666 : i32 to index
    %get3A_668 = arith.constant 96 : index
    %get3A_669 = tpu.vector_load %arg31[%get3A_667, %get3A_668] {strides = array<i32>} : memref<4x128xf32, #tpu.memory_space<vmem>>, vector<1x16xf32>,
    %get3A_670 = vector.shape_cast %get3A_669 : vector<1x16xf32> to vector<16xf32>
    %get3A_671 = arith.constant 96 : index
    %get3A_672 = tpu.vector_load %arg32[%get3A_671] {strides = array<i32>} : memref<128xf32, #tpu.memory_space<vmem>>, vector<16xf32>,
    %get3A_673 = vector.shape_cast %get3A_672 : vector<16xf32> to vector<16xf32>
    %mul3A_674 = arith.mulf %get3A_670, %get3A_673 : vector<16xf32>
    %swap3A_675 = arith.constant 0 : i32
    %swap3A_676 = arith.index_cast %swap3A_675 : i32 to index
    %swap3A_677 = arith.constant 96 : index
    %swap3A_678 = tpu.vector_load %arg31[%swap3A_676, %swap3A_677] {strides = array<i32>} : memref<4x128xf32, #tpu.memory_space<vmem>>, vector<1x16xf32>,
    %swap3A_679 = vector.shape_cast %swap3A_678 : vector<1x16xf32> to vector<16xf32>
    %swap3A_680 = vector.shape_cast %mul3A_674 : vector<16xf32> to vector<1x16xf32>
    tpu.vector_store %arg31[%swap3A_676, %swap3A_677], %swap3A_680 {strides = array<i32>} : memref<4x128xf32, #tpu.memory_space<vmem>>, vector<1x16xf32>,
    %get3A_681 = arith.constant 0 : i32
    %get3A_682 = arith.index_cast %get3A_681 : i32 to index
    %get3A_683 = arith.constant 112 : index
    %get3A_684 = tpu.vector_load %arg31[%get3A_682, %get3A_683] {strides = array<i32>} : memref<4x128xf32, #tpu.memory_space<vmem>>, vector<1x16xf32>,
    %get3A_685 = vector.shape_cast %get3A_684 : vector<1x16xf32> to vector<16xf32>
    %get3A_686 = arith.constant 112 : index
    %get3A_687 = tpu.vector_load %arg32[%get3A_686] {strides = array<i32>} : memref<128xf32, #tpu.memory_space<vmem>>, vector<16xf32>,
    %get3A_688 = vector.shape_cast %get3A_687 : vector<16xf32> to vector<16xf32>
    %mul3A_689 = arith.mulf %get3A_685, %get3A_688 : vector<16xf32>
    %swap3A_690 = arith.constant 0 : i32
    %swap3A_691 = arith.index_cast %swap3A_690 : i32 to index
    %swap3A_692 = arith.constant 112 : index
    %swap3A_693 = tpu.vector_load %arg31[%swap3A_691, %swap3A_692] {strides = array<i32>} : memref<4x128xf32, #tpu.memory_space<vmem>>, vector<1x16xf32>,
    %swap3A_694 = vector.shape_cast %swap3A_693 : vector<1x16xf32> to vector<16xf32>
    %swap3A_695 = vector.shape_cast %mul3A_689 : vector<16xf32> to vector<1x16xf32>
    tpu.vector_store %arg31[%swap3A_691, %swap3A_692], %swap3A_695 {strides = array<i32>} : memref<4x128xf32, #tpu.memory_space<vmem>>, vector<1x16xf32>,
    %get3A_696 = arith.constant 1 : i32
    %get3A_697 = arith.index_cast %get3A_696 : i32 to index
    %get3A_698 = arith.constant 0 : index
    %get3A_699 = tpu.vector_load %arg31[%get3A_697, %get3A_698] {strides = array<i32>} : memref<4x128xf32, #tpu.memory_space<vmem>>, vector<1x16xf32>,
    %get3A_700 = vector.shape_cast %get3A_699 : vector<1x16xf32> to vector<16xf32>
    %get3A_701 = arith.constant 0 : index
    %get3A_702 = tpu.vector_load %arg32[%get3A_701] {strides = array<i32>} : memref<128xf32, #tpu.memory_space<vmem>>, vector<16xf32>,
    %get3A_703 = vector.shape_cast %get3A_702 : vector<16xf32> to vector<16xf32>
    %mul3A_704 = arith.mulf %get3A_700, %get3A_703 : vector<16xf32>
    %swap3A_705 = arith.constant 1 : i32
    %swap3A_706 = arith.index_cast %swap3A_705 : i32 to index
    %swap3A_707 = arith.constant 0 : index
    %swap3A_708 = tpu.vector_load %arg31[%swap3A_706, %swap3A_707] {strides = array<i32>} : memref<4x128xf32, #tpu.memory_space<vmem>>, vector<1x16xf32>,
    %swap3A_709 = vector.shape_cast %swap3A_708 : vector<1x16xf32> to vector<16xf32>
    %swap3A_710 = vector.shape_cast %mul3A_704 : vector<16xf32> to vector<1x16xf32>
    tpu.vector_store %arg31[%swap3A_706, %swap3A_707], %swap3A_710 {strides = array<i32>} : memref<4x128xf32, #tpu.memory_space<vmem>>, vector<1x16xf32>,
    %get3A_711 = arith.constant 1 : i32
    %get3A_712 = arith.index_cast %get3A_711 : i32 to index
    %get3A_713 = arith.constant 16 : index
    %get3A_714 = tpu.vector_load %arg31[%get3A_712, %get3A_713] {strides = array<i32>} : memref<4x128xf32, #tpu.memory_space<vmem>>, vector<1x16xf32>,
    %get3A_715 = vector.shape_cast %get3A_714 : vector<1x16xf32> to vector<16xf32>
    %get3A_716 = arith.constant 16 : index
    %get3A_717 = tpu.vector_load %arg32[%get3A_716] {strides = array<i32>} : memref<128xf32, #tpu.memory_space<vmem>>, vector<16xf32>,
    %get3A_718 = vector.shape_cast %get3A_717 : vector<16xf32> to vector<16xf32>
    %mul3A_719 = arith.mulf %get3A_715, %get3A_718 : vector<16xf32>
    %swap3A_720 = arith.constant 1 : i32
    %swap3A_721 = arith.index_cast %swap3A_720 : i32 to index
    %swap3A_722 = arith.constant 16 : index
    %swap3A_723 = tpu.vector_load %arg31[%swap3A_721, %swap3A_722] {strides = array<i32>} : memref<4x128xf32, #tpu.memory_space<vmem>>, vector<1x16xf32>,
    %swap3A_724 = vector.shape_cast %swap3A_723 : vector<1x16xf32> to vector<16xf32>
    %swap3A_725 = vector.shape_cast %mul3A_719 : vector<16xf32> to vector<1x16xf32>
    tpu.vector_store %arg31[%swap3A_721, %swap3A_722], %swap3A_725 {strides = array<i32>} : memref<4x128xf32, #tpu.memory_space<vmem>>, vector<1x16xf32>,
    %get3A_726 = arith.constant 1 : i32
    %get3A_727 = arith.index_cast %get3A_726 : i32 to index
    %get3A_728 = arith.constant 32 : index
    %get3A_729 = tpu.vector_load %arg31[%get3A_727, %get3A_728] {strides = array<i32>} : memref<4x128xf32, #tpu.memory_space<vmem>>, vector<1x16xf32>,
    %get3A_730 = vector.shape_cast %get3A_729 : vector<1x16xf32> to vector<16xf32>
    %get3A_731 = arith.constant 32 : index
    %get3A_732 = tpu.vector_load %arg32[%get3A_731] {strides = array<i32>} : memref<128xf32, #tpu.memory_space<vmem>>, vector<16xf32>,
    %get3A_733 = vector.shape_cast %get3A_732 : vector<16xf32> to vector<16xf32>
    %mul3A_734 = arith.mulf %get3A_730, %get3A_733 : vector<16xf32>
    %swap3A_735 = arith.constant 1 : i32
    %swap3A_736 = arith.index_cast %swap3A_735 : i32 to index
    %swap3A_737 = arith.constant 32 : index
    %swap3A_738 = tpu.vector_load %arg31[%swap3A_736, %swap3A_737] {strides = array<i32>} : memref<4x128xf32, #tpu.memory_space<vmem>>, vector<1x16xf32>,
    %swap3A_739 = vector.shape_cast %swap3A_738 : vector<1x16xf32> to vector<16xf32>
    %swap3A_740 = vector.shape_cast %mul3A_734 : vector<16xf32> to vector<1x16xf32>
    tpu.vector_store %arg31[%swap3A_736, %swap3A_737], %swap3A_740 {strides = array<i32>} : memref<4x128xf32, #tpu.memory_space<vmem>>, vector<1x16xf32>,
    %get3A_741 = arith.constant 1 : i32
    %get3A_742 = arith.index_cast %get3A_741 : i32 to index
    %get3A_743 = arith.constant 48 : index
    %get3A_744 = tpu.vector_load %arg31[%get3A_742, %get3A_743] {strides = array<i32>} : memref<4x128xf32, #tpu.memory_space<vmem>>, vector<1x16xf32>,
    %get3A_745 = vector.shape_cast %get3A_744 : vector<1x16xf32> to vector<16xf32>
    %get3A_746 = arith.constant 48 : index
    %get3A_747 = tpu.vector_load %arg32[%get3A_746] {strides = array<i32>} : memref<128xf32, #tpu.memory_space<vmem>>, vector<16xf32>,
    %get3A_748 = vector.shape_cast %get3A_747 : vector<16xf32> to vector<16xf32>
    %mul3A_749 = arith.mulf %get3A_745, %get3A_748 : vector<16xf32>
    %swap3A_750 = arith.constant 1 : i32
    %swap3A_751 = arith.index_cast %swap3A_750 : i32 to index
    %swap3A_752 = arith.constant 48 : index
    %swap3A_753 = tpu.vector_load %arg31[%swap3A_751, %swap3A_752] {strides = array<i32>} : memref<4x128xf32, #tpu.memory_space<vmem>>, vector<1x16xf32>,
    %swap3A_754 = vector.shape_cast %swap3A_753 : vector<1x16xf32> to vector<16xf32>
    %swap3A_755 = vector.shape_cast %mul3A_749 : vector<16xf32> to vector<1x16xf32>
    tpu.vector_store %arg31[%swap3A_751, %swap3A_752], %swap3A_755 {strides = array<i32>} : memref<4x128xf32, #tpu.memory_space<vmem>>, vector<1x16xf32>,
    %get3A_756 = arith.constant 1 : i32
    %get3A_757 = arith.index_cast %get3A_756 : i32 to index
    %get3A_758 = arith.constant 64 : index
    %get3A_759 = tpu.vector_load %arg31[%get3A_757, %get3A_758] {strides = array<i32>} : memref<4x128xf32, #tpu.memory_space<vmem>>, vector<1x16xf32>,
    %get3A_760 = vector.shape_cast %get3A_759 : vector<1x16xf32> to vector<16xf32>
    %get3A_761 = arith.constant 64 : index
    %get3A_762 = tpu.vector_load %arg32[%get3A_761] {strides = array<i32>} : memref<128xf32, #tpu.memory_space<vmem>>, vector<16xf32>,
    %get3A_763 = vector.shape_cast %get3A_762 : vector<16xf32> to vector<16xf32>
    %mul3A_764 = arith.mulf %get3A_760, %get3A_763 : vector<16xf32>
    %swap3A_765 = arith.constant 1 : i32
    %swap3A_766 = arith.index_cast %swap3A_765 : i32 to index
    %swap3A_767 = arith.constant 64 : index
    %swap3A_768 = tpu.vector_load %arg31[%swap3A_766, %swap3A_767] {strides = array<i32>} : memref<4x128xf32, #tpu.memory_space<vmem>>, vector<1x16xf32>,
    %swap3A_769 = vector.shape_cast %swap3A_768 : vector<1x16xf32> to vector<16xf32>
    %swap3A_770 = vector.shape_cast %mul3A_764 : vector<16xf32> to vector<1x16xf32>
    tpu.vector_store %arg31[%swap3A_766, %swap3A_767], %swap3A_770 {strides = array<i32>} : memref<4x128xf32, #tpu.memory_space<vmem>>, vector<1x16xf32>,
    %get3A_771 = arith.constant 1 : i32
    %get3A_772 = arith.index_cast %get3A_771 : i32 to index
    %get3A_773 = arith.constant 80 : index
    %get3A_774 = tpu.vector_load %arg31[%get3A_772, %get3A_773] {strides = array<i32>} : memref<4x128xf32, #tpu.memory_space<vmem>>, vector<1x16xf32>,
    %get3A_775 = vector.shape_cast %get3A_774 : vector<1x16xf32> to vector<16xf32>
    %get3A_776 = arith.constant 80 : index
    %get3A_777 = tpu.vector_load %arg32[%get3A_776] {strides = array<i32>} : memref<128xf32, #tpu.memory_space<vmem>>, vector<16xf32>,
    %get3A_778 = vector.shape_cast %get3A_777 : vector<16xf32> to vector<16xf32>
    %mul3A_779 = arith.mulf %get3A_775, %get3A_778 : vector<16xf32>
    %swap3A_780 = arith.constant 1 : i32
    %swap3A_781 = arith.index_cast %swap3A_780 : i32 to index
    %swap3A_782 = arith.constant 80 : index
    %swap3A_783 = tpu.vector_load %arg31[%swap3A_781, %swap3A_782] {strides = array<i32>} : memref<4x128xf32, #tpu.memory_space<vmem>>, vector<1x16xf32>,
    %swap3A_784 = vector.shape_cast %swap3A_783 : vector<1x16xf32> to vector<16xf32>
    %swap3A_785 = vector.shape_cast %mul3A_779 : vector<16xf32> to vector<1x16xf32>
    tpu.vector_store %arg31[%swap3A_781, %swap3A_782], %swap3A_785 {strides = array<i32>} : memref<4x128xf32, #tpu.memory_space<vmem>>, vector<1x16xf32>,
    %get3A_786 = arith.constant 1 : i32
    %get3A_787 = arith.index_cast %get3A_786 : i32 to index
    %get3A_788 = arith.constant 96 : index
    %get3A_789 = tpu.vector_load %arg31[%get3A_787, %get3A_788] {strides = array<i32>} : memref<4x128xf32, #tpu.memory_space<vmem>>, vector<1x16xf32>,
    %get3A_790 = vector.shape_cast %get3A_789 : vector<1x16xf32> to vector<16xf32>
    %get3A_791 = arith.constant 96 : index
    %get3A_792 = tpu.vector_load %arg32[%get3A_791] {strides = array<i32>} : memref<128xf32, #tpu.memory_space<vmem>>, vector<16xf32>,
    %get3A_793 = vector.shape_cast %get3A_792 : vector<16xf32> to vector<16xf32>
    %mul3A_794 = arith.mulf %get3A_790, %get3A_793 : vector<16xf32>
    %swap3A_795 = arith.constant 1 : i32
    %swap3A_796 = arith.index_cast %swap3A_795 : i32 to index
    %swap3A_797 = arith.constant 96 : index
    %swap3A_798 = tpu.vector_load %arg31[%swap3A_796, %swap3A_797] {strides = array<i32>} : memref<4x128xf32, #tpu.memory_space<vmem>>, vector<1x16xf32>,
    %swap3A_799 = vector.shape_cast %swap3A_798 : vector<1x16xf32> to vector<16xf32>
    %swap3A_800 = vector.shape_cast %mul3A_794 : vector<16xf32> to vector<1x16xf32>
    tpu.vector_store %arg31[%swap3A_796, %swap3A_797], %swap3A_800 {strides = array<i32>} : memref<4x128xf32, #tpu.memory_space<vmem>>, vector<1x16xf32>,
    %get3A_801 = arith.constant 1 : i32
    %get3A_802 = arith.index_cast %get3A_801 : i32 to index
    %get3A_803 = arith.constant 112 : index
    %get3A_804 = tpu.vector_load %arg31[%get3A_802, %get3A_803] {strides = array<i32>} : memref<4x128xf32, #tpu.memory_space<vmem>>, vector<1x16xf32>,
    %get3A_805 = vector.shape_cast %get3A_804 : vector<1x16xf32> to vector<16xf32>
    %get3A_806 = arith.constant 112 : index
    %get3A_807 = tpu.vector_load %arg32[%get3A_806] {strides = array<i32>} : memref<128xf32, #tpu.memory_space<vmem>>, vector<16xf32>,
    %get3A_808 = vector.shape_cast %get3A_807 : vector<16xf32> to vector<16xf32>
    %mul3A_809 = arith.mulf %get3A_805, %get3A_808 : vector<16xf32>
    %swap3A_810 = arith.constant 1 : i32
    %swap3A_811 = arith.index_cast %swap3A_810 : i32 to index
    %swap3A_812 = arith.constant 112 : index
    %swap3A_813 = tpu.vector_load %arg31[%swap3A_811, %swap3A_812] {strides = array<i32>} : memref<4x128xf32, #tpu.memory_space<vmem>>, vector<1x16xf32>,
    %swap3A_814 = vector.shape_cast %swap3A_813 : vector<1x16xf32> to vector<16xf32>
    %swap3A_815 = vector.shape_cast %mul3A_809 : vector<16xf32> to vector<1x16xf32>
    tpu.vector_store %arg31[%swap3A_811, %swap3A_812], %swap3A_815 {strides = array<i32>} : memref<4x128xf32, #tpu.memory_space<vmem>>, vector<1x16xf32>,
    %get3A_816 = arith.constant 2 : i32
    %get3A_817 = arith.index_cast %get3A_816 : i32 to index
    %get3A_818 = arith.constant 0 : index
    %get3A_819 = tpu.vector_load %arg31[%get3A_817, %get3A_818] {strides = array<i32>} : memref<4x128xf32, #tpu.memory_space<vmem>>, vector<1x16xf32>,
    %get3A_820 = vector.shape_cast %get3A_819 : vector<1x16xf32> to vector<16xf32>
    %get3A_821 = arith.constant 0 : index
    %get3A_822 = tpu.vector_load %arg32[%get3A_821] {strides = array<i32>} : memref<128xf32, #tpu.memory_space<vmem>>, vector<16xf32>,
    %get3A_823 = vector.shape_cast %get3A_822 : vector<16xf32> to vector<16xf32>
    %mul3A_824 = arith.mulf %get3A_820, %get3A_823 : vector<16xf32>
    %swap3A_825 = arith.constant 2 : i32
    %swap3A_826 = arith.index_cast %swap3A_825 : i32 to index
    %swap3A_827 = arith.constant 0 : index
    %swap3A_828 = tpu.vector_load %arg31[%swap3A_826, %swap3A_827] {strides = array<i32>} : memref<4x128xf32, #tpu.memory_space<vmem>>, vector<1x16xf32>,
    %swap3A_829 = vector.shape_cast %swap3A_828 : vector<1x16xf32> to vector<16xf32>
    %swap3A_830 = vector.shape_cast %mul3A_824 : vector<16xf32> to vector<1x16xf32>
    tpu.vector_store %arg31[%swap3A_826, %swap3A_827], %swap3A_830 {strides = array<i32>} : memref<4x128xf32, #tpu.memory_space<vmem>>, vector<1x16xf32>,
    %get3A_831 = arith.constant 2 : i32
    %get3A_832 = arith.index_cast %get3A_831 : i32 to index
    %get3A_833 = arith.constant 16 : index
    %get3A_834 = tpu.vector_load %arg31[%get3A_832, %get3A_833] {strides = array<i32>} : memref<4x128xf32, #tpu.memory_space<vmem>>, vector<1x16xf32>,
    %get3A_835 = vector.shape_cast %get3A_834 : vector<1x16xf32> to vector<16xf32>
    %get3A_836 = arith.constant 16 : index
    %get3A_837 = tpu.vector_load %arg32[%get3A_836] {strides = array<i32>} : memref<128xf32, #tpu.memory_space<vmem>>, vector<16xf32>,
    %get3A_838 = vector.shape_cast %get3A_837 : vector<16xf32> to vector<16xf32>
    %mul3A_839 = arith.mulf %get3A_835, %get3A_838 : vector<16xf32>
    %swap3A_840 = arith.constant 2 : i32
    %swap3A_841 = arith.index_cast %swap3A_840 : i32 to index
    %swap3A_842 = arith.constant 16 : index
    %swap3A_843 = tpu.vector_load %arg31[%swap3A_841, %swap3A_842] {strides = array<i32>} : memref<4x128xf32, #tpu.memory_space<vmem>>, vector<1x16xf32>,
    %swap3A_844 = vector.shape_cast %swap3A_843 : vector<1x16xf32> to vector<16xf32>
    %swap3A_845 = vector.shape_cast %mul3A_839 : vector<16xf32> to vector<1x16xf32>
    tpu.vector_store %arg31[%swap3A_841, %swap3A_842], %swap3A_845 {strides = array<i32>} : memref<4x128xf32, #tpu.memory_space<vmem>>, vector<1x16xf32>,
    %get3A_846 = arith.constant 2 : i32
    %get3A_847 = arith.index_cast %get3A_846 : i32 to index
    %get3A_848 = arith.constant 32 : index
    %get3A_849 = tpu.vector_load %arg31[%get3A_847, %get3A_848] {strides = array<i32>} : memref<4x128xf32, #tpu.memory_space<vmem>>, vector<1x16xf32>,
    %get3A_850 = vector.shape_cast %get3A_849 : vector<1x16xf32> to vector<16xf32>
    %get3A_851 = arith.constant 32 : index
    %get3A_852 = tpu.vector_load %arg32[%get3A_851] {strides = array<i32>} : memref<128xf32, #tpu.memory_space<vmem>>, vector<16xf32>,
    %get3A_853 = vector.shape_cast %get3A_852 : vector<16xf32> to vector<16xf32>
    %mul3A_854 = arith.mulf %get3A_850, %get3A_853 : vector<16xf32>
    %swap3A_855 = arith.constant 2 : i32
    %swap3A_856 = arith.index_cast %swap3A_855 : i32 to index
    %swap3A_857 = arith.constant 32 : index
    %swap3A_858 = tpu.vector_load %arg31[%swap3A_856, %swap3A_857] {strides = array<i32>} : memref<4x128xf32, #tpu.memory_space<vmem>>, vector<1x16xf32>,
    %swap3A_859 = vector.shape_cast %swap3A_858 : vector<1x16xf32> to vector<16xf32>
    %swap3A_860 = vector.shape_cast %mul3A_854 : vector<16xf32> to vector<1x16xf32>
    tpu.vector_store %arg31[%swap3A_856, %swap3A_857], %swap3A_860 {strides = array<i32>} : memref<4x128xf32, #tpu.memory_space<vmem>>, vector<1x16xf32>,
    %get3A_861 = arith.constant 2 : i32
    %get3A_862 = arith.index_cast %get3A_861 : i32 to index
    %get3A_863 = arith.constant 48 : index
    %get3A_864 = tpu.vector_load %arg31[%get3A_862, %get3A_863] {strides = array<i32>} : memref<4x128xf32, #tpu.memory_space<vmem>>, vector<1x16xf32>,
    %get3A_865 = vector.shape_cast %get3A_864 : vector<1x16xf32> to vector<16xf32>
    %get3A_866 = arith.constant 48 : index
    %get3A_867 = tpu.vector_load %arg32[%get3A_866] {strides = array<i32>} : memref<128xf32, #tpu.memory_space<vmem>>, vector<16xf32>,
    %get3A_868 = vector.shape_cast %get3A_867 : vector<16xf32> to vector<16xf32>
    %mul3A_869 = arith.mulf %get3A_865, %get3A_868 : vector<16xf32>
    %swap3A_870 = arith.constant 2 : i32
    %swap3A_871 = arith.index_cast %swap3A_870 : i32 to index
    %swap3A_872 = arith.constant 48 : index
    %swap3A_873 = tpu.vector_load %arg31[%swap3A_871, %swap3A_872] {strides = array<i32>} : memref<4x128xf32, #tpu.memory_space<vmem>>, vector<1x16xf32>,
    %swap3A_874 = vector.shape_cast %swap3A_873 : vector<1x16xf32> to vector<16xf32>
    %swap3A_875 = vector.shape_cast %mul3A_869 : vector<16xf32> to vector<1x16xf32>
    tpu.vector_store %arg31[%swap3A_871, %swap3A_872], %swap3A_875 {strides = array<i32>} : memref<4x128xf32, #tpu.memory_space<vmem>>, vector<1x16xf32>,
    %get3A_876 = arith.constant 2 : i32
    %get3A_877 = arith.index_cast %get3A_876 : i32 to index
    %get3A_878 = arith.constant 64 : index
    %get3A_879 = tpu.vector_load %arg31[%get3A_877, %get3A_878] {strides = array<i32>} : memref<4x128xf32, #tpu.memory_space<vmem>>, vector<1x16xf32>,
    %get3A_880 = vector.shape_cast %get3A_879 : vector<1x16xf32> to vector<16xf32>
    %get3A_881 = arith.constant 64 : index
    %get3A_882 = tpu.vector_load %arg32[%get3A_881] {strides = array<i32>} : memref<128xf32, #tpu.memory_space<vmem>>, vector<16xf32>,
    %get3A_883 = vector.shape_cast %get3A_882 : vector<16xf32> to vector<16xf32>
    %mul3A_884 = arith.mulf %get3A_880, %get3A_883 : vector<16xf32>
    %swap3A_885 = arith.constant 2 : i32
    %swap3A_886 = arith.index_cast %swap3A_885 : i32 to index
    %swap3A_887 = arith.constant 64 : index
    %swap3A_888 = tpu.vector_load %arg31[%swap3A_886, %swap3A_887] {strides = array<i32>} : memref<4x128xf32, #tpu.memory_space<vmem>>, vector<1x16xf32>,
    %swap3A_889 = vector.shape_cast %swap3A_888 : vector<1x16xf32> to vector<16xf32>
    %swap3A_890 = vector.shape_cast %mul3A_884 : vector<16xf32> to vector<1x16xf32>
    tpu.vector_store %arg31[%swap3A_886, %swap3A_887], %swap3A_890 {strides = array<i32>} : memref<4x128xf32, #tpu.memory_space<vmem>>, vector<1x16xf32>,
    %get3A_891 = arith.constant 2 : i32
    %get3A_892 = arith.index_cast %get3A_891 : i32 to index
    %get3A_893 = arith.constant 80 : index
    %get3A_894 = tpu.vector_load %arg31[%get3A_892, %get3A_893] {strides = array<i32>} : memref<4x128xf32, #tpu.memory_space<vmem>>, vector<1x16xf32>,
    %get3A_895 = vector.shape_cast %get3A_894 : vector<1x16xf32> to vector<16xf32>
    %get3A_896 = arith.constant 80 : index
    %get3A_897 = tpu.vector_load %arg32[%get3A_896] {strides = array<i32>} : memref<128xf32, #tpu.memory_space<vmem>>, vector<16xf32>,
    %get3A_898 = vector.shape_cast %get3A_897 : vector<16xf32> to vector<16xf32>
    %mul3A_899 = arith.mulf %get3A_895, %get3A_898 : vector<16xf32>
    %swap3A_900 = arith.constant 2 : i32
    %swap3A_901 = arith.index_cast %swap3A_900 : i32 to index
    %swap3A_902 = arith.constant 80 : index
    %swap3A_903 = tpu.vector_load %arg31[%swap3A_901, %swap3A_902] {strides = array<i32>} : memref<4x128xf32, #tpu.memory_space<vmem>>, vector<1x16xf32>,
    %swap3A_904 = vector.shape_cast %swap3A_903 : vector<1x16xf32> to vector<16xf32>
    %swap3A_905 = vector.shape_cast %mul3A_899 : vector<16xf32> to vector<1x16xf32>
    tpu.vector_store %arg31[%swap3A_901, %swap3A_902], %swap3A_905 {strides = array<i32>} : memref<4x128xf32, #tpu.memory_space<vmem>>, vector<1x16xf32>,
    %get3A_906 = arith.constant 2 : i32
    %get3A_907 = arith.index_cast %get3A_906 : i32 to index
    %get3A_908 = arith.constant 96 : index
    %get3A_909 = tpu.vector_load %arg31[%get3A_907, %get3A_908] {strides = array<i32>} : memref<4x128xf32, #tpu.memory_space<vmem>>, vector<1x16xf32>,
    %get3A_910 = vector.shape_cast %get3A_909 : vector<1x16xf32> to vector<16xf32>
    %get3A_911 = arith.constant 96 : index
    %get3A_912 = tpu.vector_load %arg32[%get3A_911] {strides = array<i32>} : memref<128xf32, #tpu.memory_space<vmem>>, vector<16xf32>,
    %get3A_913 = vector.shape_cast %get3A_912 : vector<16xf32> to vector<16xf32>
    %mul3A_914 = arith.mulf %get3A_910, %get3A_913 : vector<16xf32>
    %swap3A_915 = arith.constant 2 : i32
    %swap3A_916 = arith.index_cast %swap3A_915 : i32 to index
    %swap3A_917 = arith.constant 96 : index
    %swap3A_918 = tpu.vector_load %arg31[%swap3A_916, %swap3A_917] {strides = array<i32>} : memref<4x128xf32, #tpu.memory_space<vmem>>, vector<1x16xf32>,
    %swap3A_919 = vector.shape_cast %swap3A_918 : vector<1x16xf32> to vector<16xf32>
    %swap3A_920 = vector.shape_cast %mul3A_914 : vector<16xf32> to vector<1x16xf32>
    tpu.vector_store %arg31[%swap3A_916, %swap3A_917], %swap3A_920 {strides = array<i32>} : memref<4x128xf32, #tpu.memory_space<vmem>>, vector<1x16xf32>,
    %get3A_921 = arith.constant 2 : i32
    %get3A_922 = arith.index_cast %get3A_921 : i32 to index
    %get3A_923 = arith.constant 112 : index
    %get3A_924 = tpu.vector_load %arg31[%get3A_922, %get3A_923] {strides = array<i32>} : memref<4x128xf32, #tpu.memory_space<vmem>>, vector<1x16xf32>,
    %get3A_925 = vector.shape_cast %get3A_924 : vector<1x16xf32> to vector<16xf32>
    %get3A_926 = arith.constant 112 : index
    %get3A_927 = tpu.vector_load %arg32[%get3A_926] {strides = array<i32>} : memref<128xf32, #tpu.memory_space<vmem>>, vector<16xf32>,
    %get3A_928 = vector.shape_cast %get3A_927 : vector<16xf32> to vector<16xf32>
    %mul3A_929 = arith.mulf %get3A_925, %get3A_928 : vector<16xf32>
    %swap3A_930 = arith.constant 2 : i32
    %swap3A_931 = arith.index_cast %swap3A_930 : i32 to index
    %swap3A_932 = arith.constant 112 : index
    %swap3A_933 = tpu.vector_load %arg31[%swap3A_931, %swap3A_932] {strides = array<i32>} : memref<4x128xf32, #tpu.memory_space<vmem>>, vector<1x16xf32>,
    %swap3A_934 = vector.shape_cast %swap3A_933 : vector<1x16xf32> to vector<16xf32>
    %swap3A_935 = vector.shape_cast %mul3A_929 : vector<16xf32> to vector<1x16xf32>
    tpu.vector_store %arg31[%swap3A_931, %swap3A_932], %swap3A_935 {strides = array<i32>} : memref<4x128xf32, #tpu.memory_space<vmem>>, vector<1x16xf32>,
    %get3A_936 = arith.constant 3 : i32
    %get3A_937 = arith.index_cast %get3A_936 : i32 to index
    %get3A_938 = arith.constant 0 : index
    %get3A_939 = tpu.vector_load %arg31[%get3A_937, %get3A_938] {strides = array<i32>} : memref<4x128xf32, #tpu.memory_space<vmem>>, vector<1x16xf32>,
    %get3A_940 = vector.shape_cast %get3A_939 : vector<1x16xf32> to vector<16xf32>
    %get3A_941 = arith.constant 0 : index
    %get3A_942 = tpu.vector_load %arg32[%get3A_941] {strides = array<i32>} : memref<128xf32, #tpu.memory_space<vmem>>, vector<16xf32>,
    %get3A_943 = vector.shape_cast %get3A_942 : vector<16xf32> to vector<16xf32>
    %mul3A_944 = arith.mulf %get3A_940, %get3A_943 : vector<16xf32>
    %swap3A_945 = arith.constant 3 : i32
    %swap3A_946 = arith.index_cast %swap3A_945 : i32 to index
    %swap3A_947 = arith.constant 0 : index
    %swap3A_948 = tpu.vector_load %arg31[%swap3A_946, %swap3A_947] {strides = array<i32>} : memref<4x128xf32, #tpu.memory_space<vmem>>, vector<1x16xf32>,
    %swap3A_949 = vector.shape_cast %swap3A_948 : vector<1x16xf32> to vector<16xf32>
    %swap3A_950 = vector.shape_cast %mul3A_944 : vector<16xf32> to vector<1x16xf32>
    tpu.vector_store %arg31[%swap3A_946, %swap3A_947], %swap3A_950 {strides = array<i32>} : memref<4x128xf32, #tpu.memory_space<vmem>>, vector<1x16xf32>,
    %get3A_951 = arith.constant 3 : i32
    %get3A_952 = arith.index_cast %get3A_951 : i32 to index
    %get3A_953 = arith.constant 16 : index
    %get3A_954 = tpu.vector_load %arg31[%get3A_952, %get3A_953] {strides = array<i32>} : memref<4x128xf32, #tpu.memory_space<vmem>>, vector<1x16xf32>,
    %get3A_955 = vector.shape_cast %get3A_954 : vector<1x16xf32> to vector<16xf32>
    %get3A_956 = arith.constant 16 : index
    %get3A_957 = tpu.vector_load %arg32[%get3A_956] {strides = array<i32>} : memref<128xf32, #tpu.memory_space<vmem>>, vector<16xf32>,
    %get3A_958 = vector.shape_cast %get3A_957 : vector<16xf32> to vector<16xf32>
    %mul3A_959 = arith.mulf %get3A_955, %get3A_958 : vector<16xf32>
    %swap3A_960 = arith.constant 3 : i32
    %swap3A_961 = arith.index_cast %swap3A_960 : i32 to index
    %swap3A_962 = arith.constant 16 : index
    %swap3A_963 = tpu.vector_load %arg31[%swap3A_961, %swap3A_962] {strides = array<i32>} : memref<4x128xf32, #tpu.memory_space<vmem>>, vector<1x16xf32>,
    %swap3A_964 = vector.shape_cast %swap3A_963 : vector<1x16xf32> to vector<16xf32>
    %swap3A_965 = vector.shape_cast %mul3A_959 : vector<16xf32> to vector<1x16xf32>
    tpu.vector_store %arg31[%swap3A_961, %swap3A_962], %swap3A_965 {strides = array<i32>} : memref<4x128xf32, #tpu.memory_space<vmem>>, vector<1x16xf32>,
    %get3A_966 = arith.constant 3 : i32
    %get3A_967 = arith.index_cast %get3A_966 : i32 to index
    %get3A_968 = arith.constant 32 : index
    %get3A_969 = tpu.vector_load %arg31[%get3A_967, %get3A_968] {strides = array<i32>} : memref<4x128xf32, #tpu.memory_space<vmem>>, vector<1x16xf32>,
    %get3A_970 = vector.shape_cast %get3A_969 : vector<1x16xf32> to vector<16xf32>
    %get3A_971 = arith.constant 32 : index
    %get3A_972 = tpu.vector_load %arg32[%get3A_971] {strides = array<i32>} : memref<128xf32, #tpu.memory_space<vmem>>, vector<16xf32>,
    %get3A_973 = vector.shape_cast %get3A_972 : vector<16xf32> to vector<16xf32>
    %mul3A_974 = arith.mulf %get3A_970, %get3A_973 : vector<16xf32>
    %swap3A_975 = arith.constant 3 : i32
    %swap3A_976 = arith.index_cast %swap3A_975 : i32 to index
    %swap3A_977 = arith.constant 32 : index
    %swap3A_978 = tpu.vector_load %arg31[%swap3A_976, %swap3A_977] {strides = array<i32>} : memref<4x128xf32, #tpu.memory_space<vmem>>, vector<1x16xf32>,
    %swap3A_979 = vector.shape_cast %swap3A_978 : vector<1x16xf32> to vector<16xf32>
    %swap3A_980 = vector.shape_cast %mul3A_974 : vector<16xf32> to vector<1x16xf32>
    tpu.vector_store %arg31[%swap3A_976, %swap3A_977], %swap3A_980 {strides = array<i32>} : memref<4x128xf32, #tpu.memory_space<vmem>>, vector<1x16xf32>,
    %get3A_981 = arith.constant 3 : i32
    %get3A_982 = arith.index_cast %get3A_981 : i32 to index
    %get3A_983 = arith.constant 48 : index
    %get3A_984 = tpu.vector_load %arg31[%get3A_982, %get3A_983] {strides = array<i32>} : memref<4x128xf32, #tpu.memory_space<vmem>>, vector<1x16xf32>,
    %get3A_985 = vector.shape_cast %get3A_984 : vector<1x16xf32> to vector<16xf32>
    %get3A_986 = arith.constant 48 : index
    %get3A_987 = tpu.vector_load %arg32[%get3A_986] {strides = array<i32>} : memref<128xf32, #tpu.memory_space<vmem>>, vector<16xf32>,
    %get3A_988 = vector.shape_cast %get3A_987 : vector<16xf32> to vector<16xf32>
    %mul3A_989 = arith.mulf %get3A_985, %get3A_988 : vector<16xf32>
    %swap3A_990 = arith.constant 3 : i32
    %swap3A_991 = arith.index_cast %swap3A_990 : i32 to index
    %swap3A_992 = arith.constant 48 : index
    %swap3A_993 = tpu.vector_load %arg31[%swap3A_991, %swap3A_992] {strides = array<i32>} : memref<4x128xf32, #tpu.memory_space<vmem>>, vector<1x16xf32>,
    %swap3A_994 = vector.shape_cast %swap3A_993 : vector<1x16xf32> to vector<16xf32>
    %swap3A_995 = vector.shape_cast %mul3A_989 : vector<16xf32> to vector<1x16xf32>
    tpu.vector_store %arg31[%swap3A_991, %swap3A_992], %swap3A_995 {strides = array<i32>} : memref<4x128xf32, #tpu.memory_space<vmem>>, vector<1x16xf32>,
    %get3A_996 = arith.constant 3 : i32
    %get3A_997 = arith.index_cast %get3A_996 : i32 to index
    %get3A_998 = arith.constant 64 : index
    %get3A_999 = tpu.vector_load %arg31[%get3A_997, %get3A_998] {strides = array<i32>} : memref<4x128xf32, #tpu.memory_space<vmem>>, vector<1x16xf32>,
    %get3A_1000 = vector.shape_cast %get3A_999 : vector<1x16xf32> to vector<16xf32>
    %get3A_1001 = arith.constant 64 : index
    %get3A_1002 = tpu.vector_load %arg32[%get3A_1001] {strides = array<i32>} : memref<128xf32, #tpu.memory_space<vmem>>, vector<16xf32>,
    %get3A_1003 = vector.shape_cast %get3A_1002 : vector<16xf32> to vector<16xf32>
    %mul3A_1004 = arith.mulf %get3A_1000, %get3A_1003 : vector<16xf32>
    %swap3A_1005 = arith.constant 3 : i32
    %swap3A_1006 = arith.index_cast %swap3A_1005 : i32 to index
    %swap3A_1007 = arith.constant 64 : index
    %swap3A_1008 = tpu.vector_load %arg31[%swap3A_1006, %swap3A_1007] {strides = array<i32>} : memref<4x128xf32, #tpu.memory_space<vmem>>, vector<1x16xf32>,
    %swap3A_1009 = vector.shape_cast %swap3A_1008 : vector<1x16xf32> to vector<16xf32>
    %swap3A_1010 = vector.shape_cast %mul3A_1004 : vector<16xf32> to vector<1x16xf32>
    tpu.vector_store %arg31[%swap3A_1006, %swap3A_1007], %swap3A_1010 {strides = array<i32>} : memref<4x128xf32, #tpu.memory_space<vmem>>, vector<1x16xf32>,
    %get3A_1011 = arith.constant 3 : i32
    %get3A_1012 = arith.index_cast %get3A_1011 : i32 to index
    %get3A_1013 = arith.constant 80 : index
    %get3A_1014 = tpu.vector_load %arg31[%get3A_1012, %get3A_1013] {strides = array<i32>} : memref<4x128xf32, #tpu.memory_space<vmem>>, vector<1x16xf32>,
    %get3A_1015 = vector.shape_cast %get3A_1014 : vector<1x16xf32> to vector<16xf32>
    %get3A_1016 = arith.constant 80 : index
    %get3A_1017 = tpu.vector_load %arg32[%get3A_1016] {strides = array<i32>} : memref<128xf32, #tpu.memory_space<vmem>>, vector<16xf32>,
    %get3A_1018 = vector.shape_cast %get3A_1017 : vector<16xf32> to vector<16xf32>
    %mul3A_1019 = arith.mulf %get3A_1015, %get3A_1018 : vector<16xf32>
    %swap3A_1020 = arith.constant 3 : i32
    %swap3A_1021 = arith.index_cast %swap3A_1020 : i32 to index
    %swap3A_1022 = arith.constant 80 : index
    %swap3A_1023 = tpu.vector_load %arg31[%swap3A_1021, %swap3A_1022] {strides = array<i32>} : memref<4x128xf32, #tpu.memory_space<vmem>>, vector<1x16xf32>,
    %swap3A_1024 = vector.shape_cast %swap3A_1023 : vector<1x16xf32> to vector<16xf32>
    %swap3A_1025 = vector.shape_cast %mul3A_1019 : vector<16xf32> to vector<1x16xf32>
    tpu.vector_store %arg31[%swap3A_1021, %swap3A_1022], %swap3A_1025 {strides = array<i32>} : memref<4x128xf32, #tpu.memory_space<vmem>>, vector<1x16xf32>,
    %get3A_1026 = arith.constant 3 : i32
    %get3A_1027 = arith.index_cast %get3A_1026 : i32 to index
    %get3A_1028 = arith.constant 96 : index
    %get3A_1029 = tpu.vector_load %arg31[%get3A_1027, %get3A_1028] {strides = array<i32>} : memref<4x128xf32, #tpu.memory_space<vmem>>, vector<1x16xf32>,
    %get3A_1030 = vector.shape_cast %get3A_1029 : vector<1x16xf32> to vector<16xf32>
    %get3A_1031 = arith.constant 96 : index
    %get3A_1032 = tpu.vector_load %arg32[%get3A_1031] {strides = array<i32>} : memref<128xf32, #tpu.memory_space<vmem>>, vector<16xf32>,
    %get3A_1033 = vector.shape_cast %get3A_1032 : vector<16xf32> to vector<16xf32>
    %mul3A_1034 = arith.mulf %get3A_1030, %get3A_1033 : vector<16xf32>
    %swap3A_1035 = arith.constant 3 : i32
    %swap3A_1036 = arith.index_cast %swap3A_1035 : i32 to index
    %swap3A_1037 = arith.constant 96 : index
    %swap3A_1038 = tpu.vector_load %arg31[%swap3A_1036, %swap3A_1037] {strides = array<i32>} : memref<4x128xf32, #tpu.memory_space<vmem>>, vector<1x16xf32>,
    %swap3A_1039 = vector.shape_cast %swap3A_1038 : vector<1x16xf32> to vector<16xf32>
    %swap3A_1040 = vector.shape_cast %mul3A_1034 : vector<16xf32> to vector<1x16xf32>
    tpu.vector_store %arg31[%swap3A_1036, %swap3A_1037], %swap3A_1040 {strides = array<i32>} : memref<4x128xf32, #tpu.memory_space<vmem>>, vector<1x16xf32>,
    %get3A_1041 = arith.constant 3 : i32
    %get3A_1042 = arith.index_cast %get3A_1041 : i32 to index
    %get3A_1043 = arith.constant 112 : index
    %get3A_1044 = tpu.vector_load %arg31[%get3A_1042, %get3A_1043] {strides = array<i32>} : memref<4x128xf32, #tpu.memory_space<vmem>>, vector<1x16xf32>,
    %get3A_1045 = vector.shape_cast %get3A_1044 : vector<1x16xf32> to vector<16xf32>
    %get3A_1046 = arith.constant 112 : index
    %get3A_1047 = tpu.vector_load %arg32[%get3A_1046] {strides = array<i32>} : memref<128xf32, #tpu.memory_space<vmem>>, vector<16xf32>,
    %get3A_1048 = vector.shape_cast %get3A_1047 : vector<16xf32> to vector<16xf32>
    %mul3A_1049 = arith.mulf %get3A_1045, %get3A_1048 : vector<16xf32>
    %swap3A_1050 = arith.constant 3 : i32
    %swap3A_1051 = arith.index_cast %swap3A_1050 : i32 to index
    %swap3A_1052 = arith.constant 112 : index
    %swap3A_1053 = tpu.vector_load %arg31[%swap3A_1051, %swap3A_1052] {strides = array<i32>} : memref<4x128xf32, #tpu.memory_space<vmem>>, vector<1x16xf32>,
    %swap3A_1054 = vector.shape_cast %swap3A_1053 : vector<1x16xf32> to vector<16xf32>
    %swap3A_1055 = vector.shape_cast %mul3A_1049 : vector<16xf32> to vector<1x16xf32>
    tpu.vector_store %arg31[%swap3A_1051, %swap3A_1052], %swap3A_1055 {strides = array<i32>} : memref<4x128xf32, #tpu.memory_space<vmem>>, vector<1x16xf32>,
    %mul3A_1056 = arith.constant 4 : i32
    %mul3A_1057 = arith.muli %arg1, %mul3A_1056 : i32
    "tpu.region"() ({
      %run_scoped3A = tpu.sem_alloc : memref<!tpu.dma_semaphore, #tpu.memory_space<semaphore_mem>>
      %dma_start3A = tpu.memref_slice %arg25[%mul3A_1057, %mul3A_116] : memref<64x256xf32, #tpu.memory_space<hbm>> -> memref<4x128xf32, #tpu.memory_space<hbm>>
      %dma_start3A_1058 = tpu.memref_slice %arg25[%mul3A_1057, %mul3A_116] : memref<64x256xf32, #tpu.memory_space<hbm>> -> memref<4x128xf32, #tpu.memory_space<hbm>>
      tpu.enqueue_dma source(%arg31 : memref<4x128xf32, #tpu.memory_space<vmem>>) target(%dma_start3A_1058 : memref<4x128xf32, #tpu.memory_space<hbm>>) target_semaphore(%run_scoped3A : memref<!tpu.dma_semaphore, #tpu.memory_space<semaphore_mem>>)
      %dma_wait3A = tpu.memref_slice %arg25[%mul3A_1057, %mul3A_116] : memref<64x256xf32, #tpu.memory_space<hbm>> -> memref<4x128xf32, #tpu.memory_space<hbm>>
      %dma_wait3A_1059 = tpu.memref_slice %arg25[%mul3A_1057, %mul3A_116] : memref<64x256xf32, #tpu.memory_space<hbm>> -> memref<4x128xf32, #tpu.memory_space<hbm>>
      tpu.wait_dma2 semaphore(%run_scoped3A : memref<!tpu.dma_semaphore, #tpu.memory_space<semaphore_mem>>) src(%arg31 : memref<4x128xf32, #tpu.memory_space<vmem>>) dst(%dma_wait3A_1059 : memref<4x128xf32, #tpu.memory_space<hbm>>)
      tpu.yield
    }) : () -> ()
    return
  }
}

module attributes {stable_mosaic.version = 14 : i64} {
  func.func @_tc_body(%arg0: i32, %arg1: memref<5000x256xf32, #tpu.memory_space<vmem>>, %arg2: memref<1x256xf32, #tpu.memory_space<vmem>>, %arg3: memref<5000x256xf32, #tpu.memory_space<vmem>>) attributes {dimension_semantics = [#tpu.dimension_semantics<arbitrary>], iteration_bounds = array<i64: 2>, scalar_prefetch = 0 : i64, scratch_operands = 0 : i64, tpu.core_type = #tpu.core_type<tc>, window_params = [{transform_indices = @transform_0, window_bounds = array<i64: 5000, 256>}, {pipeline_mode = #tpu.pipeline_mode<synchronous>, transform_indices = @transform_1, window_bounds = array<i64: 1, 256>}, {transform_indices = @transform_2, window_bounds = array<i64: 5000, 256>}]} {
    %get3A = arith.constant 0 : index
    %get3A_0 = arith.constant 0 : index
    %get3A_1 = vector.load %arg2[%get3A, %get3A_0] : memref<1x256xf32, #tpu.memory_space<vmem>>, vector<1x256xf32>
    %logistic3A = arith.negf %get3A_1 : vector<1x256xf32>
    %logistic3A_2 = math.exp %logistic3A : vector<1x256xf32>
    %logistic3A_3 = arith.constant 1.000000e+00 : f32
    %logistic3A_4 = vector.broadcast %logistic3A_3 : f32 to vector<1x256xf32>
    %logistic3A_5 = arith.addf %logistic3A_4, %logistic3A_2 : vector<1x256xf32>
    %logistic3A_6 = arith.divf %logistic3A_4, %logistic3A_5 : vector<1x256xf32>
    %get3A_7 = arith.constant 0 : index
    %get3A_8 = arith.constant 0 : index
    %get3A_9 = vector.load %arg1[%get3A_7, %get3A_8] : memref<5000x256xf32, #tpu.memory_space<vmem>>, vector<5000x256xf32>
    %mul3A = vector.broadcast %logistic3A_6 : vector<1x256xf32> to vector<5000x256xf32>
    %mul3A_10 = arith.mulf %get3A_9, %mul3A : vector<5000x256xf32>
    %swap3A = arith.constant 0 : index
    %swap3A_11 = arith.constant 0 : index
    %swap3A_12 = vector.load %arg3[%swap3A, %swap3A_11] : memref<5000x256xf32, #tpu.memory_space<vmem>>, vector<5000x256xf32>
    tpu.vector_store %arg3[%swap3A, %swap3A_11], %mul3A_10 {strides = array<i32>} : memref<5000x256xf32, #tpu.memory_space<vmem>>, vector<5000x256xf32>,
    return
  }
  func.func @transform_0(%arg0: i32) -> (i32, i32) {
    %c0_i32 = arith.constant 0 : i32
    %c0_i32_0 = arith.constant 0 : i32
    return %arg0, %c0_i32 : i32, i32
  }
  func.func @transform_1(%arg0: i32) -> (i32, i32) {
    %c0_i32 = arith.constant 0 : i32
    %c0_i32_0 = arith.constant 0 : i32
    %c0_i32_1 = arith.constant 0 : i32
    return %c0_i32, %c0_i32_0 : i32, i32
  }
  func.func @transform_2(%arg0: i32) -> (i32, i32) {
    %c0_i32 = arith.constant 0 : i32
    %c0_i32_0 = arith.constant 0 : i32
    return %arg0, %c0_i32 : i32, i32
  }
}

</mosaic_0001>

<sc_bundles>
// kernel: kernel.4.cloned.1.call-start
scs
__scs_entry_jumppad:
0x0: {  	(pc) =	sbr.rel $0x88, $3  }
0x1: {  	(tag) =	ssettag $0x0;
	lr =	simm.s32 $0x1  }
0x2: {  	[smem:$0x3F8A] =	sst lr;
	_ =	strace $0xD0000000  }
0x3: {  	_ = 	snop  }
0x4: {  	_ = 	snop  }
0x5: {  	_ = 	snop  }
0x6: {  	_ = 	snop  }
0x7: {  	_ = 	snop  }
__scs_overlays_trampoline_lowered:
0x8: {  	[smem:$0x3F99] =	sst s0  }
0x9: {  	[smem:$0x3F9A] =	sst s1  }
0xa: {  	[smem:$0x3F9B] =	sst s2  }
0xb: {  	[smem:$0x3F9C] =	sst s3  }
0xc: {  	[smem:$0x3F9D] =	sst s4  }
0xd: {  	[smem:$0x3F9E] =	sst s5  }
0xe: {  	[smem:$0x3F9F] =	sst s6  }
0xf: {  	[smem:$0x3FA0] =	sst s7  }
0x10: {  	[smem:$0x3FA1] =	sst s8  }
0x11: {  	[smem:$0x3FA2] =	sst s9;
	s0 =	simm.s32 @!p0 $0x0  }
0x12: {  	s1 =	sld [smem:$0x3F88];
	s0 =	simm.s32 @p0 $0x1  }
0x13: {  	[smem:$0x3FA3] =	sst s0;
	s0 =	simm.s32 @!p1 $0x0  }
0x14: {  	s2 =	sld [smem:$0x3F87];
	s0 =	simm.s32 @p1 $0x1  }
0x15: {  	[smem:$0x3FA4] =	sst s0;
	s0 =	simm.s32 @!p2 $0x0  }
0x16: {  	s3 =	sld [smem:$0x3FDB];
	s0 =	simm.s32 @p2 $0x1  }
0x17: {  	s4 =	simm.s32 $0x1BF5;
	[smem:$0x3FA6] =	sst s0  }
0x18: {  	s0 =	sld [smem:$0x3F89];
	_ =	swait.ge [sflag:s4], $0x0  }
0x19: {  	s7 =	sld [smem:$0x3F8A]  }
0x1a: {  	s8 =	sadd.s32 $0xFFFFE003, lr  }
0x1b: {  	s9 =	sadd.s32 $0xFFFFFEF7, lr;
	s5 =	simm.s32 $0xFFFFFFFF;
	p2 =	slt.u32 s8, $0xFFFFF086  }
0x1c: {  	p1 =	slt.u32 s9, $0xF7A;
	s5 =	simm.s32 @!p2 $0x0  }
0x1d: {  	s5 =	simm.s32 @p1 $0x1;
	p0 =	seq.s32 s7, s2  }
0x1e: {  	s7 =	smul.u32 @!p0 $0xF7A, s2;
	p2 =	seq.s32 @!p0 s5, $0x0  }
0x1f: {  	s9 =	smul.u32 $0xF7A, s1;
	s8 =	simm.s32 @!p0 $0x1BF5;
	p2 =	por !p2, p0  }
0x20: {  	[sflag:s8] =	ssyncset.s32 @!p0 $0xFFFFF086;
	s6 =	sadd.s32 @!p0 s3, s7;
	s7 =	simm.s32 @!p0 $0x108  }
0x21: {  	s3 =	sadd.s32 s3, s9;
	s6 =	sadd.s32 @!p0 $0x88, s6;
	s7 =	simm.s32 @p2 $0x1082  }
0x22: {  	[simem:s7], [sflag:s8] =	dma.local @!p0 [hbm:s6], $0xF7A  }
0x23: {  	s9 =	sor.u32 $0xD0000000, s2;
	s6 =	simm.s32 $0x108;
	_ =	swait.ge @!p0 [sflag:s8], $0x0  }
0x24: {  	s3 =	sadd.s32 $0x88, s3;
	s6 =	simm.s32 @!p1 $0x1082;
	[sflag:s4] =	ssyncset.s32 $0xFFFFF086  }
0x25: {  	[simem:s6], [sflag:s4] =	dma.local [hbm:s3], $0xF7A  }
0x26: {  	[smem:$0x3F8A] =	sst s1;
	(tag) =	ssettag s2;
	_ =	strace s9  }
0x27: {  	s1 =	sld [smem:$0x3F9A]  }
0x28: {  	s2 =	sld [smem:$0x3F9B]  }
0x29: {  	s4 =	sld [smem:$0x3F9D]  }
0x2a: {  	p0 =	seq.s32 s5, $0x0;
	s5 =	sld [smem:$0x3F9E]  }
0x2b: {  	s6 =	sld [smem:$0x3F9F]  }
0x2c: {  	s7 =	sld [smem:$0x3FA0]  }
0x2d: {  	s3 =	simm.s32 $0x108;
	s8 =	sld [smem:$0x3FA1]  }
0x2e: {  	s3 =	simm.s32 @!p0 $0x1082;
	s9 =	sld [smem:$0x3FA2]  }
0x2f: {  	lr =	sadd.s32 s0, s3;
	s0 =	sld [smem:$0x3F99]  }
0x30: {  	s3 =	sld [smem:$0x3F9C]  }
0x31: {  	[smem:$0x3FA5] =	sst s10  }
0x32: {  	s10 =	sld [smem:$0x3FA3];
	_ =	sdelay $0x3  }
0x33: {  	p0 =	seq.s32 s10, $0x1;
	s10 =	sld [smem:$0x3FA5];
	_ =	sdelay $0x3  }
0x34: {  	[smem:$0x3FA5] =	sst s10  }
0x35: {  	s10 =	sld [smem:$0x3FA4];
	_ =	sdelay $0x3  }
0x36: {  	p1 =	seq.s32 s10, $0x1;
	s10 =	sld [smem:$0x3FA5];
	_ =	sdelay $0x3  }
0x37: {  	[smem:$0x3FA5] =	sst s10  }
0x38: {  	s10 =	sld [smem:$0x3FA6]  }
0x39: {  	_ = 	snop;
	(pc) =	sbr.ind lr, $3  }
0x3a: {  	_ = 	snop  }
0x3b: {  	_ = 	snop  }
0x3c: {  	p2 =	seq.s32 s10, $0x1;
	s10 =	sld [smem:$0x3FA5]  }
0x3d: {  	_ =	shalt  }
0x3e: {  	_ =	shalt  }
0x3f: {  	_ =	shalt  }
0x40: {  	_ =	shalt  }
0x41: {  	_ =	shalt  }
0x42: {  	_ =	shalt  }
0x43: {  	_ =	shalt  }
0x44: {  	_ =	shalt  }
0x45: {  	_ =	shalt  }
0x46: {  	_ =	shalt  }
0x47: {  	_ =	shalt  }
0x48: {  	_ =	shalt  }
0x49: {  	_ =	shalt  }
0x4a: {  	_ =	shalt  }
0x4b: {  	_ =	shalt  }
0x4c: {  	_ =	shalt  }
0x4d: {  	_ =	shalt  }
0x4e: {  	_ =	shalt  }
0x4f: {  	_ =	shalt  }
0x50: {  	_ =	shalt  }
0x51: {  	_ =	shalt  }
0x52: {  	_ =	shalt  }
0x53: {  	_ =	shalt  }
0x54: {  	_ =	shalt  }
0x55: {  	_ =	shalt  }
0x56: {  	_ =	shalt  }
0x57: {  	_ =	shalt  }
0x58: {  	_ =	shalt  }
0x59: {  	_ =	shalt  }
0x5a: {  	_ =	shalt  }
0x5b: {  	_ =	shalt  }
0x5c: {  	_ =	shalt  }
0x5d: {  	_ =	shalt  }
0x5e: {  	_ =	shalt  }
0x5f: {  	_ =	shalt  }
0x60: {  	_ =	shalt  }
0x61: {  	_ =	shalt  }
0x62: {  	_ =	shalt  }
0x63: {  	_ =	shalt  }
0x64: {  	_ =	shalt  }
0x65: {  	_ =	shalt  }
0x66: {  	_ =	shalt  }
0x67: {  	_ =	shalt  }
0x68: {  	_ =	shalt  }
0x69: {  	_ =	shalt  }
0x6a: {  	_ =	shalt  }
0x6b: {  	_ =	shalt  }
0x6c: {  	_ =	shalt  }
0x6d: {  	_ =	shalt  }
0x6e: {  	_ =	shalt  }
0x6f: {  	_ =	shalt  }
0x70: {  	_ =	shalt  }
0x71: {  	_ =	shalt  }
0x72: {  	_ =	shalt  }
0x73: {  	_ =	shalt  }
0x74: {  	_ =	shalt  }
0x75: {  	_ =	shalt  }
0x76: {  	_ =	shalt  }
0x77: {  	_ =	shalt  }
0x78: {  	_ =	shalt  }
0x79: {  	_ =	shalt  }
0x7a: {  	_ =	shalt  }
0x7b: {  	_ =	shalt  }
0x7c: {  	_ =	shalt  }
0x7d: {  	_ =	shalt  }
0x7e: {  	_ =	shalt  }
0x7f: {  	_ =	shalt  }
0x80: {  	_ =	shalt  }
0x81: {  	_ =	shalt  }
0x82: {  	_ =	shalt  }
0x83: {  	_ =	shalt  }
0x84: {  	_ =	shalt  }
0x85: {  	_ =	shalt  }
0x86: {  	_ =	shalt  }
0x87: {  	_ =	shalt  }
.Lfunc_end0:
.L_simem_size_0:
called_computation_lowered:
.L_overlay_start_0:
0x88: {  	s2 =	sld [smem:$0x3FD9]  }
0x89: {  	s3 =	sld [smem:$0x3FFE];
	_ =	sdelay $0x1  }
0x8a: {  	s1 =	srdreg.scid  }
0x8b: {  	s0 =	sand.u32 $0x1, s1  }
0x8c: {  	s29 =	sshll.u32 s0, $0xA;
	s2 =	sadd.s32 s3, s2  }
0x8d: {  	s2 =	sadd.s32 s2, s29  }
0x8e: {  	[smem:$0x3FB1] =	sst s2  }
0x8f: {  	_ = 	snop  }
0x90: {  	s2 =	sld [smem:$0x3FC9]  }
0x91: {  	s3 =	sld [smem:$0x3FC8]  }
0x92: {  	s4 =	sld [smem:$0x3FC7]  }
0x93: {  	s5 =	sld [smem:$0x3FC6]  }
0x94: {  	s6 =	sld [smem:$0x3FC5]  }
0x95: {  	s7 =	sld [smem:$0x3FC4]  }
0x96: {  	s8 =	sld [smem:$0x3FC3]  }
0x97: {  	s9 =	sld [smem:$0x3FC2]  }
0x98: {  	s10 =	sld [smem:$0x3FC1]  }
0x99: {  	s11 =	sld [smem:$0x3FC0]  }
0x9a: {  	s12 =	sld [smem:$0x3FBF]  }
0x9b: {  	s17 =	sld [smem:$0x3FBE]  }
0x9c: {  	s18 =	sld [smem:$0x3FBD]  }
0x9d: {  	s19 =	sld [smem:$0x3FBC]  }
0x9e: {  	s20 =	sld [smem:$0x3FBB]  }
0x9f: {  	s21 =	sld [smem:$0x3FBA]  }
0xa0: {  	s22 =	sld [smem:$0x3FB9]  }
0xa1: {  	s23 =	sld [smem:$0x3FB8]  }
0xa2: {  	s24 =	sld [smem:$0x3FB7]  }
0xa3: {  	s25 =	sld [smem:$0x3FB6]  }
0xa4: {  	s16 =	sld [smem:$0x3FD0]  }
0xa5: {  	s13 =	sld [smem:$0x3FB5]  }
0xa6: {  	s14 =	sld [smem:$0x3FB4]  }
0xa7: {  	s26 =	simm.s32 $0xA;
	s28 =	simm.s32 $0x10;
	s15 =	sld [smem:$0x3FB3]  }
0xa8: {  	[smem:s28], [sflag:s26] =	dma.local [hbm:s16], $0x1  }
0xa9: {  	_ =	swait.eq [sflag:s26], $0x1  }
0xaa: {  	[sflag:s26] =	ssyncset.done $0x0  }
0xab: {  	[sflag:s26] =	ssyncadd.s32 $0xFFFFFFFF  }
0xac: {  	s26 =	sld [smem:$0x10];
	(tm) =	ssettm $0x1  }
0xad: {  	s30 =	sld [smem:$0x3FFB];
	_ =	sdelay $0x3  }
0xae: {  	_ =	strace s30  }
0xaf: {  	s16 =	sld [smem:$0x3FFC];
	_ =	sdelay $0x3  }
0xb0: {  	_ =	strace s16  }
0xb1: {  	s16 =	sld [smem:$0x3FFD];
	_ =	sdelay $0x3  }
0xb2: {  	_ =	strace s16  }
0xb3: {  	_ =	strace $0x8FFFFFFF  }
0xb4: {  	s16 =	sld [smem:$0x3FDB];
	_ =	sdelay $0x1  }
0xb5: {  	s31 =	simm.s32 $_scs_section_size  }
0xb6: {  	s29 =	simm.s32 $_size__tile_task_arg_handler_lowered;
	s30 =	simm.s32 $_tile_task_arg_handler_lowered  }
0xb7: {  	s30 =	sshll.u32 s30, $0x1;
	s28 =	sadd.s32 s31, s16;
	s16 =	sshll.u32 s29, $0x1  }
0xb8: {  	s31 =	simm.s32 $0x60;
	s29 =	sadd.s32 s30, s28;
	s30 =	simm.s32 $0x1BFF  }
0xb9: {  	[timem:s31], [sflag:s30] =	dma.local [hbm:s29], s16  }
0xba: {  	_ =	swait.ge [sflag:s30], s16  }
0xbb: {  	s31 =	simm.s32 $_tile_overlayer_lowered;
	s16 =	ssub.s32 $0x0, s16;
	[sflag:s30] =	ssyncset.done $0x0  }
0xbc: {  	[sflag:s30] =	ssyncadd.s32 s16;
	s16 =	sshll.u32 s31, $0x1;
	s31 =	simm.s32 $_size__tile_overlayer_lowered  }
0xbd: {  	s29 =	sshll.u32 s31, $0x1;
	s31 =	sadd.s32 s16, s28;
	s16 =	simm.s32 $0x0  }
0xbe: {  	[timem:s16], [sflag:s30] =	dma.local [hbm:s31], s29  }
0xbf: {  	_ =	swait.ge [sflag:s30], s29  }
0xc0: {  	s29 =	ssub.s32 $0x0, s29;
	[sflag:s30] =	ssyncset.done $0x0  }
0xc1: {  	[sflag:s30] =	ssyncadd.s32 s29;
	_ =	sdelay $0x1  }
0xc2: {  	s31 =	simm.s32 $0x1B8B  }
0xc3: {  	_ =	swait.ge [sflag:s31], $0x1  }
0xc4: {  	[sflag:s31] =	ssyncset.done $0x0  }
0xc5: {  	s30 =	simm.s32 $0x1B8E;
	[sflag:s31] =	ssyncadd.s32 $0xFFFFFFFF  }
0xc6: {  	s31 =	simm.s32 $execute0_lowered;
	[smem:$0x3FD2] =	sst s30  }
0xc7: {  	s29 =	sshll.u32 s31, $0x1;
	_ =	strace $0x80000046;
	[dreg:$0x1] =	wrdreg $0xFFFFFFFF  }
0xc8: {  	s30 =	simm.s32 $_size_execute0_lowered;
	s28 =	sadd.s32 s28, s29;
	[dreg:$0x0] =	wrdreg $0x0  }
0xc9: {  	s31 =	sshll.u32 s30, $0x1;
	[dreg:$0x2] =	wrdreg s28  }
0xca: {  	[dreg:$0x3] =	wrdreg s31  }
0xcb: {  	[dreg:$0x4] =	wrdreg $0xC0  }
0xcc: {  	_ =	task [dreg:s16], $0x5FFFF  }
0xcd: {  	[dreg:$0x1] =	wrdreg $0xFFFFFFFF  }
0xce: {  	[dreg:$0x0] =	wrdreg $0x30  }
0xcf: {  	[dreg:$0x2] =	wrdreg $0x0  }
0xd0: {  	[dreg:$0x3] =	wrdreg s17  }
0xd1: {  	[dreg:$0x4] =	wrdreg s18  }
0xd2: {  	[dreg:$0x5] =	wrdreg s19  }
0xd3: {  	[dreg:$0x6] =	wrdreg s20  }
0xd4: {  	[dreg:$0x7] =	wrdreg s21  }
0xd5: {  	[dreg:$0x8] =	wrdreg s22  }
0xd6: {  	[dreg:$0x9] =	wrdreg s23  }
0xd7: {  	[dreg:$0xa] =	wrdreg s24  }
0xd8: {  	[dreg:$0xb] =	wrdreg s25  }
0xd9: {  	[dreg:$0xc] =	wrdreg s26  }
0xda: {  	[dreg:$0xd] =	wrdreg $0x14C800  }
0xdb: {  	[dreg:$0xe] =	wrdreg $0x9  }
0xdc: {  	_ =	task [dreg:s16], $0xFFFFF  }
0xdd: {  	[dreg:$0x1] =	wrdreg $0xFFFFFFFF  }
0xde: {  	[dreg:$0x0] =	wrdreg $0x60  }
0xdf: {  	[dreg:$0x2] =	wrdreg s13  }
0xe0: {  	[dreg:$0x3] =	wrdreg s14  }
0xe1: {  	[dreg:$0x4] =	wrdreg s15  }
0xe2: {  	[dreg:$0x5] =	wrdreg s2  }
0xe3: {  	[dreg:$0x6] =	wrdreg s3  }
0xe4: {  	[dreg:$0x7] =	wrdreg s4  }
0xe5: {  	[dreg:$0x8] =	wrdreg s5  }
0xe6: {  	[dreg:$0x9] =	wrdreg s6  }
0xe7: {  	[dreg:$0xa] =	wrdreg s7  }
0xe8: {  	[dreg:$0xb] =	wrdreg s8  }
0xe9: {  	[dreg:$0xc] =	wrdreg s9  }
0xea: {  	[dreg:$0xd] =	wrdreg s10  }
0xeb: {  	[dreg:$0xe] =	wrdreg s11  }
0xec: {  	[dreg:$0xf] =	wrdreg s12  }
0xed: {  	_ =	task.clear_ibuf [dreg:s16], $0x10FFFF;
	_ =	strace $0x90000046  }
0xee: {  	s28 =	simm.s32 $0x9;
	_ =	strace $0x80000048  }
0xef: {  	_ =	swait.ge [sflag:s28], $0x1  }
0xf0: {  	[sflag:s28] =	ssyncadd.s32 $0xFFFFFFFF  }
0xf1: {  	_ =	strace $0x90000048  }
0xf2: {  	_ =	sfence  }
0xf3: {  	s29 =	sld [smem:$0x0];
	_ =	sdelay $0x2  }
0xf4: {  	s30 =	sshll.u32 s1, $0xD;
	s1 =	sshrl.u32 s1, $0x2  }
0xf5: {  	s31 =	sand.u32 $0x4000, s30;
	s1 =	sadd.s32 s1, s29  }
0xf6: {  	s0 =	sor.u32 s31, s0;
	s1 =	sshll.u32 s1, $0x11  }
0xf7: {  	s0 =	sor.u32 s1, s0  }
0xf8: {  	s0 =	sadd.s32 $0x8F2B, s0  }
0xf9: {  	[sflag:s0] =	ssyncadd.remote.s32 $0x1  }
0xfa: {  	_ =	sfence.sel $0xFFFF  }
0xfb: {  	[dreg:$0x0] =	wrdreg $0xFFFFFFFF;
	(pc) =	sbr.abs _section_cstart, $3  }
0xfc: {  	[dreg:$0x1] =	wrdreg $0xFFFFFFFF  }
0xfd: {  	_ =	task.clear_ibuf [dreg:s16], $0x2FFFF;
	_ =	strace $0x9FFFFFFF  }
0xfe: {  	(tm) =	ssettm $0x7FFFFFFF  }
0xff: {  	_ =	shalt  }
tec
_tile_task_arg_handler_lowered:
.L_overlay_start_1:
0x0: {  	(tag) =	ssettag $0x1  }
0x1: {  	s0 =	rddreg [dreg:$0x0]  }
0x2: {  	s1 =	rddreg [dreg:$0x1]  }
0x3: {  	s2 =	rddreg [dreg:$0x2]  }
0x4: {  	s3 =	rddreg [dreg:$0x3]  }
0x5: {  	s4 =	rddreg [dreg:$0x4]  }
0x6: {  	s5 =	rddreg [dreg:$0x5]  }
0x7: {  	s6 =	rddreg [dreg:$0x6]  }
0x8: {  	s7 =	rddreg [dreg:$0x7]  }
0x9: {  	s8 =	rddreg [dreg:$0x8]  }
0xa: {  	s9 =	rddreg [dreg:$0x9]  }
0xb: {  	s10 =	rddreg [dreg:$0xa]  }
0xc: {  	s11 =	rddreg [dreg:$0xb]  }
0xd: {  	s12 =	rddreg [dreg:$0xc]  }
0xe: {  	s13 =	rddreg [dreg:$0xd]  }
0xf: {  	[smem:s0] =	sst s1  }
0x10: {  	[smem:s0+$0x1] =	sst s2  }
0x11: {  	[smem:s0+$0x2] =	sst s3  }
0x12: {  	[smem:s0+$0x3] =	sst s4  }
0x13: {  	[smem:s0+$0x4] =	sst s5  }
0x14: {  	[smem:s0+$0x5] =	sst s6  }
0x15: {  	[smem:s0+$0x6] =	sst s7  }
0x16: {  	[smem:s0+$0x7] =	sst s8  }
0x17: {  	[smem:s0+$0x8] =	sst s9  }
0x18: {  	[smem:s0+$0x9] =	sst s10  }
0x19: {  	[smem:s0+$0xA] =	sst s11  }
0x1a: {  	[smem:s0+$0xB] =	sst s12  }
0x1b: {  	[smem:s0+$0xC] =	sst s13;
	_ =	shalt  }
.Lfunc_end2:
execute0_lowered:
.L_overlay_start_2:
0x1c: {  	(tag) =	ssettag $0x2  }
0x1d: {  	s5 =	rddreg [dreg:$0x0]  }
0x1e: {  	s7 =	rddreg [dreg:$0x1]  }
0x1f: {  	s4 =	rddreg [dreg:$0x2]  }
0x20: {  	s0 =	rddreg [dreg:$0x3]  }
0x21: {  	s10 =	rddreg [dreg:$0x4]  }
0x22: {  	s11 =	rddreg [dreg:$0x5]  }
0x23: {  	s12 =	rddreg [dreg:$0x6]  }
0x24: {  	s13 =	rddreg [dreg:$0x7]  }
0x25: {  	s14 =	rddreg [dreg:$0x8]  }
0x26: {  	s15 =	rddreg [dreg:$0x9]  }
0x27: {  	s16 =	rddreg [dreg:$0xa]  }
0x28: {  	s17 =	rddreg [dreg:$0xb]  }
0x29: {  	s18 =	rddreg [dreg:$0xc]  }
0x2a: {  	s19 =	rddreg [dreg:$0xd]  }
0x2b: {  	[dreg:$0xe] =	wrdreg s0  }
0x2c: {  	[dreg:$0xf] =	wrdreg s10  }
0x2d: {  	[dreg:$0x10] =	wrdreg s11  }
0x2e: {  	[dreg:$0x11] =	wrdreg s12  }
0x2f: {  	[dreg:$0x12] =	wrdreg s13  }
0x30: {  	[dreg:$0x13] =	wrdreg s14  }
0x31: {  	[dreg:$0x14] =	wrdreg s15  }
0x32: {  	[dreg:$0x15] =	wrdreg s16  }
0x33: {  	[dreg:$0x16] =	wrdreg s17  }
0x34: {  	[dreg:$0x17] =	wrdreg s18  }
0x35: {  	[dreg:$0x18] =	wrdreg s19;
	s0 =	simm.s32 $0x0  }
0x36: {  	[smem:$0x7FF] =	sst s0  }
0x37: {  	s1 =	sld [smem:$0x0]  }
0x38: {  	s2 =	sld [smem:$0x1]  }
0x39: {  	s3 =	sld [smem:$0x2]  }
0x3a: {  	s20 =	sld [smem:$0x3]  }
0x3b: {  	s21 =	sld [smem:$0x4]  }
0x3c: {  	s22 =	sld [smem:$0x5]  }
0x3d: {  	s23 =	sld [smem:$0x6]  }
0x3e: {  	s24 =	sld [smem:$0x7]  }
0x3f: {  	s25 =	sld [smem:$0x8]  }
0x40: {  	s8 =	sld [smem:$0x9]  }
0x41: {  	[dreg:$0x19] =	wrdreg s1  }
0x42: {  	[dreg:$0x1a] =	wrdreg s2  }
0x43: {  	[dreg:$0x1b] =	wrdreg s3  }
0x44: {  	[dreg:$0x1c] =	wrdreg s20  }
0x45: {  	[dreg:$0x1d] =	wrdreg s21  }
0x46: {  	[dreg:$0x1e] =	wrdreg s22  }
0x47: {  	[dreg:$0x1f] =	wrdreg s23  }
0x48: {  	s26 =	srdreg.scid;
	[smem:$0x7D2] =	sst s24  }
0x49: {  	s6 =	sand.u32 $0x1, s26;
	[smem:$0x7D3] =	sst s25  }
0x4a: {  	s10 =	sshll.u32 s6, $0xA;
	s1 =	stileid.u32;
	s3 =	sld [smem:$0xA]  }
0x4b: {  	s2 =	sld [smem:$0xB];
	s25 =	sshll.u32 s6, $0x4;
	s9 =	sshll.u32 s1, $0xF  }
0x4c: {  	s11 =	sshll.u32 s1, $0x4;
	_ =	strace $0x80000047;
	s28 =	sor.u32 $0x10, s1  }
0x4d: {  	s12 =	sor.u32 $0x20, s1;
	s17 =	sor.u32 $0x40, s1;
	s4 =	sadd.s32 s4, s25  }
0x4e: {  	s25 =	simm.s32 $0x14080;
	s9 =	sor.u32 s10, s9;
	s11 =	sadd.s32 s7, s11  }
0x4f: {  	s29 =	sshll.u32 s28, $0x4;
	s31 =	sshll.u32 s12, $0xF;
	[smem:$0x7E0] =	sst s4  }
0x50: {  	s12 =	sshll.u32 s12, $0x4;
	s19 =	sshll.u32 s17, $0xF;
	[smem:$0x7F7] =	sst s25  }
0x51: {  	s9 =	sshrl.u32 s9, $0x3;
	[smem:$0x7D4] =	sst s11;
	s13 =	sadd.s32 s7, s12  }
0x52: {  	s11 =	sshll.u32 s28, $0xF;
	s28 =	simm.s32 $0x15100;
	[smem:$0x7D8] =	sst s13  }
0x53: {  	s12 =	sshll.u32 s17, $0x4;
	s17 =	simm.s32 $0x15880;
	[smem:$0x7E2] =	sst s28  }
0x54: {  	s9 =	sadd.s32 s5, s9;
	[smem:$0x7F1] =	sst s17  }
0x55: {  	s20 =	sadd.s32 s7, s12;
	[smem:$0x7D5] =	sst s9  }
0x56: {  	s12 =	simm.s32 $0x15600;
	[smem:$0x7DC] =	sst s20  }
0x57: {  	s13 =	simm.s32 $0x15680;
	[smem:$0x7EC] =	sst s12  }
0x58: {  	s28 =	simm.s32 $0x14100;
	[smem:$0x7ED] =	sst s13  }
0x59: {  	s11 =	sor.u32 s10, s11;
	s9 =	sadd.s32 s7, s29;
	[smem:$0x7F9] =	sst s28  }
0x5a: {  	s30 =	sshrl.u32 s11, $0x3;
	s29 =	simm.s32 $0x15180;
	[smem:$0x7D6] =	sst s9  }
0x5b: {  	s11 =	sor.u32 s10, s31;
	s31 =	simm.s32 $0x15280;
	[smem:$0x7E3] =	sst s29  }
0x5c: {  	s20 =	simm.s32 $0x15980;
	[smem:$0x7E5] =	sst s31  }
0x5d: {  	s22 =	sshll.u32 s6, $0x7;
	s13 =	simm.s32 $0x15080;
	[smem:$0x7F3] =	sst s20  }
0x5e: {  	s15 =	sor.u32 $0x30, s1;
	s9 =	sadd.s32 s5, s30;
	[smem:$0x7FD] =	sst s13  }
0x5f: {  	s23 =	sshll.u32 s1, $0x6;
	s30 =	simm.s32 $0x15200;
	[smem:$0x7D7] =	sst s9  }
0x60: {  	s24 =	sand.u32 $0xE, s1;
	s29 =	simm.s32 $0x8000;
	[smem:$0x7E4] =	sst s30  }
0x61: {  	s11 =	sshrl.u32 s11, $0x3;
	s31 =	simm.s32 $0xC000;
	[smem:$0x7FA] =	sst s29  }
0x62: {  	s16 =	sshll.u32 s15, $0x4;
	s14 =	sadd.s32 s5, s11;
	[smem:$0x7FC] =	sst s31  }
0x63: {  	p0 =	sgt.u32 s1, $0xD;
	s9 =	sadd.s32 s7, s16;
	[smem:$0x7D9] =	sst s14  }
0x64: {  	p1 =	sne.s32 @p0 s1, $0xF;
	s7 =	sadd.s32 $0x4E0, s7;
	[smem:$0x7DA] =	sst s9  }
0x65: {  	s11 =	sshll.u32 s15, $0xF;
	s15 =	simm.s32 $0x15780;
	[smem:$0x7DE] =	sst s7  }
0x66: {  	s16 =	simm.s32 $0x15800;
	s30 =	simm.s32 $0x14180;
	[smem:$0x7EF] =	sst s15  }
0x67: {  	s11 =	sor.u32 s10, s11;
	s10 =	sor.u32 s10, s19;
	[smem:$0x7F0] =	sst s16  }
0x68: {  	s7 =	sand.u32 $0x40, s23;
	s14 =	simm.s32 $0x15700;
	[smem:$0x7FB] =	sst s30  }
0x69: {  	s7 =	sadd.s32 s8, s7;
	s8 =	simm.s32 $0x15400;
	[smem:$0x7EE] =	sst s14  }
0x6a: {  	s18 =	sshrl.u32 s11, $0x3;
	s11 =	simm.s32 $0x15580;
	[smem:$0x7E8] =	sst s8  }
0x6b: {  	s10 =	sshrl.u32 s10, $0x3;
	s9 =	sadd.s32 s5, s18;
	[smem:$0x7EB] =	sst s11  }
0x6c: {  	p1 =	por p1, !p0;
	s21 =	sadd.s32 s5, s10;
	[smem:$0x7DB] =	sst s9  }
0x6d: {  	s12 =	simm.s32 $0x2;
	s10 =	simm.s32 $0x15500;
	[smem:$0x7DD] =	sst s21  }
0x6e: {  	s19 =	ssub.s32 $0x2, s6;
	s18 =	simm.s32 $0x15900;
	[smem:$0x7EA] =	sst s10  }
0x6f: {  	s5 =	sadd.s32 s22, s5;
	s22 =	simm.s32 $0x15A80;
	[smem:$0x7F2] =	sst s18  }
0x70: {  	s23 =	sshll.u32 s1, $0x9;
	s5 =	sadd.s32 $0x4E000, s5;
	[smem:$0x7F5] =	sst s22  }
0x71: {  	s4 =	sadd.s32 s23, s3;
	s9 =	simm.s32 $0x15480;
	[smem:$0x7DF] =	sst s5  }
0x72: {  	s21 =	simm.s32 $0x15A00;
	s5 =	sor.u32 s6, s24;
	[smem:$0x7E9] =	sst s9  }
0x73: {  	[smem:$0x7F4] =	sst s21;
	s24 =	simm.s32 $0x14000;
	s5 =	sshll.u32 s5, $0x7  }
0x74: {  	s8 =	simm.s32 $0x800;
	[smem:$0x7F6] =	sst s24;
	s26 =	sadd.s32 s5, s7  }
0x75: {  	s11 =	simm.s32 $0x1;
	s5 =	simm.s32 $0x15300;
	[smem:$0x7E1] =	sst s26  }
0x76: {  	s10 =	simm.s32 $0x3;
	s7 =	simm.s32 $0x15380;
	[smem:$0x7E6] =	sst s5  }
0x77: {  	s6 =	sshrl.u32 s19, $0x1;
	s9 =	simm.s32 $0x14E80;
	[smem:$0x7E7] =	sst s7  }
0x78: {  	s5 =	ssub.s32 s19, s6;
	s26 =	simm.s32 $0x4000;
	s6 =	simm.s32 $0x4  }
0x79: {  	v0 =	vimm.f32 $0.0e+00;
	s7 =	simm.s32 $0x400;
	s5 =	smax.u32 s5, $0x1;
	[smem:$0x7F8] =	sst s26  }
.LBB3_1:
0x7a: {  	s13 =	rddreg [dreg:$0xe]  }
0x7b: {  	s14 =	sld [smem:$0x7E2]  }
0x7c: {  	s15 =	rddreg [dreg:$0xf]  }
0x7d: {  	s16 =	sld [smem:$0x7E3]  }
0x7e: {  	s23 =	rddreg [dreg:$0x10]  }
0x7f: {  	s24 =	sld [smem:$0x7E4]  }
0x80: {  	s25 =	rddreg [dreg:$0x11]  }
0x81: {  	s26 =	sld [smem:$0x7E5]  }
0x82: {  	s28 =	rddreg [dreg:$0x12]  }
0x83: {  	s29 =	sld [smem:$0x7E6]  }
0x84: {  	s30 =	rddreg [dreg:$0x13]  }
0x85: {  	s31 =	sld [smem:$0x7E7]  }
0x86: {  	s17 =	rddreg [dreg:$0x15]  }
0x87: {  	s18 =	sld [smem:$0x7E9]  }
0x88: {  	s19 =	rddreg [dreg:$0x16]  }
0x89: {  	s20 =	sld [smem:$0x7EA]  }
0x8a: {  	s21 =	rddreg [dreg:$0x17]  }
0x8b: {  	[tilespmem:s14], [sflag:$0x4] =	stream.linear.gather [hbm4b:s13+s0], $0x1, $0x38;
	[tilespmem:$0x15B00] =	vst v63  }
0x8c: {  	s22 =	sld [smem:$0x7EB]  }
0x8d: {  	[tilespmem:s16], [sflag:$0x4] =	stream.linear.gather [hbm4b:s15+s0], $0x1, $0x38;
	[tilespmem:$0x15B00] =	vst v63  }
0x8e: {  	s15 =	rddreg [dreg:$0x14]  }
0x8f: {  	s16 =	sld [smem:$0x7E8]  }
0x90: {  	[tilespmem:s24], [sflag:$0x4] =	stream.linear.gather [hbm4b:s23+s0], $0x1, $0x38;
	[tilespmem:$0x15B00] =	vst v63  }
0x91: {  	s23 =	rddreg [dreg:$0x18]  }
0x92: {  	s24 =	sld [smem:$0x7EC]  }
0x93: {  	[tilespmem:s26], [sflag:$0x4] =	stream.linear.gather [hbm4b:s25+s0], $0x1, $0x38;
	[tilespmem:$0x15B00] =	vst v63  }
0x94: {  	s25 =	rddreg [dreg:$0x19]  }
0x95: {  	s26 =	sld [smem:$0x7ED]  }
0x96: {  	[tilespmem:s29], [sflag:$0x4] =	stream.linear.gather [hbm4b:s28+s0], $0x1, $0x38;
	[tilespmem:$0x15B00] =	vst v63  }
0x97: {  	s28 =	rddreg [dreg:$0x1a]  }
0x98: {  	s29 =	sld [smem:$0x7EE]  }
0x99: {  	[tilespmem:s31], [sflag:$0x4] =	stream.linear.gather [hbm4b:s30+s0], $0x1, $0x38;
	[tilespmem:$0x15B00] =	vst v63  }
0x9a: {  	s30 =	rddreg [dreg:$0x1b]  }
0x9b: {  	s31 =	sld [smem:$0x7EF]  }
0x9c: {  	[tilespmem:s16], [sflag:$0x4] =	stream.linear.gather [hbm4b:s15+s0], $0x1, $0x38;
	[tilespmem:$0x15B00] =	vst v63  }
0x9d: {  	s16 =	rddreg [dreg:$0x1c]  }
0x9e: {  	[tilespmem:s18], [sflag:$0x4] =	stream.linear.gather [hbm4b:s17+s0], $0x1, $0x38;
	[tilespmem:$0x15B00] =	vst v63  }
0x9f: {  	s17 =	sld [smem:$0x7F0]  }
0xa0: {  	[tilespmem:s20], [sflag:$0x4] =	stream.linear.gather [hbm4b:s19+s0], $0x1, $0x38;
	[tilespmem:$0x15B00] =	vst v63  }
0xa1: {  	s18 =	rddreg [dreg:$0x1d]  }
0xa2: {  	[tilespmem:s22], [sflag:$0x4] =	stream.linear.gather [hbm4b:s21+s0], $0x1, $0x38;
	[tilespmem:$0x15B00] =	vst v63  }
0xa3: {  	s19 =	sld [smem:$0x7F1]  }
0xa4: {  	[tilespmem:s24], [sflag:$0x4] =	stream.linear.gather [hbm4b:s23+s0], $0x1, $0x38;
	[tilespmem:$0x15B00] =	vst v63  }
0xa5: {  	s20 =	rddreg [dreg:$0x1e]  }
0xa6: {  	[tilespmem:s26], [sflag:$0x4] =	stream.linear.gather [hbm4b:s25+s0], $0x1, $0x38;
	[tilespmem:$0x15B00] =	vst v63  }
0xa7: {  	s21 =	sld [smem:$0x7F2]  }
0xa8: {  	[tilespmem:s29], [sflag:$0x4] =	stream.linear.gather [hbm4b:s28+s0], $0x1, $0x38;
	[tilespmem:$0x15B00] =	vst v63  }
0xa9: {  	s22 =	rddreg [dreg:$0x1f]  }
0xaa: {  	[tilespmem:s31], [sflag:$0x4] =	stream.linear.gather [hbm4b:s30+s0], $0x1, $0x38;
	[tilespmem:$0x15B00] =	vst v63  }
0xab: {  	s23 =	sld [smem:$0x7F3]  }
0xac: {  	[tilespmem:s17], [sflag:$0x4] =	stream.linear.gather [hbm4b:s16+s0], $0x1, $0x38;
	[tilespmem:$0x15B00] =	vst v63  }
0xad: {  	s24 =	sld [smem:$0x7D2]  }
0xae: {  	[tilespmem:s19], [sflag:$0x4] =	stream.linear.gather [hbm4b:s18+s0], $0x1, $0x38;
	[tilespmem:$0x15B00] =	vst v63  }
0xaf: {  	s25 =	sld [smem:$0x7F4]  }
0xb0: {  	[tilespmem:s21], [sflag:$0x4] =	stream.linear.gather [hbm4b:s20+s0], $0x1, $0x38;
	[tilespmem:$0x15B00] =	vst v63  }
0xb1: {  	s26 =	sld [smem:$0x7D3]  }
0xb2: {  	[tilespmem:s23], [sflag:$0x4] =	stream.linear.gather [hbm4b:s22+s0], $0x1, $0x38;
	[tilespmem:$0x15B00] =	vst v63  }
0xb3: {  	s28 =	sld [smem:$0x7F5]  }
0xb4: {  	[tilespmem:s25], [sflag:$0x4] =	stream.linear.gather [hbm4b:s24+s0], $0x1, $0x38;
	[tilespmem:$0x15B00] =	vst v63  }
0xb5: {  	_ = 	snop  }
0xb6: {  	[tilespmem:s28], [sflag:$0x4] =	stream.linear.gather [hbm4b:s26+s0], $0x1, $0x38;
	[tilespmem:$0x15B00] =	vst v63  }
0xb7: {  	_ =	swait.ge [sflag:s6], $0x1  }
0xb8: {  	[sflag:s6] =	ssyncset.done $0x0  }
0xb9: {  	[sflag:s6] =	ssyncadd.s32 $0xFFFFFFFF  }
0xba: {  	_ =	swait.ge [sflag:s6], $0x1  }
0xbb: {  	[sflag:s6] =	ssyncset.done $0x0  }
0xbc: {  	[sflag:s6] =	ssyncadd.s32 $0xFFFFFFFF  }
0xbd: {  	_ =	swait.ge [sflag:s6], $0x1  }
0xbe: {  	[sflag:s6] =	ssyncset.done $0x0  }
0xbf: {  	[sflag:s6] =	ssyncadd.s32 $0xFFFFFFFF  }
0xc0: {  	_ =	swait.ge [sflag:s6], $0x1  }
0xc1: {  	[sflag:s6] =	ssyncset.done $0x0  }
0xc2: {  	[sflag:s6] =	ssyncadd.s32 $0xFFFFFFFF  }
0xc3: {  	_ =	swait.ge [sflag:s6], $0x1  }
0xc4: {  	[sflag:s6] =	ssyncset.done $0x0  }
0xc5: {  	[sflag:s6] =	ssyncadd.s32 $0xFFFFFFFF  }
0xc6: {  	_ =	swait.ge [sflag:s6], $0x1  }
0xc7: {  	[sflag:s6] =	ssyncset.done $0x0  }
0xc8: {  	[sflag:s6] =	ssyncadd.s32 $0xFFFFFFFF  }
0xc9: {  	_ =	swait.ge [sflag:s6], $0x1  }
0xca: {  	[sflag:s6] =	ssyncset.done $0x0  }
0xcb: {  	[sflag:s6] =	ssyncadd.s32 $0xFFFFFFFF  }
0xcc: {  	_ =	swait.ge [sflag:s6], $0x1  }
0xcd: {  	[sflag:s6] =	ssyncset.done $0x0  }
0xce: {  	[sflag:s6] =	ssyncadd.s32 $0xFFFFFFFF  }
0xcf: {  	_ =	swait.ge [sflag:s6], $0x1  }
0xd0: {  	[sflag:s6] =	ssyncset.done $0x0  }
0xd1: {  	[sflag:s6] =	ssyncadd.s32 $0xFFFFFFFF  }
0xd2: {  	_ =	swait.ge [sflag:s6], $0x1  }
0xd3: {  	[sflag:s6] =	ssyncset.done $0x0  }
0xd4: {  	[sflag:s6] =	ssyncadd.s32 $0xFFFFFFFF  }
0xd5: {  	_ =	swait.ge [sflag:s6], $0x1  }
0xd6: {  	[sflag:s6] =	ssyncset.done $0x0  }
0xd7: {  	[sflag:s6] =	ssyncadd.s32 $0xFFFFFFFF  }
0xd8: {  	_ =	swait.ge [sflag:s6], $0x1  }
0xd9: {  	[sflag:s6] =	ssyncset.done $0x0  }
0xda: {  	[sflag:s6] =	ssyncadd.s32 $0xFFFFFFFF  }
0xdb: {  	_ =	swait.ge [sflag:s6], $0x1  }
0xdc: {  	[sflag:s6] =	ssyncset.done $0x0  }
0xdd: {  	[sflag:s6] =	ssyncadd.s32 $0xFFFFFFFF  }
0xde: {  	_ =	swait.ge [sflag:s6], $0x1  }
0xdf: {  	[sflag:s6] =	ssyncset.done $0x0  }
0xe0: {  	[sflag:s6] =	ssyncadd.s32 $0xFFFFFFFF  }
0xe1: {  	_ =	swait.ge [sflag:s6], $0x1  }
0xe2: {  	[sflag:s6] =	ssyncset.done $0x0  }
0xe3: {  	[sflag:s6] =	ssyncadd.s32 $0xFFFFFFFF  }
0xe4: {  	_ =	swait.ge [sflag:s6], $0x1  }
0xe5: {  	[sflag:s6] =	ssyncset.done $0x0  }
0xe6: {  	[sflag:s6] =	ssyncadd.s32 $0xFFFFFFFF  }
0xe7: {  	_ =	swait.ge [sflag:s6], $0x1  }
0xe8: {  	[sflag:s6] =	ssyncset.done $0x0  }
0xe9: {  	[sflag:s6] =	ssyncadd.s32 $0xFFFFFFFF  }
0xea: {  	_ =	swait.ge [sflag:s6], $0x1  }
0xeb: {  	[sflag:s6] =	ssyncset.done $0x0  }
0xec: {  	[sflag:s6] =	ssyncadd.s32 $0xFFFFFFFF  }
0xed: {  	_ =	swait.ge [sflag:s6], $0x1  }
0xee: {  	[sflag:s6] =	ssyncset.done $0x0  }
0xef: {  	[sflag:s6] =	ssyncadd.s32 $0xFFFFFFFF  }
0xf0: {  	_ =	swait.ge [sflag:s6], $0x1  }
0xf1: {  	s29 =	sld [smem:$0x7D4]  }
0xf2: {  	s30 =	sld [smem:$0x7F6]  }
0xf3: {  	s31 =	sld [smem:$0x7D5]  }
0xf4: {  	s16 =	sld [smem:$0x7D6]  }
0xf5: {  	s17 =	sld [smem:$0x7F7]  }
0xf6: {  	s18 =	sld [smem:$0x7D7]  }
0xf7: {  	s19 =	sld [smem:$0x7F8]  }
0xf8: {  	[sflag:s6] =	ssyncset.done $0x0;
	s20 =	sld [smem:$0x7D8]  }
0xf9: {  	s21 =	sld [smem:$0x7F9];
	[sflag:s6] =	ssyncadd.s32 $0xFFFFFFFF  }
0xfa: {  	[tilespmem:s30], [sflag:$0x3] =	stream.linear.gather [hbm4b:s29+s0], $0x80, $0x38;
	[tilespmem:$0x15B00] =	vst v63  }
0xfb: {  	s22 =	sld [smem:$0x7D9]  }
0xfc: {  	[tilespmem:s0], [sflag:$0x1] =	stream.strided.gather [hbm4b:s31+s7], $0x4000, s8, s7, $0x38;
	[tilespmem:$0x15B00] =	vst v63  }
0xfd: {  	s23 =	sld [smem:$0x7FA]  }
0xfe: {  	[tilespmem:s17], [sflag:$0x3] =	stream.linear.gather [hbm4b:s16+s0], $0x80, $0x38;
	[tilespmem:$0x15B00] =	vst v63  }
0xff: {  	s24 =	sld [smem:$0x7DA]  }
0x100: {  	[tilespmem:s19], [sflag:$0x1] =	stream.strided.gather [hbm4b:s18+s7], $0x4000, s8, s7, $0x38;
	[tilespmem:$0x15B00] =	vst v63  }
0x101: {  	s25 =	sld [smem:$0x7FB]  }
0x102: {  	[tilespmem:s21], [sflag:$0x3] =	stream.linear.gather [hbm4b:s20+s0], $0x80, $0x38;
	[tilespmem:$0x15B00] =	vst v63  }
0x103: {  	s26 =	sld [smem:$0x7DB]  }
0x104: {  	[tilespmem:s23], [sflag:$0x1] =	stream.strided.gather [hbm4b:s22+s7], $0x4000, s8, s7, $0x38;
	[tilespmem:$0x15B00] =	vst v63  }
0x105: {  	s28 =	sld [smem:$0x7FC]  }
0x106: {  	[tilespmem:s25], [sflag:$0x3] =	stream.linear.gather [hbm4b:s24+s0], $0x80, $0x38;
	[tilespmem:$0x15B00] =	vst v63  }
0x107: {  	s14 =	sld [smem:$0x7DC]  }
0x108: {  	[tilespmem:s28], [sflag:$0x1] =	stream.strided.gather [hbm4b:s26+s7], $0x4000, s8, s7, $0x38;
	[tilespmem:$0x15B00] =	vst v63  }
0x109: {  	s13 =	simm.s32 @!p0 $0x14200;
	s15 =	simm.s32 @!p0 $0x0;
	s16 =	sld [smem:$0x7DD]  }
0x10a: {  	[tilespmem:s13], [sflag:$0x3] =	stream.linear.gather @!p0 [hbm4b:s14+s15], $0x80, $0x38;
	[tilespmem:$0x15B00] =	vst v63  }
0x10b: {  	s17 =	simm.s32 @!p0 $0x400;
	s18 =	simm.s32 @!p0 $0x800;
	s14 =	simm.s32 @!p0 $0x10000  }
0x10c: {  	[tilespmem:s14], [sflag:$0x1] =	stream.strided.gather @!p0 [hbm4b:s16+s17], $0x4000, s18, s17, $0x38;
	[tilespmem:$0x15B00] =	vst v63  }
0x10d: {  	[tilespmem:$0x14E80] =	vst v0  }
0x10e: {  	[tilespmem:$0x14E90] =	vst v0  }
0x10f: {  	[tilespmem:$0x14EA0] =	vst v0  }
0x110: {  	[tilespmem:$0x14EB0] =	vst v0  }
0x111: {  	[tilespmem:$0x14EC0] =	vst v0  }
0x112: {  	[tilespmem:$0x14ED0] =	vst v0  }
0x113: {  	[tilespmem:$0x14EE0] =	vst v0  }
0x114: {  	[tilespmem:$0x14EF0] =	vst v0  }
0x115: {  	[tilespmem:$0x14F00] =	vst v0  }
0x116: {  	[tilespmem:$0x14F10] =	vst v0  }
0x117: {  	[tilespmem:$0x14F20] =	vst v0  }
0x118: {  	[tilespmem:$0x14F30] =	vst v0  }
0x119: {  	[tilespmem:$0x14F40] =	vst v0  }
0x11a: {  	[tilespmem:$0x14F50] =	vst v0  }
0x11b: {  	[tilespmem:$0x14F60] =	vst v0  }
0x11c: {  	[tilespmem:$0x14F70] =	vst v0  }
0x11d: {  	[tilespmem:$0x14F80] =	vst v0  }
0x11e: {  	[tilespmem:$0x14F90] =	vst v0  }
0x11f: {  	[tilespmem:$0x14FA0] =	vst v0  }
0x120: {  	[tilespmem:$0x14FB0] =	vst v0  }
0x121: {  	[tilespmem:$0x14FC0] =	vst v0  }
0x122: {  	[tilespmem:$0x14FD0] =	vst v0  }
0x123: {  	[tilespmem:$0x14FE0] =	vst v0  }
0x124: {  	[tilespmem:$0x14FF0] =	vst v0  }
0x125: {  	[tilespmem:$0x15000] =	vst v0  }
0x126: {  	[tilespmem:$0x15010] =	vst v0  }
0x127: {  	[tilespmem:$0x15020] =	vst v0  }
0x128: {  	[tilespmem:$0x15030] =	vst v0  }
0x129: {  	[tilespmem:$0x15040] =	vst v0  }
0x12a: {  	[tilespmem:$0x15050] =	vst v0  }
0x12b: {  	[tilespmem:$0x15060] =	vst v0  }
0x12c: {  	[tilespmem:$0x15070] =	vst v0  }
0x12d: {  	[spmem:s4] =	stream.linear.scatter [tilespmem:s9], [sflag:$0x4], $0x200, $0x38;
	[tilespmem:$0x15B00] =	vst v63  }
0x12e: {  	_ =	swait.ge [sflag:s6], $0x200  }
0x12f: {  	[sflag:s6] =	ssyncset.done $0x0  }
0x130: {  	[sflag:s6] =	ssyncadd.s32 $0xFFFFFE00  }
0x131: {  	[bflag:$0x0] =	sbarrier.arrive $0xFFFF  }
0x132: {  	_ =	swait.ge [sflag:s10], $0x80  }
0x133: {  	[sflag:s10] =	ssyncset.done $0x0  }
0x134: {  	[sflag:s10] =	ssyncadd.s32 $0xFFFFFF80  }
0x135: {  	_ =	swait.ge [sflag:s10], $0x80  }
0x136: {  	[sflag:s10] =	ssyncset.done $0x0  }
0x137: {  	[sflag:s10] =	ssyncadd.s32 $0xFFFFFF80  }
0x138: {  	_ =	swait.ge [sflag:s10], $0x80  }
0x139: {  	[sflag:s10] =	ssyncset.done $0x0  }
0x13a: {  	[sflag:s10] =	ssyncadd.s32 $0xFFFFFF80  }
0x13b: {  	_ =	swait.ge [sflag:s10], $0x80  }
0x13c: {  	[sflag:s10] =	ssyncset.done $0x0  }
0x13d: {  	s16 =	simm.s32 @!p0 $0x3;
	[sflag:s10] =	ssyncadd.s32 $0xFFFFFF80  }
0x13e: {  	_ =	swait.ge @!p0 [sflag:s16], $0x80  }
0x13f: {  	[sflag:s16] =	ssyncset.done @!p0 $0x0  }
0x140: {  	[sflag:s16] =	ssyncadd.s32 @!p0 $0xFFFFFF80  }
0x141: {  	_ =	swait.ge [sflag:s11], $0x4000  }
0x142: {  	[sflag:s11] =	ssyncset.done $0x0  }
0x143: {  	[sflag:s11] =	ssyncadd.s32 $0xFFFFC000  }
0x144: {  	_ =	swait.ge [sflag:s11], $0x4000  }
0x145: {  	[sflag:s11] =	ssyncset.done $0x0  }
0x146: {  	[sflag:s11] =	ssyncadd.s32 $0xFFFFC000  }
0x147: {  	_ =	swait.ge [sflag:s11], $0x4000  }
0x148: {  	[sflag:s11] =	ssyncset.done $0x0  }
0x149: {  	[sflag:s11] =	ssyncadd.s32 $0xFFFFC000  }
0x14a: {  	_ =	swait.ge [sflag:s11], $0x4000  }
0x14b: {  	s17 =	simm.s32 @p0 $0x14000;
	[sflag:s11] =	ssyncset.done $0x0  }
0x14c: {  	s18 =	simm.s32 @p0 $0x0;
	s16 =	simm.s32 @p0 $0x80;
	[sflag:s11] =	ssyncadd.s32 $0xFFFFC000  }
0x14d: {  	[spmem:s3] =	stream.indirect.scatter.add.f32 @p0 [tilespmem:s18], [sflag:$0x2], $0x80, s17, s16, $0xb8;
	[tilespmem:$0x15B00] =	vst v63  }
0x14e: {  	s17 =	simm.s32 @p0 $0x14080;
	s18 =	simm.s32 @p0 $0x4000  }
0x14f: {  	[spmem:s3] =	stream.indirect.scatter.add.f32 @p0 [tilespmem:s18], [sflag:$0x2], $0x80, s17, s16, $0xb8;
	[tilespmem:$0x15B00] =	vst v63  }
0x150: {  	s17 =	simm.s32 @p0 $0x14100;
	s18 =	simm.s32 @p0 $0x8000  }
0x151: {  	[spmem:s3] =	stream.indirect.scatter.add.f32 @p0 [tilespmem:s18], [sflag:$0x2], $0x80, s17, s16, $0xb8;
	[tilespmem:$0x15B00] =	vst v63  }
0x152: {  	s19 =	sld [smem:$0x7DE];
	s17 =	simm.s32 @p0 $0x14180;
	s18 =	simm.s32 @p0 $0xC000  }
0x153: {  	[spmem:s3] =	stream.indirect.scatter.add.f32 @p0 [tilespmem:s18], [sflag:$0x2], $0x80, s17, s16, $0xb8;
	[tilespmem:$0x15B00] =	vst v63  }
0x154: {  	s16 =	simm.s32 @!p1 $0x0;
	s17 =	simm.s32 @!p1 $0x14C00  }
0x155: {  	[tilespmem:s17], [sflag:$0x4] =	stream.linear.gather @!p1 [hbm4b:s19+s16], $0x10, $0x38;
	[tilespmem:$0x15B00] =	vst v63  }
0x156: {  	s16 =	simm.s32 @!p1 $0x4  }
0x157: {  	_ =	swait.ge @!p1 [sflag:s16], $0x10  }
0x158: {  	s18 =	sld [smem:$0x7DF]  }
0x159: {  	s20 =	simm.s32 @!p1 $0x800;
	[sflag:s16] =	ssyncset.done @!p1 $0x0  }
0x15a: {  	s21 =	simm.s32 @!p1 $0x14400;
	s19 =	simm.s32 @!p1 $0x400;
	[sflag:s16] =	ssyncadd.s32 @!p1 $0xFFFFFFF0  }
0x15b: {  	[tilespmem:s21], [sflag:$0x4] =	stream.strided.gather @!p1 [hbm4b:s18+s19], $0x800, s20, s19, $0x38;
	[tilespmem:$0x15B00] =	vst v63  }
0x15c: {  	_ =	swait.ge @!p1 [sflag:s16], $0x800  }
0x15d: {  	[sflag:s16] =	ssyncset.done @!p1 $0x0  }
0x15e: {  	s18 =	simm.s32 @!p1 $0x10;
	[sflag:s16] =	ssyncadd.s32 @!p1 $0xFFFFF800  }
0x15f: {  	[spmem:s3] =	stream.indirect.scatter.add.f32 @!p1 [tilespmem:s21], [sflag:$0x4], $0x80, s17, s18, $0xb8;
	[tilespmem:$0x15B00] =	vst v63  }
0x160: {  	_ =	swait.ge @!p1 [sflag:s16], $0x800  }
0x161: {  	[sflag:s16] =	ssyncset.done @!p1 $0x0  }
0x162: {  	[sflag:s16] =	ssyncadd.s32 @!p1 $0xFFFFF800;
	s16 =	simm.s32 @!p0 $0x1  }
0x163: {  	_ =	swait.ge @!p0 [sflag:s16], $0x4000  }
0x164: {  	[sflag:s16] =	ssyncset.done @!p0 $0x0  }
0x165: {  	s17 =	simm.s32 @!p0 $0x14000;
	[sflag:s16] =	ssyncadd.s32 @!p0 $0xFFFFC000;
	s16 =	simm.s32 @!p0 $0x80  }
0x166: {  	[spmem:s3] =	stream.indirect.scatter.add.f32 @!p0 [tilespmem:s15], [sflag:$0x2], $0x80, s17, s16, $0xb8;
	[tilespmem:$0x15B00] =	vst v63  }
0x167: {  	s15 =	simm.s32 @!p0 $0x14080;
	s17 =	simm.s32 @!p0 $0x4000  }
0x168: {  	[spmem:s3] =	stream.indirect.scatter.add.f32 @!p0 [tilespmem:s17], [sflag:$0x2], $0x80, s15, s16, $0xb8;
	[tilespmem:$0x15B00] =	vst v63  }
0x169: {  	s15 =	simm.s32 @!p0 $0x14100;
	s17 =	simm.s32 @!p0 $0x8000  }
0x16a: {  	[spmem:s3] =	stream.indirect.scatter.add.f32 @!p0 [tilespmem:s17], [sflag:$0x2], $0x80, s15, s16, $0xb8;
	[tilespmem:$0x15B00] =	vst v63  }
0x16b: {  	s15 =	simm.s32 @!p0 $0x14180;
	s17 =	simm.s32 @!p0 $0xC000  }
0x16c: {  	[spmem:s3] =	stream.indirect.scatter.add.f32 @!p0 [tilespmem:s17], [sflag:$0x2], $0x80, s15, s16, $0xb8;
	[tilespmem:$0x15B00] =	vst v63  }
0x16d: {  	_ = 	snop  }
0x16e: {  	[spmem:s3] =	stream.indirect.scatter.add.f32 @!p0 [tilespmem:s14], [sflag:$0x2], $0x80, s13, s16, $0xb8;
	[tilespmem:$0x15B00] =	vst v63  }
0x16f: {  	_ =	swait.ge [sflag:s12], $0x4000  }
0x170: {  	[sflag:s12] =	ssyncset.done $0x0  }
0x171: {  	[sflag:s12] =	ssyncadd.s32 $0xFFFFC000  }
0x172: {  	_ =	swait.ge [sflag:s12], $0x4000  }
0x173: {  	[sflag:s12] =	ssyncset.done $0x0  }
0x174: {  	[sflag:s12] =	ssyncadd.s32 $0xFFFFC000  }
0x175: {  	_ =	swait.ge [sflag:s12], $0x4000  }
0x176: {  	[sflag:s12] =	ssyncset.done $0x0  }
0x177: {  	[sflag:s12] =	ssyncadd.s32 $0xFFFFC000  }
0x178: {  	_ =	swait.ge [sflag:s12], $0x4000  }
0x179: {  	[sflag:s12] =	ssyncset.done $0x0  }
0x17a: {  	s13 =	simm.s32 @!p0 $0x2;
	[sflag:s12] =	ssyncadd.s32 $0xFFFFC000  }
0x17b: {  	_ =	swait.ge @!p0 [sflag:s13], $0x4000  }
0x17c: {  	[sflag:s13] =	ssyncset.done @!p0 $0x0  }
0x17d: {  	[sflag:s13] =	ssyncadd.s32 @!p0 $0xFFFFC000  }
0x17e: {  	[bflag:$0x0] =	sbarrier.arrive $0xFFFF  }
0x17f: {  	s29 =	sld [smem:$0x7E0]  }
0x180: {  	s30 =	sld [smem:$0x7FD];
	_ =	sdelay $0x2  }
0x181: {  	[tilespmem:s30], [sflag:$0x4] =	stream.linear.gather [hbm4b:s29+s0], $0x80, $0x38;
	[tilespmem:$0x15B00] =	vst v63  }
0x182: {  	_ =	swait.ge [sflag:s6], $0x80  }
0x183: {  	[sflag:s6] =	ssyncset.done $0x0  }
0x184: {  	[sflag:s6] =	ssyncadd.s32 $0xFFFFFF80  }
0x185: {  	v1 =	vld [tilespmem:$0x15080];
	_ =	sdelay $0x4  }
0x186: {  	v1 =	vsub.f32 $0.0e+00, v1;
	_ =	sdelay $0x1  }
0x187: {  	v1 =	vmul.f32 $1.442695020e+00, v1;
	_ =	sdelay $0x1  }
0x188: {  	(erf) = vpow2.f32 v1;
	_ =	sdelay $0x3  }
0x189: {  	v1 =	vld [tilespmem:$0x15090];
	_ =	sdelay $0x4  }
0x18a: {  	v1 =	vsub.f32 $0.0e+00, v1;
	v2 =	vpop (erf)  }
0x18b: {  	v2 =	vadd.f32 $1.000000000e+00, v2  }
0x18c: {  	v1 =	vmul.f32 $1.442695020e+00, v1  }
0x18d: {  	(erf) = vrcp.f32 v2  }
0x18e: {  	(erf) = vpow2.f32 v1;
	_ =	sdelay $0x3  }
0x18f: {  	v1 =	vld [tilespmem:$0x150A0];
	_ =	sdelay $0x3  }
0x190: {  	v2 =	vpop (erf)  }
0x191: {  	v1 =	vsub.f32 $0.0e+00, v1;
	v3 =	vpop (erf)  }
0x192: {  	v3 =	vadd.f32 $1.000000000e+00, v3  }
0x193: {  	v1 =	vmul.f32 $1.442695020e+00, v1  }
0x194: {  	(erf) = vrcp.f32 v3  }
0x195: {  	(erf) = vpow2.f32 v1;
	_ =	sdelay $0x3  }
0x196: {  	v1 =	vld [tilespmem:$0x150B0];
	_ =	sdelay $0x3  }
0x197: {  	v3 =	vpop (erf)  }
0x198: {  	v1 =	vsub.f32 $0.0e+00, v1;
	v4 =	vpop (erf)  }
0x199: {  	v4 =	vadd.f32 $1.000000000e+00, v4  }
0x19a: {  	v1 =	vmul.f32 $1.442695020e+00, v1  }
0x19b: {  	(erf) = vrcp.f32 v4  }
0x19c: {  	(erf) = vpow2.f32 v1;
	_ =	sdelay $0x3  }
0x19d: {  	v1 =	vld [tilespmem:$0x150C0];
	_ =	sdelay $0x3  }
0x19e: {  	v4 =	vpop (erf)  }
0x19f: {  	v1 =	vsub.f32 $0.0e+00, v1;
	v5 =	vpop (erf)  }
0x1a0: {  	v5 =	vadd.f32 $1.000000000e+00, v5  }
0x1a1: {  	v1 =	vmul.f32 $1.442695020e+00, v1  }
0x1a2: {  	(erf) = vrcp.f32 v5  }
0x1a3: {  	(erf) = vpow2.f32 v1;
	_ =	sdelay $0x3  }
0x1a4: {  	v1 =	vld [tilespmem:$0x150D0];
	_ =	sdelay $0x3  }
0x1a5: {  	v5 =	vpop (erf)  }
0x1a6: {  	v1 =	vsub.f32 $0.0e+00, v1;
	v6 =	vpop (erf)  }
0x1a7: {  	v6 =	vadd.f32 $1.000000000e+00, v6  }
0x1a8: {  	v1 =	vmul.f32 $1.442695020e+00, v1  }
0x1a9: {  	(erf) = vrcp.f32 v6  }
0x1aa: {  	(erf) = vpow2.f32 v1;
	_ =	sdelay $0x3  }
0x1ab: {  	v1 =	vld [tilespmem:$0x150E0];
	_ =	sdelay $0x3  }
0x1ac: {  	v6 =	vpop (erf)  }
0x1ad: {  	v1 =	vsub.f32 $0.0e+00, v1;
	v7 =	vpop (erf)  }
0x1ae: {  	v7 =	vadd.f32 $1.000000000e+00, v7  }
0x1af: {  	v1 =	vmul.f32 $1.442695020e+00, v1  }
0x1b0: {  	(erf) = vrcp.f32 v7  }
0x1b1: {  	(erf) = vpow2.f32 v1;
	_ =	sdelay $0x3  }
0x1b2: {  	v1 =	vld [tilespmem:$0x150F0];
	_ =	sdelay $0x3  }
0x1b3: {  	v7 =	vpop (erf)  }
0x1b4: {  	v1 =	vsub.f32 $0.0e+00, v1;
	v8 =	vpop (erf)  }
0x1b5: {  	v8 =	vadd.f32 $1.000000000e+00, v8  }
0x1b6: {  	v1 =	vmul.f32 $1.442695020e+00, v1  }
0x1b7: {  	(erf) = vrcp.f32 v8  }
0x1b8: {  	(erf) = vpow2.f32 v1;
	_ =	sdelay $0x7  }
0x1b9: {  	v1 =	vpop (erf)  }
0x1ba: {  	v58 =	vpop (erf)  }
0x1bb: {  	v8 =	vadd.f32 $1.000000000e+00, v58;
	_ =	sdelay $0x1  }
0x1bc: {  	(erf) = vrcp.f32 v8;
	_ =	sdelay $0x2  }
0x1bd: {  	[tilespmem:$0x15080] =	vst v2  }
0x1be: {  	[tilespmem:$0x15090] =	vst v3  }
0x1bf: {  	[tilespmem:$0x150A0] =	vst v4  }
0x1c0: {  	[tilespmem:$0x150B0] =	vst v5  }
0x1c1: {  	[tilespmem:$0x150C0] =	vst v6  }
0x1c2: {  	[tilespmem:$0x150D0] =	vst v7  }
0x1c3: {  	[tilespmem:$0x150E0] =	vst v1;
	v1 =	vpop (erf)  }
0x1c4: {  	[tilespmem:$0x150F0] =	vst v1  }
0x1c5: {  	[tilespmem:s9], [sflag:$0x4] =	stream.linear.gather [spmem:s4], $0x200, $0x38;
	[tilespmem:$0x15B00] =	vst v63  }
0x1c6: {  	_ =	swait.ge [sflag:s6], $0x200  }
0x1c7: {  	[sflag:s6] =	ssyncset.done $0x0  }
0x1c8: {  	[sflag:s6] =	ssyncadd.s32 $0xFFFFFE00  }
0x1c9: {  	v1 =	vld [tilespmem:$0x14E80]  }
0x1ca: {  	v2 =	vld [tilespmem:$0x15080]  }
0x1cb: {  	v3 =	vld [tilespmem:$0x14E90]  }
0x1cc: {  	v59 =	vld [tilespmem:$0x15090]  }
0x1cd: {  	v60 =	vld [tilespmem:$0x14EA0]  }
0x1ce: {  	v61 =	vld [tilespmem:$0x150A0]  }
0x1cf: {  	v62 =	vld [tilespmem:$0x14EB0]  }
0x1d0: {  	v63 =	vld [tilespmem:$0x150B0]  }
0x1d1: {  	v9 =	vld [tilespmem:$0x14EC0]  }
0x1d2: {  	v10 =	vld [tilespmem:$0x150C0]  }
0x1d3: {  	v11 =	vld [tilespmem:$0x14ED0]  }
0x1d4: {  	v12 =	vld [tilespmem:$0x150D0]  }
0x1d5: {  	v13 =	vld [tilespmem:$0x14EE0]  }
0x1d6: {  	v14 =	vld [tilespmem:$0x150E0]  }
0x1d7: {  	v15 =	vld [tilespmem:$0x14EF0]  }
0x1d8: {  	v16 =	vld [tilespmem:$0x150F0]  }
0x1d9: {  	v17 =	vld [tilespmem:$0x14F00]  }
0x1da: {  	v18 =	vld [tilespmem:$0x15080]  }
0x1db: {  	v19 =	vld [tilespmem:$0x14F10]  }
0x1dc: {  	v20 =	vld [tilespmem:$0x15090]  }
0x1dd: {  	v21 =	vld [tilespmem:$0x14F20]  }
0x1de: {  	v22 =	vld [tilespmem:$0x150A0]  }
0x1df: {  	v23 =	vld [tilespmem:$0x14F30]  }
0x1e0: {  	v24 =	vld [tilespmem:$0x150B0]  }
0x1e1: {  	v25 =	vld [tilespmem:$0x14F40]  }
0x1e2: {  	v26 =	vld [tilespmem:$0x150C0]  }
0x1e3: {  	v27 =	vld [tilespmem:$0x14F50]  }
0x1e4: {  	v28 =	vld [tilespmem:$0x150D0]  }
0x1e5: {  	v29 =	vld [tilespmem:$0x14F60]  }
0x1e6: {  	v30 =	vld [tilespmem:$0x150E0]  }
0x1e7: {  	v31 =	vld [tilespmem:$0x14F70]  }
0x1e8: {  	v32 =	vld [tilespmem:$0x150F0]  }
0x1e9: {  	v33 =	vld [tilespmem:$0x14F80]  }
0x1ea: {  	v34 =	vld [tilespmem:$0x15080]  }
0x1eb: {  	v35 =	vld [tilespmem:$0x14F90]  }
0x1ec: {  	v36 =	vld [tilespmem:$0x15090]  }
0x1ed: {  	v37 =	vld [tilespmem:$0x14FA0]  }
0x1ee: {  	v39 =	vld [tilespmem:$0x14FB0];
	v1 =	vmul.f32 v2, v1  }
0x1ef: {  	v40 =	vld [tilespmem:$0x150B0];
	v3 =	vmul.f32 v59, v3  }
0x1f0: {  	v41 =	vld [tilespmem:$0x14FC0];
	[tilespmem:$0x14E80] =	vst v1;
	v1 =	vmul.f32 v61, v60  }
0x1f1: {  	v42 =	vld [tilespmem:$0x150C0];
	[tilespmem:$0x14E90] =	vst v3;
	v3 =	vmul.f32 v63, v62  }
0x1f2: {  	v43 =	vld [tilespmem:$0x14FD0];
	[tilespmem:$0x14EA0] =	vst v1;
	v1 =	vmul.f32 v10, v9  }
0x1f3: {  	v44 =	vld [tilespmem:$0x150D0];
	[tilespmem:$0x14EB0] =	vst v3;
	v3 =	vmul.f32 v12, v11  }
0x1f4: {  	v45 =	vld [tilespmem:$0x14FE0];
	[tilespmem:$0x14EC0] =	vst v1;
	v1 =	vmul.f32 v14, v13  }
0x1f5: {  	v46 =	vld [tilespmem:$0x150E0];
	[tilespmem:$0x14ED0] =	vst v3;
	v3 =	vmul.f32 v16, v15  }
0x1f6: {  	v47 =	vld [tilespmem:$0x14FF0];
	[tilespmem:$0x14EE0] =	vst v1;
	v1 =	vmul.f32 v18, v17  }
0x1f7: {  	v48 =	vld [tilespmem:$0x150F0];
	[tilespmem:$0x14EF0] =	vst v3;
	v3 =	vmul.f32 v20, v19  }
0x1f8: {  	v49 =	vld [tilespmem:$0x15000];
	[tilespmem:$0x14F00] =	vst v1;
	v1 =	vmul.f32 v22, v21  }
0x1f9: {  	v50 =	vld [tilespmem:$0x15080];
	[tilespmem:$0x14F10] =	vst v3;
	v3 =	vmul.f32 v24, v23  }
0x1fa: {  	v51 =	vld [tilespmem:$0x15010];
	[tilespmem:$0x14F20] =	vst v1;
	v1 =	vmul.f32 v26, v25  }
0x1fb: {  	v2 =	vld [tilespmem:$0x150A0];
	[tilespmem:$0x14F30] =	vst v3;
	v3 =	vmul.f32 v28, v27  }
0x1fc: {  	v52 =	vld [tilespmem:$0x15090];
	[tilespmem:$0x14F40] =	vst v1;
	v1 =	vmul.f32 v30, v29  }
0x1fd: {  	v53 =	vld [tilespmem:$0x15020];
	[tilespmem:$0x14F50] =	vst v3;
	v3 =	vmul.f32 v32, v31  }
0x1fe: {  	v54 =	vld [tilespmem:$0x150A0];
	[tilespmem:$0x14F60] =	vst v1;
	v1 =	vmul.f32 v34, v33  }
0x1ff: {  	v55 =	vld [tilespmem:$0x15030];
	[tilespmem:$0x14F70] =	vst v3;
	v3 =	vmul.f32 v36, v35  }
0x200: {  	v56 =	vld [tilespmem:$0x15040];
	[tilespmem:$0x14F80] =	vst v1;
	v1 =	vmul.f32 v2, v37  }
0x201: {  	v2 =	vld [tilespmem:$0x150B0];
	[tilespmem:$0x14F90] =	vst v3;
	v3 =	vmul.f32 v40, v39  }
0x202: {  	v57 =	vld [tilespmem:$0x150C0];
	[tilespmem:$0x14FA0] =	vst v1;
	v1 =	vmul.f32 v42, v41  }
0x203: {  	v58 =	vld [tilespmem:$0x15050];
	[tilespmem:$0x14FB0] =	vst v3;
	v3 =	vmul.f32 v44, v43  }
0x204: {  	v59 =	vld [tilespmem:$0x150D0];
	[tilespmem:$0x14FC0] =	vst v1;
	v1 =	vmul.f32 v46, v45  }
0x205: {  	v60 =	vld [tilespmem:$0x15060];
	[tilespmem:$0x14FD0] =	vst v3;
	v3 =	vmul.f32 v48, v47  }
0x206: {  	v62 =	vld [tilespmem:$0x15070];
	v2 =	vmul.f32 v2, v55;
	[tilespmem:$0x14FE0] =	vst v1  }
0x207: {  	v63 =	vld [tilespmem:$0x150F0];
	v1 =	vmul.f32 v50, v49;
	[tilespmem:$0x14FF0] =	vst v3  }
0x208: {  	v61 =	vld [tilespmem:$0x150E0];
	v3 =	vmul.f32 v52, v51;
	[tilespmem:$0x15030] =	vst v2  }
0x209: {  	[tilespmem:$0x15000] =	vst v1;
	v1 =	vmul.f32 v54, v53  }
0x20a: {  	v2 =	vmul.f32 v59, v58;
	[tilespmem:$0x15010] =	vst v3  }
0x20b: {  	[tilespmem:$0x15020] =	vst v1;
	v1 =	vmul.f32 v57, v56  }
0x20c: {  	[tilespmem:$0x15050] =	vst v2;
	v2 =	vmul.f32 v63, v62  }
0x20d: {  	s5 =	sadd.s32 $0xFFFFFFFF, s5;
	s31 =	sld [smem:$0x7E1];
	[tilespmem:$0x15040] =	vst v1;
	v1 =	vmul.f32 v61, v60  }
0x20e: {  	p2 =	sne.s32 s5, $0x0;
	[tilespmem:$0x15070] =	vst v2  }
.Ltmp0:
0x20f: {  	[tilespmem:$0x15060] =	vst v1;
	(pc) =	sbr.rel @p2 .LBB3_1-.Ltmp0, $4  }
0x210: {  	[hbm4b:s31+s0] =	stream.linear.scatter [tilespmem:s9], [sflag:$0x4], $0x200, $0x38;
	[tilespmem:$0x15B00] =	vst v63  }
0x211: {  	_ =	swait.ge [sflag:s6], $0x200  }
0x212: {  	[sflag:s6] =	ssyncset.done $0x0  }
0x213: {  	[sflag:s6] =	ssyncadd.s32 $0xFFFFFE00  }
0x214: {  	_ =	sfence.sel $0x180000  }
0x215: {  	[bflag:$0x0] =	sbarrier.arrive $0xFFFF  }
0x216: {  	p0 =	sne.s32 s1, $0x0;
	_ =	strace $0x90000047  }
0x217: {  	s0 =	sadd.s32 @!p0 $0x100000, s2;
	[bflag:$0x2] =	sbarrier.arrive $0xFFFF  }
0x218: {  	[sflag:s0] =	ssyncadd.tile.s32 @!p0 $0x1;
	_ =	shalt  }
.Lfunc_end3:
_tile_overlayer_lowered:
.L_overlay_start_3:
0x219: {  	(tag) =	ssettag $0x3  }
0x21a: {  	s0 =	rddreg [dreg:$0x0];
	s2 =	stileid.u32  }
0x21b: {  	s1 =	rddreg [dreg:$0x1];
	p0 =	sne.s32 s2, $0x0  }
0x21c: {  	s3 =	rddreg [dreg:$0x2];
	[bflag:$0x3] =	sbarrier.arrive $0xFFFF;
	s2 =	simm.s32 @!p0 $0x1C04  }
0x21d: {  	[timem:s3], [sflag:s2] =	dma.local @!p0 [hbm:s0], s1  }
0x21e: {  	s0 =	simm.s32 @!p0 $0x4  }
0x21f: {  	_ =	swait.ge @!p0 [sflag:s0], s1  }
0x220: {  	s1 =	ssub.s32 @!p0 $0x0, s1;
	[sflag:s0] =	ssyncset.done @!p0 $0x0  }
0x221: {  	[sflag:s0] =	ssyncadd.s32 @!p0 s1  }
0x222: {  	[bflag:$0x3] =	sbarrier.arrive $0xFFFF  }
0x223: {  	_ =	shalt  }

</sc_bundles>
